<compile_context>
chip_gen: v7x
topology: tpu7x:2x2x1
jax: 0.10.2.dev20260603
libtpu: 0.0.44.dev20260713+nightly
codegen_flags: <defaults>
</compile_context>

<pallas_src>
import functools

import jax
import jax.numpy as jnp
from jax import lax
from jax.experimental import pallas as pl
from jax.experimental.pallas import tpu as pltpu
from jax.experimental.pallas import tpu_sc as plsc

_D = 768
_MAX_REL = 32
_S = 512
_AROWS = 144

_SHARED_ROUTE = {
    0: {5: "l", 6: "l", 7: "l", 9: "l", 11: "l", 13: "l", 14: "l", 15: "l"},
    1: {0: "h", 1: "h", 2: "h", 9: "l", 10: "l", 11: "l", 13: "l", 15: "l"},
    2: {0: "h", 1: "h", 2: "h", 4: "h", 6: "h", 13: "l", 14: "l", 15: "l"},
    3: {0: "h", 1: "h", 2: "h", 3: "h", 4: "h", 6: "h", 8: "h", 10: "h"},
}


def _clip_idx(p):
    return jnp.clip(511 - p, -_MAX_REL, _MAX_REL) + _MAX_REL


def _rpe_sc_kernel(table_hbm, out_hbm, idx_v, arena_v, c64_sh, c0_sh,
                   gsem, osem):
    nc = 2
    cid = lax.axis_index("c")
    sid = lax.axis_index("s")
    lane = lax.iota(jnp.int32, 16)
    wid = sid * nc + cid
    r = wid & 7
    q = lax.shift_right_logical(wid, 3)

    for u in range(_AROWS // 16):
        idx_v[pl.ds(0, 16)] = _clip_idx(440 + r + 16 * u + lane)
        pltpu.async_copy(
            table_hbm.at[idx_v], arena_v.at[pl.ds(16 * u, 16)], gsem
        ).wait()

    @pl.when(sid == 0)
    def _():
        for v in range(4):
            pltpu.sync_copy(
                arena_v.at[pl.ds(0, 32)], c64_sh.at[pl.ds(32 * v, 32)]
            )

    @pl.when(sid == 1)
    def _():
        for v in range(4):
            pltpu.sync_copy(
                arena_v.at[pl.ds(104, 32)], c0_sh.at[pl.ds(32 * v, 32)]
            )

    plsc.subcore_barrier()

    def fire(i, t, cq):
        s = 511 - i
        a = lax.shift_right_arithmetic(s, 3)
        for e in range(16):
            dst = out_hbm.at[i, pl.ds(32 * e, 32)]
            route = _SHARED_ROUTE[cq].get(e)
            if route is None:
                w0 = s + 32 * e
                g = jnp.where(
                    w0 >= 544, 13, jnp.where(w0 <= 448, 0, a + 4 * e - 55)
                )
                src = arena_v.at[pl.ds(8 * g, 32)]
            else:
                v = (wid + t + e) & 3
                blk = c64_sh if route == "h" else c0_sh
                src = blk.at[pl.ds(32 * v, 32)]
            pltpu.async_copy(src, dst, osem)

    def drain_slab(i):
        pltpu.make_async_copy(out_hbm.at[i], out_hbm.at[i], osem).wait()

    for cq in range(4):
        @pl.when(q == cq)
        def _(cq=cq):
            def slab_i(t):
                return 128 * cq + 8 * t + 7 - r

            def body(t, carry):
                fire(slab_i(t), t, cq)

                @pl.when(t >= 2)
                def _():
                    drain_slab(slab_i(t - 2))

                return carry

            lax.fori_loop(0, 16, body, 0)
            drain_slab(slab_i(14))
            drain_slab(slab_i(15))


def kernel(table, seq_len):
    del seq_len
    mesh = plsc.VectorSubcoreMesh(core_axis_name="c", subcore_axis_name="s")
    k = functools.partial(
        pl.kernel,
        mesh=mesh,
        out_type=jax.ShapeDtypeStruct((_S, _S, _D), jnp.float32),
        scratch_types=[
            pltpu.VMEM((16,), jnp.int32),
            pltpu.VMEM((_AROWS, _D), jnp.float32),
            pltpu.VMEM_SHARED((128, _D), jnp.float32),
            pltpu.VMEM_SHARED((128, _D), jnp.float32),
            pltpu.SemaphoreType.DMA,
            pltpu.SemaphoreType.DMA,
        ],
    )(_rpe_sc_kernel)
    return k(table)

# --- scband reference (transcript-rebuilt; emitter-appended) ---
"""Pipeline reference for scband-relative-positional-encoding-18511309045830 (READ-ONLY COPY).

The authoritative reference and input builder live on the scoring server;
editing this copy changes nothing except your own understanding.
"""

import jax, jax.numpy as jnp
import numpy as np

D_MODEL = 768
MAX_REL = 32
NUM_EMB = 2 * MAX_REL + 1


def setup_inputs(seed: int = 0) -> dict:
    key = jax.random.key(seed)
    table = jax.random.normal(key, (NUM_EMB, D_MODEL), dtype=jnp.float32)
    return {"table": table, "seq_len": 512}


def reference(table, seq_len):
    positions = jnp.arange(512) + (seq_len - seq_len)
    relative_positions = positions[:, None] - positions[None, :]
    relative_positions = jnp.clip(relative_positions, -MAX_REL, MAX_REL)
    relative_positions = relative_positions + MAX_REL
    rel_embeddings = jnp.take(table, relative_positions, axis=0)
    return rel_embeddings

if __name__ == "__main__":
    import jax
    _d = setup_inputs()
    print(jax.jit(kernel)(*tuple(_d.values())))

</pallas_src>

<mosaic_0001>
#map = affine_map<(d0, d1) -> (0, 0)>
#map1 = affine_map<(d0, d1) -> (0, 0, 0)>
module attributes {stable_mosaic.version = 14 : i64} {
  func.func @_rpe_sc_kernel(%arg0: i32, %arg1: i32, %arg2: memref<65x768xf32, #tpu.memory_space<hbm>>, %arg3: memref<512x512x768xf32, #tpu.memory_space<hbm>>, %arg4: memref<16xi32, #tpu.memory_space<vmem>>, %arg5: memref<144x768xf32, #tpu.memory_space<vmem>>, %arg6: memref<128x768xf32, #tpu.memory_space<vmem_shared>>, %arg7: memref<128x768xf32, #tpu.memory_space<vmem_shared>>, %arg8: memref<!tpu.dma_semaphore, #tpu.memory_space<semaphore_mem>>, %arg9: memref<!tpu.dma_semaphore, #tpu.memory_space<semaphore_mem>>) attributes {dimension_semantics = [#tpu.dimension_semantics<core_parallel>, #tpu.dimension_semantics<subcore_parallel>], iteration_bounds = array<i64: 2, 16>, scalar_prefetch = 0 : i64, scratch_operands = 6 : i64, tpu.core_type = #tpu.core_type<sc_vector_subcore>, window_params = [{transform_indices = #map}, {transform_indices = #map1}]} {
    %iota3A = tpu.iota {dimensions = array<i32: 0>} : vector<16xi32>
    %mul3A = arith.constant 2 : i32
    %mul3A_0 = arith.muli %arg1, %mul3A : i32
    %add3A = arith.addi %mul3A_0, %arg0 : i32
    %and3A = arith.constant 7 : i32
    %and3A_1 = arith.andi %add3A, %and3A : i32
    %shift_right_logical3A = arith.constant 3 : i32
    %shift_right_logical3A_2 = arith.shrui %add3A, %shift_right_logical3A : i32
    %add3A_3 = arith.constant 440 : i32
    %add3A_4 = arith.addi %add3A_3, %and3A_1 : i32
    %add3A_5 = arith.constant 0 : i32
    %add3A_6 = arith.addi %add3A_4, %add3A_5 : i32
    %add3A_7 = vector.broadcast %add3A_6 : i32 to vector<16xi32>
    %add3A_8 = arith.addi %add3A_7, %iota3A : vector<16xi32>
    %sub3A = arith.constant 511 : i32
    %sub3A_9 = vector.broadcast %sub3A : i32 to vector<16xi32>
    %sub3A_10 = arith.subi %sub3A_9, %add3A_8 : vector<16xi32>
    %jit3A = arith.constant -32 : i32
    %jit3A_11 = arith.constant 32 : i32
    %max3A = vector.broadcast %jit3A : i32 to vector<16xi32>
    %max3A_12 = arith.maxsi %max3A, %sub3A_10 : vector<16xi32>
    %min3A = vector.broadcast %jit3A_11 : i32 to vector<16xi32>
    %min3A_13 = arith.minsi %min3A, %max3A_12 : vector<16xi32>
    %add3A_14 = arith.constant 32 : i32
    %add3A_15 = vector.broadcast %add3A_14 : i32 to vector<16xi32>
    %add3A_16 = arith.addi %min3A_13, %add3A_15 : vector<16xi32>
    %swap3A = arith.constant 0 : index
    %swap3A_17 = tpu.vector_load %arg4[%swap3A] {strides = array<i32>} : memref<16xi32, #tpu.memory_space<vmem>>, vector<16xi32>,
    %swap3A_18 = vector.shape_cast %swap3A_17 : vector<16xi32> to vector<16xi32>
    %swap3A_19 = vector.shape_cast %add3A_16 : vector<16xi32> to vector<16xi32>
    tpu.vector_store %arg4[%swap3A], %swap3A_19 {strides = array<i32>} : memref<16xi32, #tpu.memory_space<vmem>>, vector<16xi32>,
    %dma_start3A = arith.constant 0 : i32
    %dma_start3A_20 = arith.constant 0 : i32
    %dma_start3A_21 = tpu.memref_slice %arg5[%dma_start3A, %dma_start3A_20] : memref<144x768xf32, #tpu.memory_space<vmem>> -> memref<16x768xf32, #tpu.memory_space<vmem>>
    %dma_start3A_22 = arith.constant 0 : i32
    %dma_start3A_23 = arith.constant 0 : i32
    %dma_start3A_24 = tpu.memref_slice %arg2[%dma_start3A_22, %dma_start3A_23] : memref<65x768xf32, #tpu.memory_space<hbm>> -> memref<65x768xf32, #tpu.memory_space<hbm>>
    tpu.enqueue_indirect_dma source(%dma_start3A_24 : memref<65x768xf32, #tpu.memory_space<hbm>>) target(%dma_start3A_21 : memref<16x768xf32, #tpu.memory_space<vmem>>) offsets(%arg4 : memref<16xi32, #tpu.memory_space<vmem>>) semaphore(%arg8 : memref<!tpu.dma_semaphore, #tpu.memory_space<semaphore_mem>>)
    %dma_wait3A = arith.constant 0 : i32
    %dma_wait3A_25 = arith.constant 0 : i32
    %dma_wait3A_26 = tpu.memref_slice %arg5[%dma_wait3A, %dma_wait3A_25] : memref<144x768xf32, #tpu.memory_space<vmem>> -> memref<16x768xf32, #tpu.memory_space<vmem>>
    %dma_wait3A_27 = arith.constant 0 : i32
    %dma_wait3A_28 = arith.constant 0 : i32
    %dma_wait3A_29 = tpu.memref_slice %arg2[%dma_wait3A_27, %dma_wait3A_28] : memref<65x768xf32, #tpu.memory_space<hbm>> -> memref<65x768xf32, #tpu.memory_space<hbm>>
    tpu.wait_indirect_dma semaphore(%arg8 : memref<!tpu.dma_semaphore, #tpu.memory_space<semaphore_mem>>) src(%dma_wait3A_29 : memref<65x768xf32, #tpu.memory_space<hbm>>) dst(%dma_wait3A_26 : memref<16x768xf32, #tpu.memory_space<vmem>>)
    %add3A_30 = arith.constant 440 : i32
    %add3A_31 = arith.addi %add3A_30, %and3A_1 : i32
    %add3A_32 = arith.constant 16 : i32
    %add3A_33 = arith.addi %add3A_31, %add3A_32 : i32
    %add3A_34 = vector.broadcast %add3A_33 : i32 to vector<16xi32>
    %add3A_35 = arith.addi %add3A_34, %iota3A : vector<16xi32>
    %sub3A_36 = arith.constant 511 : i32
    %sub3A_37 = vector.broadcast %sub3A_36 : i32 to vector<16xi32>
    %sub3A_38 = arith.subi %sub3A_37, %add3A_35 : vector<16xi32>
    %jit3A_39 = arith.constant -32 : i32
    %jit3A_40 = arith.constant 32 : i32
    %max3A_41 = vector.broadcast %jit3A_39 : i32 to vector<16xi32>
    %max3A_42 = arith.maxsi %max3A_41, %sub3A_38 : vector<16xi32>
    %min3A_43 = vector.broadcast %jit3A_40 : i32 to vector<16xi32>
    %min3A_44 = arith.minsi %min3A_43, %max3A_42 : vector<16xi32>
    %add3A_45 = arith.constant 32 : i32
    %add3A_46 = vector.broadcast %add3A_45 : i32 to vector<16xi32>
    %add3A_47 = arith.addi %min3A_44, %add3A_46 : vector<16xi32>
    %swap3A_48 = arith.constant 0 : index
    %swap3A_49 = tpu.vector_load %arg4[%swap3A_48] {strides = array<i32>} : memref<16xi32, #tpu.memory_space<vmem>>, vector<16xi32>,
    %swap3A_50 = vector.shape_cast %swap3A_49 : vector<16xi32> to vector<16xi32>
    %swap3A_51 = vector.shape_cast %add3A_47 : vector<16xi32> to vector<16xi32>
    tpu.vector_store %arg4[%swap3A_48], %swap3A_51 {strides = array<i32>} : memref<16xi32, #tpu.memory_space<vmem>>, vector<16xi32>,
    %dma_start3A_52 = arith.constant 16 : i32
    %dma_start3A_53 = arith.constant 0 : i32
    %dma_start3A_54 = tpu.memref_slice %arg5[%dma_start3A_52, %dma_start3A_53] : memref<144x768xf32, #tpu.memory_space<vmem>> -> memref<16x768xf32, #tpu.memory_space<vmem>>
    %dma_start3A_55 = arith.constant 0 : i32
    %dma_start3A_56 = arith.constant 0 : i32
    %dma_start3A_57 = tpu.memref_slice %arg2[%dma_start3A_55, %dma_start3A_56] : memref<65x768xf32, #tpu.memory_space<hbm>> -> memref<65x768xf32, #tpu.memory_space<hbm>>
    tpu.enqueue_indirect_dma source(%dma_start3A_57 : memref<65x768xf32, #tpu.memory_space<hbm>>) target(%dma_start3A_54 : memref<16x768xf32, #tpu.memory_space<vmem>>) offsets(%arg4 : memref<16xi32, #tpu.memory_space<vmem>>) semaphore(%arg8 : memref<!tpu.dma_semaphore, #tpu.memory_space<semaphore_mem>>)
    %dma_wait3A_58 = arith.constant 16 : i32
    %dma_wait3A_59 = arith.constant 0 : i32
    %dma_wait3A_60 = tpu.memref_slice %arg5[%dma_wait3A_58, %dma_wait3A_59] : memref<144x768xf32, #tpu.memory_space<vmem>> -> memref<16x768xf32, #tpu.memory_space<vmem>>
    %dma_wait3A_61 = arith.constant 0 : i32
    %dma_wait3A_62 = arith.constant 0 : i32
    %dma_wait3A_63 = tpu.memref_slice %arg2[%dma_wait3A_61, %dma_wait3A_62] : memref<65x768xf32, #tpu.memory_space<hbm>> -> memref<65x768xf32, #tpu.memory_space<hbm>>
    tpu.wait_indirect_dma semaphore(%arg8 : memref<!tpu.dma_semaphore, #tpu.memory_space<semaphore_mem>>) src(%dma_wait3A_63 : memref<65x768xf32, #tpu.memory_space<hbm>>) dst(%dma_wait3A_60 : memref<16x768xf32, #tpu.memory_space<vmem>>)
    %add3A_64 = arith.constant 440 : i32
    %add3A_65 = arith.addi %add3A_64, %and3A_1 : i32
    %add3A_66 = arith.constant 32 : i32
    %add3A_67 = arith.addi %add3A_65, %add3A_66 : i32
    %add3A_68 = vector.broadcast %add3A_67 : i32 to vector<16xi32>
    %add3A_69 = arith.addi %add3A_68, %iota3A : vector<16xi32>
    %sub3A_70 = arith.constant 511 : i32
    %sub3A_71 = vector.broadcast %sub3A_70 : i32 to vector<16xi32>
    %sub3A_72 = arith.subi %sub3A_71, %add3A_69 : vector<16xi32>
    %jit3A_73 = arith.constant -32 : i32
    %jit3A_74 = arith.constant 32 : i32
    %max3A_75 = vector.broadcast %jit3A_73 : i32 to vector<16xi32>
    %max3A_76 = arith.maxsi %max3A_75, %sub3A_72 : vector<16xi32>
    %min3A_77 = vector.broadcast %jit3A_74 : i32 to vector<16xi32>
    %min3A_78 = arith.minsi %min3A_77, %max3A_76 : vector<16xi32>
    %add3A_79 = arith.constant 32 : i32
    %add3A_80 = vector.broadcast %add3A_79 : i32 to vector<16xi32>
    %add3A_81 = arith.addi %min3A_78, %add3A_80 : vector<16xi32>
    %swap3A_82 = arith.constant 0 : index
    %swap3A_83 = tpu.vector_load %arg4[%swap3A_82] {strides = array<i32>} : memref<16xi32, #tpu.memory_space<vmem>>, vector<16xi32>,
    %swap3A_84 = vector.shape_cast %swap3A_83 : vector<16xi32> to vector<16xi32>
    %swap3A_85 = vector.shape_cast %add3A_81 : vector<16xi32> to vector<16xi32>
    tpu.vector_store %arg4[%swap3A_82], %swap3A_85 {strides = array<i32>} : memref<16xi32, #tpu.memory_space<vmem>>, vector<16xi32>,
    %dma_start3A_86 = arith.constant 32 : i32
    %dma_start3A_87 = arith.constant 0 : i32
    %dma_start3A_88 = tpu.memref_slice %arg5[%dma_start3A_86, %dma_start3A_87] : memref<144x768xf32, #tpu.memory_space<vmem>> -> memref<16x768xf32, #tpu.memory_space<vmem>>
    %dma_start3A_89 = arith.constant 0 : i32
    %dma_start3A_90 = arith.constant 0 : i32
    %dma_start3A_91 = tpu.memref_slice %arg2[%dma_start3A_89, %dma_start3A_90] : memref<65x768xf32, #tpu.memory_space<hbm>> -> memref<65x768xf32, #tpu.memory_space<hbm>>
    tpu.enqueue_indirect_dma source(%dma_start3A_91 : memref<65x768xf32, #tpu.memory_space<hbm>>) target(%dma_start3A_88 : memref<16x768xf32, #tpu.memory_space<vmem>>) offsets(%arg4 : memref<16xi32, #tpu.memory_space<vmem>>) semaphore(%arg8 : memref<!tpu.dma_semaphore, #tpu.memory_space<semaphore_mem>>)
    %dma_wait3A_92 = arith.constant 32 : i32
    %dma_wait3A_93 = arith.constant 0 : i32
    %dma_wait3A_94 = tpu.memref_slice %arg5[%dma_wait3A_92, %dma_wait3A_93] : memref<144x768xf32, #tpu.memory_space<vmem>> -> memref<16x768xf32, #tpu.memory_space<vmem>>
    %dma_wait3A_95 = arith.constant 0 : i32
    %dma_wait3A_96 = arith.constant 0 : i32
    %dma_wait3A_97 = tpu.memref_slice %arg2[%dma_wait3A_95, %dma_wait3A_96] : memref<65x768xf32, #tpu.memory_space<hbm>> -> memref<65x768xf32, #tpu.memory_space<hbm>>
    tpu.wait_indirect_dma semaphore(%arg8 : memref<!tpu.dma_semaphore, #tpu.memory_space<semaphore_mem>>) src(%dma_wait3A_97 : memref<65x768xf32, #tpu.memory_space<hbm>>) dst(%dma_wait3A_94 : memref<16x768xf32, #tpu.memory_space<vmem>>)
    %add3A_98 = arith.constant 440 : i32
    %add3A_99 = arith.addi %add3A_98, %and3A_1 : i32
    %add3A_100 = arith.constant 48 : i32
    %add3A_101 = arith.addi %add3A_99, %add3A_100 : i32
    %add3A_102 = vector.broadcast %add3A_101 : i32 to vector<16xi32>
    %add3A_103 = arith.addi %add3A_102, %iota3A : vector<16xi32>
    %sub3A_104 = arith.constant 511 : i32
    %sub3A_105 = vector.broadcast %sub3A_104 : i32 to vector<16xi32>
    %sub3A_106 = arith.subi %sub3A_105, %add3A_103 : vector<16xi32>
    %jit3A_107 = arith.constant -32 : i32
    %jit3A_108 = arith.constant 32 : i32
    %max3A_109 = vector.broadcast %jit3A_107 : i32 to vector<16xi32>
    %max3A_110 = arith.maxsi %max3A_109, %sub3A_106 : vector<16xi32>
    %min3A_111 = vector.broadcast %jit3A_108 : i32 to vector<16xi32>
    %min3A_112 = arith.minsi %min3A_111, %max3A_110 : vector<16xi32>
    %add3A_113 = arith.constant 32 : i32
    %add3A_114 = vector.broadcast %add3A_113 : i32 to vector<16xi32>
    %add3A_115 = arith.addi %min3A_112, %add3A_114 : vector<16xi32>
    %swap3A_116 = arith.constant 0 : index
    %swap3A_117 = tpu.vector_load %arg4[%swap3A_116] {strides = array<i32>} : memref<16xi32, #tpu.memory_space<vmem>>, vector<16xi32>,
    %swap3A_118 = vector.shape_cast %swap3A_117 : vector<16xi32> to vector<16xi32>
    %swap3A_119 = vector.shape_cast %add3A_115 : vector<16xi32> to vector<16xi32>
    tpu.vector_store %arg4[%swap3A_116], %swap3A_119 {strides = array<i32>} : memref<16xi32, #tpu.memory_space<vmem>>, vector<16xi32>,
    %dma_start3A_120 = arith.constant 48 : i32
    %dma_start3A_121 = arith.constant 0 : i32
    %dma_start3A_122 = tpu.memref_slice %arg5[%dma_start3A_120, %dma_start3A_121] : memref<144x768xf32, #tpu.memory_space<vmem>> -> memref<16x768xf32, #tpu.memory_space<vmem>>
    %dma_start3A_123 = arith.constant 0 : i32
    %dma_start3A_124 = arith.constant 0 : i32
    %dma_start3A_125 = tpu.memref_slice %arg2[%dma_start3A_123, %dma_start3A_124] : memref<65x768xf32, #tpu.memory_space<hbm>> -> memref<65x768xf32, #tpu.memory_space<hbm>>
    tpu.enqueue_indirect_dma source(%dma_start3A_125 : memref<65x768xf32, #tpu.memory_space<hbm>>) target(%dma_start3A_122 : memref<16x768xf32, #tpu.memory_space<vmem>>) offsets(%arg4 : memref<16xi32, #tpu.memory_space<vmem>>) semaphore(%arg8 : memref<!tpu.dma_semaphore, #tpu.memory_space<semaphore_mem>>)
    %dma_wait3A_126 = arith.constant 48 : i32
    %dma_wait3A_127 = arith.constant 0 : i32
    %dma_wait3A_128 = tpu.memref_slice %arg5[%dma_wait3A_126, %dma_wait3A_127] : memref<144x768xf32, #tpu.memory_space<vmem>> -> memref<16x768xf32, #tpu.memory_space<vmem>>
    %dma_wait3A_129 = arith.constant 0 : i32
    %dma_wait3A_130 = arith.constant 0 : i32
    %dma_wait3A_131 = tpu.memref_slice %arg2[%dma_wait3A_129, %dma_wait3A_130] : memref<65x768xf32, #tpu.memory_space<hbm>> -> memref<65x768xf32, #tpu.memory_space<hbm>>
    tpu.wait_indirect_dma semaphore(%arg8 : memref<!tpu.dma_semaphore, #tpu.memory_space<semaphore_mem>>) src(%dma_wait3A_131 : memref<65x768xf32, #tpu.memory_space<hbm>>) dst(%dma_wait3A_128 : memref<16x768xf32, #tpu.memory_space<vmem>>)
    %add3A_132 = arith.constant 440 : i32
    %add3A_133 = arith.addi %add3A_132, %and3A_1 : i32
    %add3A_134 = arith.constant 64 : i32
    %add3A_135 = arith.addi %add3A_133, %add3A_134 : i32
    %add3A_136 = vector.broadcast %add3A_135 : i32 to vector<16xi32>
    %add3A_137 = arith.addi %add3A_136, %iota3A : vector<16xi32>
    %sub3A_138 = arith.constant 511 : i32
    %sub3A_139 = vector.broadcast %sub3A_138 : i32 to vector<16xi32>
    %sub3A_140 = arith.subi %sub3A_139, %add3A_137 : vector<16xi32>
    %jit3A_141 = arith.constant -32 : i32
    %jit3A_142 = arith.constant 32 : i32
    %max3A_143 = vector.broadcast %jit3A_141 : i32 to vector<16xi32>
    %max3A_144 = arith.maxsi %max3A_143, %sub3A_140 : vector<16xi32>
    %min3A_145 = vector.broadcast %jit3A_142 : i32 to vector<16xi32>
    %min3A_146 = arith.minsi %min3A_145, %max3A_144 : vector<16xi32>
    %add3A_147 = arith.constant 32 : i32
    %add3A_148 = vector.broadcast %add3A_147 : i32 to vector<16xi32>
    %add3A_149 = arith.addi %min3A_146, %add3A_148 : vector<16xi32>
    %swap3A_150 = arith.constant 0 : index
    %swap3A_151 = tpu.vector_load %arg4[%swap3A_150] {strides = array<i32>} : memref<16xi32, #tpu.memory_space<vmem>>, vector<16xi32>,
    %swap3A_152 = vector.shape_cast %swap3A_151 : vector<16xi32> to vector<16xi32>
    %swap3A_153 = vector.shape_cast %add3A_149 : vector<16xi32> to vector<16xi32>
    tpu.vector_store %arg4[%swap3A_150], %swap3A_153 {strides = array<i32>} : memref<16xi32, #tpu.memory_space<vmem>>, vector<16xi32>,
    %dma_start3A_154 = arith.constant 64 : i32
    %dma_start3A_155 = arith.constant 0 : i32
    %dma_start3A_156 = tpu.memref_slice %arg5[%dma_start3A_154, %dma_start3A_155] : memref<144x768xf32, #tpu.memory_space<vmem>> -> memref<16x768xf32, #tpu.memory_space<vmem>>
    %dma_start3A_157 = arith.constant 0 : i32
    %dma_start3A_158 = arith.constant 0 : i32
    %dma_start3A_159 = tpu.memref_slice %arg2[%dma_start3A_157, %dma_start3A_158] : memref<65x768xf32, #tpu.memory_space<hbm>> -> memref<65x768xf32, #tpu.memory_space<hbm>>
    tpu.enqueue_indirect_dma source(%dma_start3A_159 : memref<65x768xf32, #tpu.memory_space<hbm>>) target(%dma_start3A_156 : memref<16x768xf32, #tpu.memory_space<vmem>>) offsets(%arg4 : memref<16xi32, #tpu.memory_space<vmem>>) semaphore(%arg8 : memref<!tpu.dma_semaphore, #tpu.memory_space<semaphore_mem>>)
    %dma_wait3A_160 = arith.constant 64 : i32
    %dma_wait3A_161 = arith.constant 0 : i32
    %dma_wait3A_162 = tpu.memref_slice %arg5[%dma_wait3A_160, %dma_wait3A_161] : memref<144x768xf32, #tpu.memory_space<vmem>> -> memref<16x768xf32, #tpu.memory_space<vmem>>
    %dma_wait3A_163 = arith.constant 0 : i32
    %dma_wait3A_164 = arith.constant 0 : i32
    %dma_wait3A_165 = tpu.memref_slice %arg2[%dma_wait3A_163, %dma_wait3A_164] : memref<65x768xf32, #tpu.memory_space<hbm>> -> memref<65x768xf32, #tpu.memory_space<hbm>>
    tpu.wait_indirect_dma semaphore(%arg8 : memref<!tpu.dma_semaphore, #tpu.memory_space<semaphore_mem>>) src(%dma_wait3A_165 : memref<65x768xf32, #tpu.memory_space<hbm>>) dst(%dma_wait3A_162 : memref<16x768xf32, #tpu.memory_space<vmem>>)
    %add3A_166 = arith.constant 440 : i32
    %add3A_167 = arith.addi %add3A_166, %and3A_1 : i32
    %add3A_168 = arith.constant 80 : i32
    %add3A_169 = arith.addi %add3A_167, %add3A_168 : i32
    %add3A_170 = vector.broadcast %add3A_169 : i32 to vector<16xi32>
    %add3A_171 = arith.addi %add3A_170, %iota3A : vector<16xi32>
    %sub3A_172 = arith.constant 511 : i32
    %sub3A_173 = vector.broadcast %sub3A_172 : i32 to vector<16xi32>
    %sub3A_174 = arith.subi %sub3A_173, %add3A_171 : vector<16xi32>
    %jit3A_175 = arith.constant -32 : i32
    %jit3A_176 = arith.constant 32 : i32
    %max3A_177 = vector.broadcast %jit3A_175 : i32 to vector<16xi32>
    %max3A_178 = arith.maxsi %max3A_177, %sub3A_174 : vector<16xi32>
    %min3A_179 = vector.broadcast %jit3A_176 : i32 to vector<16xi32>
    %min3A_180 = arith.minsi %min3A_179, %max3A_178 : vector<16xi32>
    %add3A_181 = arith.constant 32 : i32
    %add3A_182 = vector.broadcast %add3A_181 : i32 to vector<16xi32>
    %add3A_183 = arith.addi %min3A_180, %add3A_182 : vector<16xi32>
    %swap3A_184 = arith.constant 0 : index
    %swap3A_185 = tpu.vector_load %arg4[%swap3A_184] {strides = array<i32>} : memref<16xi32, #tpu.memory_space<vmem>>, vector<16xi32>,
    %swap3A_186 = vector.shape_cast %swap3A_185 : vector<16xi32> to vector<16xi32>
    %swap3A_187 = vector.shape_cast %add3A_183 : vector<16xi32> to vector<16xi32>
    tpu.vector_store %arg4[%swap3A_184], %swap3A_187 {strides = array<i32>} : memref<16xi32, #tpu.memory_space<vmem>>, vector<16xi32>,
    %dma_start3A_188 = arith.constant 80 : i32
    %dma_start3A_189 = arith.constant 0 : i32
    %dma_start3A_190 = tpu.memref_slice %arg5[%dma_start3A_188, %dma_start3A_189] : memref<144x768xf32, #tpu.memory_space<vmem>> -> memref<16x768xf32, #tpu.memory_space<vmem>>
    %dma_start3A_191 = arith.constant 0 : i32
    %dma_start3A_192 = arith.constant 0 : i32
    %dma_start3A_193 = tpu.memref_slice %arg2[%dma_start3A_191, %dma_start3A_192] : memref<65x768xf32, #tpu.memory_space<hbm>> -> memref<65x768xf32, #tpu.memory_space<hbm>>
    tpu.enqueue_indirect_dma source(%dma_start3A_193 : memref<65x768xf32, #tpu.memory_space<hbm>>) target(%dma_start3A_190 : memref<16x768xf32, #tpu.memory_space<vmem>>) offsets(%arg4 : memref<16xi32, #tpu.memory_space<vmem>>) semaphore(%arg8 : memref<!tpu.dma_semaphore, #tpu.memory_space<semaphore_mem>>)
    %dma_wait3A_194 = arith.constant 80 : i32
    %dma_wait3A_195 = arith.constant 0 : i32
    %dma_wait3A_196 = tpu.memref_slice %arg5[%dma_wait3A_194, %dma_wait3A_195] : memref<144x768xf32, #tpu.memory_space<vmem>> -> memref<16x768xf32, #tpu.memory_space<vmem>>
    %dma_wait3A_197 = arith.constant 0 : i32
    %dma_wait3A_198 = arith.constant 0 : i32
    %dma_wait3A_199 = tpu.memref_slice %arg2[%dma_wait3A_197, %dma_wait3A_198] : memref<65x768xf32, #tpu.memory_space<hbm>> -> memref<65x768xf32, #tpu.memory_space<hbm>>
    tpu.wait_indirect_dma semaphore(%arg8 : memref<!tpu.dma_semaphore, #tpu.memory_space<semaphore_mem>>) src(%dma_wait3A_199 : memref<65x768xf32, #tpu.memory_space<hbm>>) dst(%dma_wait3A_196 : memref<16x768xf32, #tpu.memory_space<vmem>>)
    %add3A_200 = arith.constant 440 : i32
    %add3A_201 = arith.addi %add3A_200, %and3A_1 : i32
    %add3A_202 = arith.constant 96 : i32
    %add3A_203 = arith.addi %add3A_201, %add3A_202 : i32
    %add3A_204 = vector.broadcast %add3A_203 : i32 to vector<16xi32>
    %add3A_205 = arith.addi %add3A_204, %iota3A : vector<16xi32>
    %sub3A_206 = arith.constant 511 : i32
    %sub3A_207 = vector.broadcast %sub3A_206 : i32 to vector<16xi32>
    %sub3A_208 = arith.subi %sub3A_207, %add3A_205 : vector<16xi32>
    %jit3A_209 = arith.constant -32 : i32
    %jit3A_210 = arith.constant 32 : i32
    %max3A_211 = vector.broadcast %jit3A_209 : i32 to vector<16xi32>
    %max3A_212 = arith.maxsi %max3A_211, %sub3A_208 : vector<16xi32>
    %min3A_213 = vector.broadcast %jit3A_210 : i32 to vector<16xi32>
    %min3A_214 = arith.minsi %min3A_213, %max3A_212 : vector<16xi32>
    %add3A_215 = arith.constant 32 : i32
    %add3A_216 = vector.broadcast %add3A_215 : i32 to vector<16xi32>
    %add3A_217 = arith.addi %min3A_214, %add3A_216 : vector<16xi32>
    %swap3A_218 = arith.constant 0 : index
    %swap3A_219 = tpu.vector_load %arg4[%swap3A_218] {strides = array<i32>} : memref<16xi32, #tpu.memory_space<vmem>>, vector<16xi32>,
    %swap3A_220 = vector.shape_cast %swap3A_219 : vector<16xi32> to vector<16xi32>
    %swap3A_221 = vector.shape_cast %add3A_217 : vector<16xi32> to vector<16xi32>
    tpu.vector_store %arg4[%swap3A_218], %swap3A_221 {strides = array<i32>} : memref<16xi32, #tpu.memory_space<vmem>>, vector<16xi32>,
    %dma_start3A_222 = arith.constant 96 : i32
    %dma_start3A_223 = arith.constant 0 : i32
    %dma_start3A_224 = tpu.memref_slice %arg5[%dma_start3A_222, %dma_start3A_223] : memref<144x768xf32, #tpu.memory_space<vmem>> -> memref<16x768xf32, #tpu.memory_space<vmem>>
    %dma_start3A_225 = arith.constant 0 : i32
    %dma_start3A_226 = arith.constant 0 : i32
    %dma_start3A_227 = tpu.memref_slice %arg2[%dma_start3A_225, %dma_start3A_226] : memref<65x768xf32, #tpu.memory_space<hbm>> -> memref<65x768xf32, #tpu.memory_space<hbm>>
    tpu.enqueue_indirect_dma source(%dma_start3A_227 : memref<65x768xf32, #tpu.memory_space<hbm>>) target(%dma_start3A_224 : memref<16x768xf32, #tpu.memory_space<vmem>>) offsets(%arg4 : memref<16xi32, #tpu.memory_space<vmem>>) semaphore(%arg8 : memref<!tpu.dma_semaphore, #tpu.memory_space<semaphore_mem>>)
    %dma_wait3A_228 = arith.constant 96 : i32
    %dma_wait3A_229 = arith.constant 0 : i32
    %dma_wait3A_230 = tpu.memref_slice %arg5[%dma_wait3A_228, %dma_wait3A_229] : memref<144x768xf32, #tpu.memory_space<vmem>> -> memref<16x768xf32, #tpu.memory_space<vmem>>
    %dma_wait3A_231 = arith.constant 0 : i32
    %dma_wait3A_232 = arith.constant 0 : i32
    %dma_wait3A_233 = tpu.memref_slice %arg2[%dma_wait3A_231, %dma_wait3A_232] : memref<65x768xf32, #tpu.memory_space<hbm>> -> memref<65x768xf32, #tpu.memory_space<hbm>>
    tpu.wait_indirect_dma semaphore(%arg8 : memref<!tpu.dma_semaphore, #tpu.memory_space<semaphore_mem>>) src(%dma_wait3A_233 : memref<65x768xf32, #tpu.memory_space<hbm>>) dst(%dma_wait3A_230 : memref<16x768xf32, #tpu.memory_space<vmem>>)
    %add3A_234 = arith.constant 440 : i32
    %add3A_235 = arith.addi %add3A_234, %and3A_1 : i32
    %add3A_236 = arith.constant 112 : i32
    %add3A_237 = arith.addi %add3A_235, %add3A_236 : i32
    %add3A_238 = vector.broadcast %add3A_237 : i32 to vector<16xi32>
    %add3A_239 = arith.addi %add3A_238, %iota3A : vector<16xi32>
    %sub3A_240 = arith.constant 511 : i32
    %sub3A_241 = vector.broadcast %sub3A_240 : i32 to vector<16xi32>
    %sub3A_242 = arith.subi %sub3A_241, %add3A_239 : vector<16xi32>
    %jit3A_243 = arith.constant -32 : i32
    %jit3A_244 = arith.constant 32 : i32
    %max3A_245 = vector.broadcast %jit3A_243 : i32 to vector<16xi32>
    %max3A_246 = arith.maxsi %max3A_245, %sub3A_242 : vector<16xi32>
    %min3A_247 = vector.broadcast %jit3A_244 : i32 to vector<16xi32>
    %min3A_248 = arith.minsi %min3A_247, %max3A_246 : vector<16xi32>
    %add3A_249 = arith.constant 32 : i32
    %add3A_250 = vector.broadcast %add3A_249 : i32 to vector<16xi32>
    %add3A_251 = arith.addi %min3A_248, %add3A_250 : vector<16xi32>
    %swap3A_252 = arith.constant 0 : index
    %swap3A_253 = tpu.vector_load %arg4[%swap3A_252] {strides = array<i32>} : memref<16xi32, #tpu.memory_space<vmem>>, vector<16xi32>,
    %swap3A_254 = vector.shape_cast %swap3A_253 : vector<16xi32> to vector<16xi32>
    %swap3A_255 = vector.shape_cast %add3A_251 : vector<16xi32> to vector<16xi32>
    tpu.vector_store %arg4[%swap3A_252], %swap3A_255 {strides = array<i32>} : memref<16xi32, #tpu.memory_space<vmem>>, vector<16xi32>,
    %dma_start3A_256 = arith.constant 112 : i32
    %dma_start3A_257 = arith.constant 0 : i32
    %dma_start3A_258 = tpu.memref_slice %arg5[%dma_start3A_256, %dma_start3A_257] : memref<144x768xf32, #tpu.memory_space<vmem>> -> memref<16x768xf32, #tpu.memory_space<vmem>>
    %dma_start3A_259 = arith.constant 0 : i32
    %dma_start3A_260 = arith.constant 0 : i32
    %dma_start3A_261 = tpu.memref_slice %arg2[%dma_start3A_259, %dma_start3A_260] : memref<65x768xf32, #tpu.memory_space<hbm>> -> memref<65x768xf32, #tpu.memory_space<hbm>>
    tpu.enqueue_indirect_dma source(%dma_start3A_261 : memref<65x768xf32, #tpu.memory_space<hbm>>) target(%dma_start3A_258 : memref<16x768xf32, #tpu.memory_space<vmem>>) offsets(%arg4 : memref<16xi32, #tpu.memory_space<vmem>>) semaphore(%arg8 : memref<!tpu.dma_semaphore, #tpu.memory_space<semaphore_mem>>)
    %dma_wait3A_262 = arith.constant 112 : i32
    %dma_wait3A_263 = arith.constant 0 : i32
    %dma_wait3A_264 = tpu.memref_slice %arg5[%dma_wait3A_262, %dma_wait3A_263] : memref<144x768xf32, #tpu.memory_space<vmem>> -> memref<16x768xf32, #tpu.memory_space<vmem>>
    %dma_wait3A_265 = arith.constant 0 : i32
    %dma_wait3A_266 = arith.constant 0 : i32
    %dma_wait3A_267 = tpu.memref_slice %arg2[%dma_wait3A_265, %dma_wait3A_266] : memref<65x768xf32, #tpu.memory_space<hbm>> -> memref<65x768xf32, #tpu.memory_space<hbm>>
    tpu.wait_indirect_dma semaphore(%arg8 : memref<!tpu.dma_semaphore, #tpu.memory_space<semaphore_mem>>) src(%dma_wait3A_267 : memref<65x768xf32, #tpu.memory_space<hbm>>) dst(%dma_wait3A_264 : memref<16x768xf32, #tpu.memory_space<vmem>>)
    %add3A_268 = arith.constant 440 : i32
    %add3A_269 = arith.addi %add3A_268, %and3A_1 : i32
    %add3A_270 = arith.constant 128 : i32
    %add3A_271 = arith.addi %add3A_269, %add3A_270 : i32
    %add3A_272 = vector.broadcast %add3A_271 : i32 to vector<16xi32>
    %add3A_273 = arith.addi %add3A_272, %iota3A : vector<16xi32>
    %sub3A_274 = arith.constant 511 : i32
    %sub3A_275 = vector.broadcast %sub3A_274 : i32 to vector<16xi32>
    %sub3A_276 = arith.subi %sub3A_275, %add3A_273 : vector<16xi32>
    %jit3A_277 = arith.constant -32 : i32
    %jit3A_278 = arith.constant 32 : i32
    %max3A_279 = vector.broadcast %jit3A_277 : i32 to vector<16xi32>
    %max3A_280 = arith.maxsi %max3A_279, %sub3A_276 : vector<16xi32>
    %min3A_281 = vector.broadcast %jit3A_278 : i32 to vector<16xi32>
    %min3A_282 = arith.minsi %min3A_281, %max3A_280 : vector<16xi32>
    %add3A_283 = arith.constant 32 : i32
    %add3A_284 = vector.broadcast %add3A_283 : i32 to vector<16xi32>
    %add3A_285 = arith.addi %min3A_282, %add3A_284 : vector<16xi32>
    %swap3A_286 = arith.constant 0 : index
    %swap3A_287 = tpu.vector_load %arg4[%swap3A_286] {strides = array<i32>} : memref<16xi32, #tpu.memory_space<vmem>>, vector<16xi32>,
    %swap3A_288 = vector.shape_cast %swap3A_287 : vector<16xi32> to vector<16xi32>
    %swap3A_289 = vector.shape_cast %add3A_285 : vector<16xi32> to vector<16xi32>
    tpu.vector_store %arg4[%swap3A_286], %swap3A_289 {strides = array<i32>} : memref<16xi32, #tpu.memory_space<vmem>>, vector<16xi32>,
    %dma_start3A_290 = arith.constant 128 : i32
    %dma_start3A_291 = arith.constant 0 : i32
    %dma_start3A_292 = tpu.memref_slice %arg5[%dma_start3A_290, %dma_start3A_291] : memref<144x768xf32, #tpu.memory_space<vmem>> -> memref<16x768xf32, #tpu.memory_space<vmem>>
    %dma_start3A_293 = arith.constant 0 : i32
    %dma_start3A_294 = arith.constant 0 : i32
    %dma_start3A_295 = tpu.memref_slice %arg2[%dma_start3A_293, %dma_start3A_294] : memref<65x768xf32, #tpu.memory_space<hbm>> -> memref<65x768xf32, #tpu.memory_space<hbm>>
    tpu.enqueue_indirect_dma source(%dma_start3A_295 : memref<65x768xf32, #tpu.memory_space<hbm>>) target(%dma_start3A_292 : memref<16x768xf32, #tpu.memory_space<vmem>>) offsets(%arg4 : memref<16xi32, #tpu.memory_space<vmem>>) semaphore(%arg8 : memref<!tpu.dma_semaphore, #tpu.memory_space<semaphore_mem>>)
    %dma_wait3A_296 = arith.constant 128 : i32
    %dma_wait3A_297 = arith.constant 0 : i32
    %dma_wait3A_298 = tpu.memref_slice %arg5[%dma_wait3A_296, %dma_wait3A_297] : memref<144x768xf32, #tpu.memory_space<vmem>> -> memref<16x768xf32, #tpu.memory_space<vmem>>
    %dma_wait3A_299 = arith.constant 0 : i32
    %dma_wait3A_300 = arith.constant 0 : i32
    %dma_wait3A_301 = tpu.memref_slice %arg2[%dma_wait3A_299, %dma_wait3A_300] : memref<65x768xf32, #tpu.memory_space<hbm>> -> memref<65x768xf32, #tpu.memory_space<hbm>>
    tpu.wait_indirect_dma semaphore(%arg8 : memref<!tpu.dma_semaphore, #tpu.memory_space<semaphore_mem>>) src(%dma_wait3A_301 : memref<65x768xf32, #tpu.memory_space<hbm>>) dst(%dma_wait3A_298 : memref<16x768xf32, #tpu.memory_space<vmem>>)
    %eq3A = arith.constant 0 : i32
    %eq3A_302 = arith.cmpi eq, %arg1, %eq3A : i32
    %convert_element_type3A = arith.extui %eq3A_302 : i1 to i32
    %cond3A = arith.constant 0 : i32
    %cond3A_303 = arith.cmpi ne, %convert_element_type3A, %cond3A : i32
    scf.if %cond3A_303 {
      "tpu.region"() ({
        %run_scoped3A = tpu.sem_alloc : memref<!tpu.dma_semaphore, #tpu.memory_space<semaphore_mem>>
        %dma_start3A_329 = arith.constant 0 : i32
        %dma_start3A_330 = arith.constant 0 : i32
        %dma_start3A_331 = tpu.memref_slice %arg5[%dma_start3A_329, %dma_start3A_330] : memref<144x768xf32, #tpu.memory_space<vmem>> -> memref<32x768xf32, #tpu.memory_space<vmem>>
        %dma_start3A_332 = arith.constant 0 : i32
        %dma_start3A_333 = arith.constant 0 : i32
        %dma_start3A_334 = tpu.memref_slice %arg6[%dma_start3A_332, %dma_start3A_333] : memref<128x768xf32, #tpu.memory_space<vmem_shared>> -> memref<32x768xf32, #tpu.memory_space<vmem_shared>>
        %dma_start3A_335 = arith.constant 0 : i32
        %dma_start3A_336 = arith.constant 0 : i32
        %dma_start3A_337 = tpu.memref_slice %arg6[%dma_start3A_335, %dma_start3A_336] : memref<128x768xf32, #tpu.memory_space<vmem_shared>> -> memref<32x768xf32, #tpu.memory_space<vmem_shared>>
        %dma_start3A_338 = arith.constant 0 : i32
        %dma_start3A_339 = arith.constant 0 : i32
        %dma_start3A_340 = tpu.memref_slice %arg5[%dma_start3A_338, %dma_start3A_339] : memref<144x768xf32, #tpu.memory_space<vmem>> -> memref<32x768xf32, #tpu.memory_space<vmem>>
        tpu.enqueue_dma source(%dma_start3A_340 : memref<32x768xf32, #tpu.memory_space<vmem>>) target(%dma_start3A_337 : memref<32x768xf32, #tpu.memory_space<vmem_shared>>) target_semaphore(%run_scoped3A : memref<!tpu.dma_semaphore, #tpu.memory_space<semaphore_mem>>)
        %dma_wait3A_341 = arith.constant 0 : i32
        %dma_wait3A_342 = arith.constant 0 : i32
        %dma_wait3A_343 = tpu.memref_slice %arg5[%dma_wait3A_341, %dma_wait3A_342] : memref<144x768xf32, #tpu.memory_space<vmem>> -> memref<32x768xf32, #tpu.memory_space<vmem>>
        %dma_wait3A_344 = arith.constant 0 : i32
        %dma_wait3A_345 = arith.constant 0 : i32
        %dma_wait3A_346 = tpu.memref_slice %arg6[%dma_wait3A_344, %dma_wait3A_345] : memref<128x768xf32, #tpu.memory_space<vmem_shared>> -> memref<32x768xf32, #tpu.memory_space<vmem_shared>>
        %dma_wait3A_347 = arith.constant 0 : i32
        %dma_wait3A_348 = arith.constant 0 : i32
        %dma_wait3A_349 = tpu.memref_slice %arg6[%dma_wait3A_347, %dma_wait3A_348] : memref<128x768xf32, #tpu.memory_space<vmem_shared>> -> memref<32x768xf32, #tpu.memory_space<vmem_shared>>
        %dma_wait3A_350 = arith.constant 0 : i32
        %dma_wait3A_351 = arith.constant 0 : i32
        %dma_wait3A_352 = tpu.memref_slice %arg5[%dma_wait3A_350, %dma_wait3A_351] : memref<144x768xf32, #tpu.memory_space<vmem>> -> memref<32x768xf32, #tpu.memory_space<vmem>>
        tpu.wait_dma2 semaphore(%run_scoped3A : memref<!tpu.dma_semaphore, #tpu.memory_space<semaphore_mem>>) src(%dma_wait3A_352 : memref<32x768xf32, #tpu.memory_space<vmem>>) dst(%dma_wait3A_349 : memref<32x768xf32, #tpu.memory_space<vmem_shared>>)
        tpu.yield
      }) : () -> ()
      "tpu.region"() ({
        %run_scoped3A = tpu.sem_alloc : memref<!tpu.dma_semaphore, #tpu.memory_space<semaphore_mem>>
        %dma_start3A_329 = arith.constant 0 : i32
        %dma_start3A_330 = arith.constant 0 : i32
        %dma_start3A_331 = tpu.memref_slice %arg5[%dma_start3A_329, %dma_start3A_330] : memref<144x768xf32, #tpu.memory_space<vmem>> -> memref<32x768xf32, #tpu.memory_space<vmem>>
        %dma_start3A_332 = arith.constant 32 : i32
        %dma_start3A_333 = arith.constant 0 : i32
        %dma_start3A_334 = tpu.memref_slice %arg6[%dma_start3A_332, %dma_start3A_333] : memref<128x768xf32, #tpu.memory_space<vmem_shared>> -> memref<32x768xf32, #tpu.memory_space<vmem_shared>>
        %dma_start3A_335 = arith.constant 32 : i32
        %dma_start3A_336 = arith.constant 0 : i32
        %dma_start3A_337 = tpu.memref_slice %arg6[%dma_start3A_335, %dma_start3A_336] : memref<128x768xf32, #tpu.memory_space<vmem_shared>> -> memref<32x768xf32, #tpu.memory_space<vmem_shared>>
        %dma_start3A_338 = arith.constant 0 : i32
        %dma_start3A_339 = arith.constant 0 : i32
        %dma_start3A_340 = tpu.memref_slice %arg5[%dma_start3A_338, %dma_start3A_339] : memref<144x768xf32, #tpu.memory_space<vmem>> -> memref<32x768xf32, #tpu.memory_space<vmem>>
        tpu.enqueue_dma source(%dma_start3A_340 : memref<32x768xf32, #tpu.memory_space<vmem>>) target(%dma_start3A_337 : memref<32x768xf32, #tpu.memory_space<vmem_shared>>) target_semaphore(%run_scoped3A : memref<!tpu.dma_semaphore, #tpu.memory_space<semaphore_mem>>)
        %dma_wait3A_341 = arith.constant 0 : i32
        %dma_wait3A_342 = arith.constant 0 : i32
        %dma_wait3A_343 = tpu.memref_slice %arg5[%dma_wait3A_341, %dma_wait3A_342] : memref<144x768xf32, #tpu.memory_space<vmem>> -> memref<32x768xf32, #tpu.memory_space<vmem>>
        %dma_wait3A_344 = arith.constant 32 : i32
        %dma_wait3A_345 = arith.constant 0 : i32
        %dma_wait3A_346 = tpu.memref_slice %arg6[%dma_wait3A_344, %dma_wait3A_345] : memref<128x768xf32, #tpu.memory_space<vmem_shared>> -> memref<32x768xf32, #tpu.memory_space<vmem_shared>>
        %dma_wait3A_347 = arith.constant 32 : i32
        %dma_wait3A_348 = arith.constant 0 : i32
        %dma_wait3A_349 = tpu.memref_slice %arg6[%dma_wait3A_347, %dma_wait3A_348] : memref<128x768xf32, #tpu.memory_space<vmem_shared>> -> memref<32x768xf32, #tpu.memory_space<vmem_shared>>
        %dma_wait3A_350 = arith.constant 0 : i32
        %dma_wait3A_351 = arith.constant 0 : i32
        %dma_wait3A_352 = tpu.memref_slice %arg5[%dma_wait3A_350, %dma_wait3A_351] : memref<144x768xf32, #tpu.memory_space<vmem>> -> memref<32x768xf32, #tpu.memory_space<vmem>>
        tpu.wait_dma2 semaphore(%run_scoped3A : memref<!tpu.dma_semaphore, #tpu.memory_space<semaphore_mem>>) src(%dma_wait3A_352 : memref<32x768xf32, #tpu.memory_space<vmem>>) dst(%dma_wait3A_349 : memref<32x768xf32, #tpu.memory_space<vmem_shared>>)
        tpu.yield
      }) : () -> ()
      "tpu.region"() ({
        %run_scoped3A = tpu.sem_alloc : memref<!tpu.dma_semaphore, #tpu.memory_space<semaphore_mem>>
        %dma_start3A_329 = arith.constant 0 : i32
        %dma_start3A_330 = arith.constant 0 : i32
        %dma_start3A_331 = tpu.memref_slice %arg5[%dma_start3A_329, %dma_start3A_330] : memref<144x768xf32, #tpu.memory_space<vmem>> -> memref<32x768xf32, #tpu.memory_space<vmem>>
        %dma_start3A_332 = arith.constant 64 : i32
        %dma_start3A_333 = arith.constant 0 : i32
        %dma_start3A_334 = tpu.memref_slice %arg6[%dma_start3A_332, %dma_start3A_333] : memref<128x768xf32, #tpu.memory_space<vmem_shared>> -> memref<32x768xf32, #tpu.memory_space<vmem_shared>>
        %dma_start3A_335 = arith.constant 64 : i32
        %dma_start3A_336 = arith.constant 0 : i32
        %dma_start3A_337 = tpu.memref_slice %arg6[%dma_start3A_335, %dma_start3A_336] : memref<128x768xf32, #tpu.memory_space<vmem_shared>> -> memref<32x768xf32, #tpu.memory_space<vmem_shared>>
        %dma_start3A_338 = arith.constant 0 : i32
        %dma_start3A_339 = arith.constant 0 : i32
        %dma_start3A_340 = tpu.memref_slice %arg5[%dma_start3A_338, %dma_start3A_339] : memref<144x768xf32, #tpu.memory_space<vmem>> -> memref<32x768xf32, #tpu.memory_space<vmem>>
        tpu.enqueue_dma source(%dma_start3A_340 : memref<32x768xf32, #tpu.memory_space<vmem>>) target(%dma_start3A_337 : memref<32x768xf32, #tpu.memory_space<vmem_shared>>) target_semaphore(%run_scoped3A : memref<!tpu.dma_semaphore, #tpu.memory_space<semaphore_mem>>)
        %dma_wait3A_341 = arith.constant 0 : i32
        %dma_wait3A_342 = arith.constant 0 : i32
        %dma_wait3A_343 = tpu.memref_slice %arg5[%dma_wait3A_341, %dma_wait3A_342] : memref<144x768xf32, #tpu.memory_space<vmem>> -> memref<32x768xf32, #tpu.memory_space<vmem>>
        %dma_wait3A_344 = arith.constant 64 : i32
        %dma_wait3A_345 = arith.constant 0 : i32
        %dma_wait3A_346 = tpu.memref_slice %arg6[%dma_wait3A_344, %dma_wait3A_345] : memref<128x768xf32, #tpu.memory_space<vmem_shared>> -> memref<32x768xf32, #tpu.memory_space<vmem_shared>>
        %dma_wait3A_347 = arith.constant 64 : i32
        %dma_wait3A_348 = arith.constant 0 : i32
        %dma_wait3A_349 = tpu.memref_slice %arg6[%dma_wait3A_347, %dma_wait3A_348] : memref<128x768xf32, #tpu.memory_space<vmem_shared>> -> memref<32x768xf32, #tpu.memory_space<vmem_shared>>
        %dma_wait3A_350 = arith.constant 0 : i32
        %dma_wait3A_351 = arith.constant 0 : i32
        %dma_wait3A_352 = tpu.memref_slice %arg5[%dma_wait3A_350, %dma_wait3A_351] : memref<144x768xf32, #tpu.memory_space<vmem>> -> memref<32x768xf32, #tpu.memory_space<vmem>>
        tpu.wait_dma2 semaphore(%run_scoped3A : memref<!tpu.dma_semaphore, #tpu.memory_space<semaphore_mem>>) src(%dma_wait3A_352 : memref<32x768xf32, #tpu.memory_space<vmem>>) dst(%dma_wait3A_349 : memref<32x768xf32, #tpu.memory_space<vmem_shared>>)
        tpu.yield
      }) : () -> ()
      "tpu.region"() ({
        %run_scoped3A = tpu.sem_alloc : memref<!tpu.dma_semaphore, #tpu.memory_space<semaphore_mem>>
        %dma_start3A_329 = arith.constant 0 : i32
        %dma_start3A_330 = arith.constant 0 : i32
        %dma_start3A_331 = tpu.memref_slice %arg5[%dma_start3A_329, %dma_start3A_330] : memref<144x768xf32, #tpu.memory_space<vmem>> -> memref<32x768xf32, #tpu.memory_space<vmem>>
        %dma_start3A_332 = arith.constant 96 : i32
        %dma_start3A_333 = arith.constant 0 : i32
        %dma_start3A_334 = tpu.memref_slice %arg6[%dma_start3A_332, %dma_start3A_333] : memref<128x768xf32, #tpu.memory_space<vmem_shared>> -> memref<32x768xf32, #tpu.memory_space<vmem_shared>>
        %dma_start3A_335 = arith.constant 96 : i32
        %dma_start3A_336 = arith.constant 0 : i32
        %dma_start3A_337 = tpu.memref_slice %arg6[%dma_start3A_335, %dma_start3A_336] : memref<128x768xf32, #tpu.memory_space<vmem_shared>> -> memref<32x768xf32, #tpu.memory_space<vmem_shared>>
        %dma_start3A_338 = arith.constant 0 : i32
        %dma_start3A_339 = arith.constant 0 : i32
        %dma_start3A_340 = tpu.memref_slice %arg5[%dma_start3A_338, %dma_start3A_339] : memref<144x768xf32, #tpu.memory_space<vmem>> -> memref<32x768xf32, #tpu.memory_space<vmem>>
        tpu.enqueue_dma source(%dma_start3A_340 : memref<32x768xf32, #tpu.memory_space<vmem>>) target(%dma_start3A_337 : memref<32x768xf32, #tpu.memory_space<vmem_shared>>) target_semaphore(%run_scoped3A : memref<!tpu.dma_semaphore, #tpu.memory_space<semaphore_mem>>)
        %dma_wait3A_341 = arith.constant 0 : i32
        %dma_wait3A_342 = arith.constant 0 : i32
        %dma_wait3A_343 = tpu.memref_slice %arg5[%dma_wait3A_341, %dma_wait3A_342] : memref<144x768xf32, #tpu.memory_space<vmem>> -> memref<32x768xf32, #tpu.memory_space<vmem>>
        %dma_wait3A_344 = arith.constant 96 : i32
        %dma_wait3A_345 = arith.constant 0 : i32
        %dma_wait3A_346 = tpu.memref_slice %arg6[%dma_wait3A_344, %dma_wait3A_345] : memref<128x768xf32, #tpu.memory_space<vmem_shared>> -> memref<32x768xf32, #tpu.memory_space<vmem_shared>>
        %dma_wait3A_347 = arith.constant 96 : i32
        %dma_wait3A_348 = arith.constant 0 : i32
        %dma_wait3A_349 = tpu.memref_slice %arg6[%dma_wait3A_347, %dma_wait3A_348] : memref<128x768xf32, #tpu.memory_space<vmem_shared>> -> memref<32x768xf32, #tpu.memory_space<vmem_shared>>
        %dma_wait3A_350 = arith.constant 0 : i32
        %dma_wait3A_351 = arith.constant 0 : i32
        %dma_wait3A_352 = tpu.memref_slice %arg5[%dma_wait3A_350, %dma_wait3A_351] : memref<144x768xf32, #tpu.memory_space<vmem>> -> memref<32x768xf32, #tpu.memory_space<vmem>>
        tpu.wait_dma2 semaphore(%run_scoped3A : memref<!tpu.dma_semaphore, #tpu.memory_space<semaphore_mem>>) src(%dma_wait3A_352 : memref<32x768xf32, #tpu.memory_space<vmem>>) dst(%dma_wait3A_349 : memref<32x768xf32, #tpu.memory_space<vmem_shared>>)
        tpu.yield
      }) : () -> ()
    } else {
    }
    %eq3A_304 = arith.constant 1 : i32
    %eq3A_305 = arith.cmpi eq, %arg1, %eq3A_304 : i32
    %convert_element_type3A_306 = arith.extui %eq3A_305 : i1 to i32
    %cond3A_307 = arith.constant 0 : i32
    %cond3A_308 = arith.cmpi ne, %convert_element_type3A_306, %cond3A_307 : i32
    scf.if %cond3A_308 {
      "tpu.region"() ({
        %run_scoped3A = tpu.sem_alloc : memref<!tpu.dma_semaphore, #tpu.memory_space<semaphore_mem>>
        %dma_start3A_329 = arith.constant 104 : i32
        %dma_start3A_330 = arith.constant 0 : i32
        %dma_start3A_331 = tpu.memref_slice %arg5[%dma_start3A_329, %dma_start3A_330] : memref<144x768xf32, #tpu.memory_space<vmem>> -> memref<32x768xf32, #tpu.memory_space<vmem>>
        %dma_start3A_332 = arith.constant 0 : i32
        %dma_start3A_333 = arith.constant 0 : i32
        %dma_start3A_334 = tpu.memref_slice %arg7[%dma_start3A_332, %dma_start3A_333] : memref<128x768xf32, #tpu.memory_space<vmem_shared>> -> memref<32x768xf32, #tpu.memory_space<vmem_shared>>
        %dma_start3A_335 = arith.constant 0 : i32
        %dma_start3A_336 = arith.constant 0 : i32
        %dma_start3A_337 = tpu.memref_slice %arg7[%dma_start3A_335, %dma_start3A_336] : memref<128x768xf32, #tpu.memory_space<vmem_shared>> -> memref<32x768xf32, #tpu.memory_space<vmem_shared>>
        %dma_start3A_338 = arith.constant 104 : i32
        %dma_start3A_339 = arith.constant 0 : i32
        %dma_start3A_340 = tpu.memref_slice %arg5[%dma_start3A_338, %dma_start3A_339] : memref<144x768xf32, #tpu.memory_space<vmem>> -> memref<32x768xf32, #tpu.memory_space<vmem>>
        tpu.enqueue_dma source(%dma_start3A_340 : memref<32x768xf32, #tpu.memory_space<vmem>>) target(%dma_start3A_337 : memref<32x768xf32, #tpu.memory_space<vmem_shared>>) target_semaphore(%run_scoped3A : memref<!tpu.dma_semaphore, #tpu.memory_space<semaphore_mem>>)
        %dma_wait3A_341 = arith.constant 104 : i32
        %dma_wait3A_342 = arith.constant 0 : i32
        %dma_wait3A_343 = tpu.memref_slice %arg5[%dma_wait3A_341, %dma_wait3A_342] : memref<144x768xf32, #tpu.memory_space<vmem>> -> memref<32x768xf32, #tpu.memory_space<vmem>>
        %dma_wait3A_344 = arith.constant 0 : i32
        %dma_wait3A_345 = arith.constant 0 : i32
        %dma_wait3A_346 = tpu.memref_slice %arg7[%dma_wait3A_344, %dma_wait3A_345] : memref<128x768xf32, #tpu.memory_space<vmem_shared>> -> memref<32x768xf32, #tpu.memory_space<vmem_shared>>
        %dma_wait3A_347 = arith.constant 0 : i32
        %dma_wait3A_348 = arith.constant 0 : i32
        %dma_wait3A_349 = tpu.memref_slice %arg7[%dma_wait3A_347, %dma_wait3A_348] : memref<128x768xf32, #tpu.memory_space<vmem_shared>> -> memref<32x768xf32, #tpu.memory_space<vmem_shared>>
        %dma_wait3A_350 = arith.constant 104 : i32
        %dma_wait3A_351 = arith.constant 0 : i32
        %dma_wait3A_352 = tpu.memref_slice %arg5[%dma_wait3A_350, %dma_wait3A_351] : memref<144x768xf32, #tpu.memory_space<vmem>> -> memref<32x768xf32, #tpu.memory_space<vmem>>
        tpu.wait_dma2 semaphore(%run_scoped3A : memref<!tpu.dma_semaphore, #tpu.memory_space<semaphore_mem>>) src(%dma_wait3A_352 : memref<32x768xf32, #tpu.memory_space<vmem>>) dst(%dma_wait3A_349 : memref<32x768xf32, #tpu.memory_space<vmem_shared>>)
        tpu.yield
      }) : () -> ()
      "tpu.region"() ({
        %run_scoped3A = tpu.sem_alloc : memref<!tpu.dma_semaphore, #tpu.memory_space<semaphore_mem>>
        %dma_start3A_329 = arith.constant 104 : i32
        %dma_start3A_330 = arith.constant 0 : i32
        %dma_start3A_331 = tpu.memref_slice %arg5[%dma_start3A_329, %dma_start3A_330] : memref<144x768xf32, #tpu.memory_space<vmem>> -> memref<32x768xf32, #tpu.memory_space<vmem>>
        %dma_start3A_332 = arith.constant 32 : i32
        %dma_start3A_333 = arith.constant 0 : i32
        %dma_start3A_334 = tpu.memref_slice %arg7[%dma_start3A_332, %dma_start3A_333] : memref<128x768xf32, #tpu.memory_space<vmem_shared>> -> memref<32x768xf32, #tpu.memory_space<vmem_shared>>
        %dma_start3A_335 = arith.constant 32 : i32
        %dma_start3A_336 = arith.constant 0 : i32
        %dma_start3A_337 = tpu.memref_slice %arg7[%dma_start3A_335, %dma_start3A_336] : memref<128x768xf32, #tpu.memory_space<vmem_shared>> -> memref<32x768xf32, #tpu.memory_space<vmem_shared>>
        %dma_start3A_338 = arith.constant 104 : i32
        %dma_start3A_339 = arith.constant 0 : i32
        %dma_start3A_340 = tpu.memref_slice %arg5[%dma_start3A_338, %dma_start3A_339] : memref<144x768xf32, #tpu.memory_space<vmem>> -> memref<32x768xf32, #tpu.memory_space<vmem>>
        tpu.enqueue_dma source(%dma_start3A_340 : memref<32x768xf32, #tpu.memory_space<vmem>>) target(%dma_start3A_337 : memref<32x768xf32, #tpu.memory_space<vmem_shared>>) target_semaphore(%run_scoped3A : memref<!tpu.dma_semaphore, #tpu.memory_space<semaphore_mem>>)
        %dma_wait3A_341 = arith.constant 104 : i32
        %dma_wait3A_342 = arith.constant 0 : i32
        %dma_wait3A_343 = tpu.memref_slice %arg5[%dma_wait3A_341, %dma_wait3A_342] : memref<144x768xf32, #tpu.memory_space<vmem>> -> memref<32x768xf32, #tpu.memory_space<vmem>>
        %dma_wait3A_344 = arith.constant 32 : i32
        %dma_wait3A_345 = arith.constant 0 : i32
        %dma_wait3A_346 = tpu.memref_slice %arg7[%dma_wait3A_344, %dma_wait3A_345] : memref<128x768xf32, #tpu.memory_space<vmem_shared>> -> memref<32x768xf32, #tpu.memory_space<vmem_shared>>
        %dma_wait3A_347 = arith.constant 32 : i32
        %dma_wait3A_348 = arith.constant 0 : i32
        %dma_wait3A_349 = tpu.memref_slice %arg7[%dma_wait3A_347, %dma_wait3A_348] : memref<128x768xf32, #tpu.memory_space<vmem_shared>> -> memref<32x768xf32, #tpu.memory_space<vmem_shared>>
        %dma_wait3A_350 = arith.constant 104 : i32
        %dma_wait3A_351 = arith.constant 0 : i32
        %dma_wait3A_352 = tpu.memref_slice %arg5[%dma_wait3A_350, %dma_wait3A_351] : memref<144x768xf32, #tpu.memory_space<vmem>> -> memref<32x768xf32, #tpu.memory_space<vmem>>
        tpu.wait_dma2 semaphore(%run_scoped3A : memref<!tpu.dma_semaphore, #tpu.memory_space<semaphore_mem>>) src(%dma_wait3A_352 : memref<32x768xf32, #tpu.memory_space<vmem>>) dst(%dma_wait3A_349 : memref<32x768xf32, #tpu.memory_space<vmem_shared>>)
        tpu.yield
      }) : () -> ()
      "tpu.region"() ({
        %run_scoped3A = tpu.sem_alloc : memref<!tpu.dma_semaphore, #tpu.memory_space<semaphore_mem>>
        %dma_start3A_329 = arith.constant 104 : i32
        %dma_start3A_330 = arith.constant 0 : i32
        %dma_start3A_331 = tpu.memref_slice %arg5[%dma_start3A_329, %dma_start3A_330] : memref<144x768xf32, #tpu.memory_space<vmem>> -> memref<32x768xf32, #tpu.memory_space<vmem>>
        %dma_start3A_332 = arith.constant 64 : i32
        %dma_start3A_333 = arith.constant 0 : i32
        %dma_start3A_334 = tpu.memref_slice %arg7[%dma_start3A_332, %dma_start3A_333] : memref<128x768xf32, #tpu.memory_space<vmem_shared>> -> memref<32x768xf32, #tpu.memory_space<vmem_shared>>
        %dma_start3A_335 = arith.constant 64 : i32
        %dma_start3A_336 = arith.constant 0 : i32
        %dma_start3A_337 = tpu.memref_slice %arg7[%dma_start3A_335, %dma_start3A_336] : memref<128x768xf32, #tpu.memory_space<vmem_shared>> -> memref<32x768xf32, #tpu.memory_space<vmem_shared>>
        %dma_start3A_338 = arith.constant 104 : i32
        %dma_start3A_339 = arith.constant 0 : i32
        %dma_start3A_340 = tpu.memref_slice %arg5[%dma_start3A_338, %dma_start3A_339] : memref<144x768xf32, #tpu.memory_space<vmem>> -> memref<32x768xf32, #tpu.memory_space<vmem>>
        tpu.enqueue_dma source(%dma_start3A_340 : memref<32x768xf32, #tpu.memory_space<vmem>>) target(%dma_start3A_337 : memref<32x768xf32, #tpu.memory_space<vmem_shared>>) target_semaphore(%run_scoped3A : memref<!tpu.dma_semaphore, #tpu.memory_space<semaphore_mem>>)
        %dma_wait3A_341 = arith.constant 104 : i32
        %dma_wait3A_342 = arith.constant 0 : i32
        %dma_wait3A_343 = tpu.memref_slice %arg5[%dma_wait3A_341, %dma_wait3A_342] : memref<144x768xf32, #tpu.memory_space<vmem>> -> memref<32x768xf32, #tpu.memory_space<vmem>>
        %dma_wait3A_344 = arith.constant 64 : i32
        %dma_wait3A_345 = arith.constant 0 : i32
        %dma_wait3A_346 = tpu.memref_slice %arg7[%dma_wait3A_344, %dma_wait3A_345] : memref<128x768xf32, #tpu.memory_space<vmem_shared>> -> memref<32x768xf32, #tpu.memory_space<vmem_shared>>
        %dma_wait3A_347 = arith.constant 64 : i32
        %dma_wait3A_348 = arith.constant 0 : i32
        %dma_wait3A_349 = tpu.memref_slice %arg7[%dma_wait3A_347, %dma_wait3A_348] : memref<128x768xf32, #tpu.memory_space<vmem_shared>> -> memref<32x768xf32, #tpu.memory_space<vmem_shared>>
        %dma_wait3A_350 = arith.constant 104 : i32
        %dma_wait3A_351 = arith.constant 0 : i32
        %dma_wait3A_352 = tpu.memref_slice %arg5[%dma_wait3A_350, %dma_wait3A_351] : memref<144x768xf32, #tpu.memory_space<vmem>> -> memref<32x768xf32, #tpu.memory_space<vmem>>
        tpu.wait_dma2 semaphore(%run_scoped3A : memref<!tpu.dma_semaphore, #tpu.memory_space<semaphore_mem>>) src(%dma_wait3A_352 : memref<32x768xf32, #tpu.memory_space<vmem>>) dst(%dma_wait3A_349 : memref<32x768xf32, #tpu.memory_space<vmem_shared>>)
        tpu.yield
      }) : () -> ()
      "tpu.region"() ({
        %run_scoped3A = tpu.sem_alloc : memref<!tpu.dma_semaphore, #tpu.memory_space<semaphore_mem>>
        %dma_start3A_329 = arith.constant 104 : i32
        %dma_start3A_330 = arith.constant 0 : i32
        %dma_start3A_331 = tpu.memref_slice %arg5[%dma_start3A_329, %dma_start3A_330] : memref<144x768xf32, #tpu.memory_space<vmem>> -> memref<32x768xf32, #tpu.memory_space<vmem>>
        %dma_start3A_332 = arith.constant 96 : i32
        %dma_start3A_333 = arith.constant 0 : i32
        %dma_start3A_334 = tpu.memref_slice %arg7[%dma_start3A_332, %dma_start3A_333] : memref<128x768xf32, #tpu.memory_space<vmem_shared>> -> memref<32x768xf32, #tpu.memory_space<vmem_shared>>
        %dma_start3A_335 = arith.constant 96 : i32
        %dma_start3A_336 = arith.constant 0 : i32
        %dma_start3A_337 = tpu.memref_slice %arg7[%dma_start3A_335, %dma_start3A_336] : memref<128x768xf32, #tpu.memory_space<vmem_shared>> -> memref<32x768xf32, #tpu.memory_space<vmem_shared>>
        %dma_start3A_338 = arith.constant 104 : i32
        %dma_start3A_339 = arith.constant 0 : i32
        %dma_start3A_340 = tpu.memref_slice %arg5[%dma_start3A_338, %dma_start3A_339] : memref<144x768xf32, #tpu.memory_space<vmem>> -> memref<32x768xf32, #tpu.memory_space<vmem>>
        tpu.enqueue_dma source(%dma_start3A_340 : memref<32x768xf32, #tpu.memory_space<vmem>>) target(%dma_start3A_337 : memref<32x768xf32, #tpu.memory_space<vmem_shared>>) target_semaphore(%run_scoped3A : memref<!tpu.dma_semaphore, #tpu.memory_space<semaphore_mem>>)
        %dma_wait3A_341 = arith.constant 104 : i32
        %dma_wait3A_342 = arith.constant 0 : i32
        %dma_wait3A_343 = tpu.memref_slice %arg5[%dma_wait3A_341, %dma_wait3A_342] : memref<144x768xf32, #tpu.memory_space<vmem>> -> memref<32x768xf32, #tpu.memory_space<vmem>>
        %dma_wait3A_344 = arith.constant 96 : i32
        %dma_wait3A_345 = arith.constant 0 : i32
        %dma_wait3A_346 = tpu.memref_slice %arg7[%dma_wait3A_344, %dma_wait3A_345] : memref<128x768xf32, #tpu.memory_space<vmem_shared>> -> memref<32x768xf32, #tpu.memory_space<vmem_shared>>
        %dma_wait3A_347 = arith.constant 96 : i32
        %dma_wait3A_348 = arith.constant 0 : i32
        %dma_wait3A_349 = tpu.memref_slice %arg7[%dma_wait3A_347, %dma_wait3A_348] : memref<128x768xf32, #tpu.memory_space<vmem_shared>> -> memref<32x768xf32, #tpu.memory_space<vmem_shared>>
        %dma_wait3A_350 = arith.constant 104 : i32
        %dma_wait3A_351 = arith.constant 0 : i32
        %dma_wait3A_352 = tpu.memref_slice %arg5[%dma_wait3A_350, %dma_wait3A_351] : memref<144x768xf32, #tpu.memory_space<vmem>> -> memref<32x768xf32, #tpu.memory_space<vmem>>
        tpu.wait_dma2 semaphore(%run_scoped3A : memref<!tpu.dma_semaphore, #tpu.memory_space<semaphore_mem>>) src(%dma_wait3A_352 : memref<32x768xf32, #tpu.memory_space<vmem>>) dst(%dma_wait3A_349 : memref<32x768xf32, #tpu.memory_space<vmem_shared>>)
        tpu.yield
      }) : () -> ()
    } else {
    }
    %barrier3A = arith.constant 0 : index
    tpu.barrier barrier_id(%barrier3A)
    %eq3A_309 = arith.constant 0 : i32
    %eq3A_310 = arith.cmpi eq, %shift_right_logical3A_2, %eq3A_309 : i32
    %convert_element_type3A_311 = arith.extui %eq3A_310 : i1 to i32
    %cond3A_312 = arith.constant 0 : i32
    %cond3A_313 = arith.cmpi ne, %convert_element_type3A_311, %cond3A_312 : i32
    scf.if %cond3A_313 {
      %scan3A = arith.constant 0 : i32
      %scan3A_329 = arith.constant 0 : i32
      %scan3A_330 = arith.constant 16 : i32
      %scan3A_331 = arith.addi %scan3A_329, %scan3A_330 : i32
      %scan3A_332 = arith.constant 1 : i32
      scf.for %scan3A_354 = %scan3A_329 to %scan3A_331 step %scan3A_332  : i32 {
        %mul3A_355 = arith.constant 8 : i32
        %mul3A_356 = arith.muli %mul3A_355, %scan3A_354 : i32
        %add3A_357 = arith.constant 0 : i32
        %add3A_358 = arith.addi %add3A_357, %mul3A_356 : i32
        %add3A_359 = arith.constant 7 : i32
        %add3A_360 = arith.addi %add3A_358, %add3A_359 : i32
        %sub3A_361 = arith.subi %add3A_360, %and3A_1 : i32
        %sub3A_362 = arith.constant 511 : i32
        %sub3A_363 = arith.subi %sub3A_362, %sub3A_361 : i32
        %shift_right_arithmetic3A = arith.constant 3 : i32
        %shift_right_arithmetic3A_364 = arith.shrsi %sub3A_363, %shift_right_arithmetic3A : i32
        %add3A_365 = arith.constant 0 : i32
        %add3A_366 = arith.addi %sub3A_363, %add3A_365 : i32
        %ge3A = arith.constant 544 : i32
        %ge3A_367 = arith.cmpi sge, %add3A_366, %ge3A : i32
        %le3A = arith.constant 448 : i32
        %le3A_368 = arith.cmpi sle, %add3A_366, %le3A : i32
        %add3A_369 = arith.constant 0 : i32
        %add3A_370 = arith.addi %shift_right_arithmetic3A_364, %add3A_369 : i32
        %sub3A_371 = arith.constant 55 : i32
        %sub3A_372 = arith.subi %add3A_370, %sub3A_371 : i32
        %jit3A_373 = arith.constant 0 : i32
        %select_n3A = arith.select %le3A_368, %jit3A_373, %sub3A_372 : i32
        %jit3A_374 = arith.constant 13 : i32
        %select_n3A_375 = arith.select %ge3A_367, %jit3A_374, %select_n3A : i32
        %mul3A_376 = arith.constant 8 : i32
        %mul3A_377 = arith.muli %mul3A_376, %select_n3A_375 : i32
        %dma_start3A_378 = arith.constant 0 : i32
        %dma_start3A_379 = tpu.memref_slice %arg5[%mul3A_377, %dma_start3A_378] : memref<144x768xf32, #tpu.memory_space<vmem>> -> memref<32x768xf32, #tpu.memory_space<vmem>>
        %dma_start3A_380 = arith.constant 0 : i32
        %dma_start3A_381 = arith.constant 0 : i32
        %dma_start3A_382 = tpu.memref_slice %arg3[%sub3A_361, %dma_start3A_380, %dma_start3A_381] : memref<512x512x768xf32, #tpu.memory_space<hbm>> -> memref<1x32x768xf32, #tpu.memory_space<hbm>>
        %dma_start3A_383 = tpu.memref_squeeze %dma_start3A_382 : memref<1x32x768xf32, #tpu.memory_space<hbm>> -> memref<32x768xf32, #tpu.memory_space<hbm>>
        %dma_start3A_384 = arith.constant 0 : i32
        %dma_start3A_385 = arith.constant 0 : i32
        %dma_start3A_386 = tpu.memref_slice %arg3[%sub3A_361, %dma_start3A_384, %dma_start3A_385] : memref<512x512x768xf32, #tpu.memory_space<hbm>> -> memref<1x32x768xf32, #tpu.memory_space<hbm>>
        %dma_start3A_387 = tpu.memref_squeeze %dma_start3A_386 : memref<1x32x768xf32, #tpu.memory_space<hbm>> -> memref<32x768xf32, #tpu.memory_space<hbm>>
        %dma_start3A_388 = arith.constant 0 : i32
        %dma_start3A_389 = tpu.memref_slice %arg5[%mul3A_377, %dma_start3A_388] : memref<144x768xf32, #tpu.memory_space<vmem>> -> memref<32x768xf32, #tpu.memory_space<vmem>>
        tpu.enqueue_dma source(%dma_start3A_389 : memref<32x768xf32, #tpu.memory_space<vmem>>) target(%dma_start3A_387 : memref<32x768xf32, #tpu.memory_space<hbm>>) target_semaphore(%arg9 : memref<!tpu.dma_semaphore, #tpu.memory_space<semaphore_mem>>)
        %add3A_390 = arith.constant 32 : i32
        %add3A_391 = arith.addi %sub3A_363, %add3A_390 : i32
        %ge3A_392 = arith.constant 544 : i32
        %ge3A_393 = arith.cmpi sge, %add3A_391, %ge3A_392 : i32
        %le3A_394 = arith.constant 448 : i32
        %le3A_395 = arith.cmpi sle, %add3A_391, %le3A_394 : i32
        %add3A_396 = arith.constant 4 : i32
        %add3A_397 = arith.addi %shift_right_arithmetic3A_364, %add3A_396 : i32
        %sub3A_398 = arith.constant 55 : i32
        %sub3A_399 = arith.subi %add3A_397, %sub3A_398 : i32
        %jit3A_400 = arith.constant 0 : i32
        %select_n3A_401 = arith.select %le3A_395, %jit3A_400, %sub3A_399 : i32
        %jit3A_402 = arith.constant 13 : i32
        %select_n3A_403 = arith.select %ge3A_393, %jit3A_402, %select_n3A_401 : i32
        %mul3A_404 = arith.constant 8 : i32
        %mul3A_405 = arith.muli %mul3A_404, %select_n3A_403 : i32
        %dma_start3A_406 = arith.constant 0 : i32
        %dma_start3A_407 = tpu.memref_slice %arg5[%mul3A_405, %dma_start3A_406] : memref<144x768xf32, #tpu.memory_space<vmem>> -> memref<32x768xf32, #tpu.memory_space<vmem>>
        %dma_start3A_408 = arith.constant 32 : i32
        %dma_start3A_409 = arith.constant 0 : i32
        %dma_start3A_410 = tpu.memref_slice %arg3[%sub3A_361, %dma_start3A_408, %dma_start3A_409] : memref<512x512x768xf32, #tpu.memory_space<hbm>> -> memref<1x32x768xf32, #tpu.memory_space<hbm>>
        %dma_start3A_411 = tpu.memref_squeeze %dma_start3A_410 : memref<1x32x768xf32, #tpu.memory_space<hbm>> -> memref<32x768xf32, #tpu.memory_space<hbm>>
        %dma_start3A_412 = arith.constant 32 : i32
        %dma_start3A_413 = arith.constant 0 : i32
        %dma_start3A_414 = tpu.memref_slice %arg3[%sub3A_361, %dma_start3A_412, %dma_start3A_413] : memref<512x512x768xf32, #tpu.memory_space<hbm>> -> memref<1x32x768xf32, #tpu.memory_space<hbm>>
        %dma_start3A_415 = tpu.memref_squeeze %dma_start3A_414 : memref<1x32x768xf32, #tpu.memory_space<hbm>> -> memref<32x768xf32, #tpu.memory_space<hbm>>
        %dma_start3A_416 = arith.constant 0 : i32
        %dma_start3A_417 = tpu.memref_slice %arg5[%mul3A_405, %dma_start3A_416] : memref<144x768xf32, #tpu.memory_space<vmem>> -> memref<32x768xf32, #tpu.memory_space<vmem>>
        tpu.enqueue_dma source(%dma_start3A_417 : memref<32x768xf32, #tpu.memory_space<vmem>>) target(%dma_start3A_415 : memref<32x768xf32, #tpu.memory_space<hbm>>) target_semaphore(%arg9 : memref<!tpu.dma_semaphore, #tpu.memory_space<semaphore_mem>>)
        %add3A_418 = arith.constant 64 : i32
        %add3A_419 = arith.addi %sub3A_363, %add3A_418 : i32
        %ge3A_420 = arith.constant 544 : i32
        %ge3A_421 = arith.cmpi sge, %add3A_419, %ge3A_420 : i32
        %le3A_422 = arith.constant 448 : i32
        %le3A_423 = arith.cmpi sle, %add3A_419, %le3A_422 : i32
        %add3A_424 = arith.constant 8 : i32
        %add3A_425 = arith.addi %shift_right_arithmetic3A_364, %add3A_424 : i32
        %sub3A_426 = arith.constant 55 : i32
        %sub3A_427 = arith.subi %add3A_425, %sub3A_426 : i32
        %jit3A_428 = arith.constant 0 : i32
        %select_n3A_429 = arith.select %le3A_423, %jit3A_428, %sub3A_427 : i32
        %jit3A_430 = arith.constant 13 : i32
        %select_n3A_431 = arith.select %ge3A_421, %jit3A_430, %select_n3A_429 : i32
        %mul3A_432 = arith.constant 8 : i32
        %mul3A_433 = arith.muli %mul3A_432, %select_n3A_431 : i32
        %dma_start3A_434 = arith.constant 0 : i32
        %dma_start3A_435 = tpu.memref_slice %arg5[%mul3A_433, %dma_start3A_434] : memref<144x768xf32, #tpu.memory_space<vmem>> -> memref<32x768xf32, #tpu.memory_space<vmem>>
        %dma_start3A_436 = arith.constant 64 : i32
        %dma_start3A_437 = arith.constant 0 : i32
        %dma_start3A_438 = tpu.memref_slice %arg3[%sub3A_361, %dma_start3A_436, %dma_start3A_437] : memref<512x512x768xf32, #tpu.memory_space<hbm>> -> memref<1x32x768xf32, #tpu.memory_space<hbm>>
        %dma_start3A_439 = tpu.memref_squeeze %dma_start3A_438 : memref<1x32x768xf32, #tpu.memory_space<hbm>> -> memref<32x768xf32, #tpu.memory_space<hbm>>
        %dma_start3A_440 = arith.constant 64 : i32
        %dma_start3A_441 = arith.constant 0 : i32
        %dma_start3A_442 = tpu.memref_slice %arg3[%sub3A_361, %dma_start3A_440, %dma_start3A_441] : memref<512x512x768xf32, #tpu.memory_space<hbm>> -> memref<1x32x768xf32, #tpu.memory_space<hbm>>
        %dma_start3A_443 = tpu.memref_squeeze %dma_start3A_442 : memref<1x32x768xf32, #tpu.memory_space<hbm>> -> memref<32x768xf32, #tpu.memory_space<hbm>>
        %dma_start3A_444 = arith.constant 0 : i32
        %dma_start3A_445 = tpu.memref_slice %arg5[%mul3A_433, %dma_start3A_444] : memref<144x768xf32, #tpu.memory_space<vmem>> -> memref<32x768xf32, #tpu.memory_space<vmem>>
        tpu.enqueue_dma source(%dma_start3A_445 : memref<32x768xf32, #tpu.memory_space<vmem>>) target(%dma_start3A_443 : memref<32x768xf32, #tpu.memory_space<hbm>>) target_semaphore(%arg9 : memref<!tpu.dma_semaphore, #tpu.memory_space<semaphore_mem>>)
        %add3A_446 = arith.constant 96 : i32
        %add3A_447 = arith.addi %sub3A_363, %add3A_446 : i32
        %ge3A_448 = arith.constant 544 : i32
        %ge3A_449 = arith.cmpi sge, %add3A_447, %ge3A_448 : i32
        %le3A_450 = arith.constant 448 : i32
        %le3A_451 = arith.cmpi sle, %add3A_447, %le3A_450 : i32
        %add3A_452 = arith.constant 12 : i32
        %add3A_453 = arith.addi %shift_right_arithmetic3A_364, %add3A_452 : i32
        %sub3A_454 = arith.constant 55 : i32
        %sub3A_455 = arith.subi %add3A_453, %sub3A_454 : i32
        %jit3A_456 = arith.constant 0 : i32
        %select_n3A_457 = arith.select %le3A_451, %jit3A_456, %sub3A_455 : i32
        %jit3A_458 = arith.constant 13 : i32
        %select_n3A_459 = arith.select %ge3A_449, %jit3A_458, %select_n3A_457 : i32
        %mul3A_460 = arith.constant 8 : i32
        %mul3A_461 = arith.muli %mul3A_460, %select_n3A_459 : i32
        %dma_start3A_462 = arith.constant 0 : i32
        %dma_start3A_463 = tpu.memref_slice %arg5[%mul3A_461, %dma_start3A_462] : memref<144x768xf32, #tpu.memory_space<vmem>> -> memref<32x768xf32, #tpu.memory_space<vmem>>
        %dma_start3A_464 = arith.constant 96 : i32
        %dma_start3A_465 = arith.constant 0 : i32
        %dma_start3A_466 = tpu.memref_slice %arg3[%sub3A_361, %dma_start3A_464, %dma_start3A_465] : memref<512x512x768xf32, #tpu.memory_space<hbm>> -> memref<1x32x768xf32, #tpu.memory_space<hbm>>
        %dma_start3A_467 = tpu.memref_squeeze %dma_start3A_466 : memref<1x32x768xf32, #tpu.memory_space<hbm>> -> memref<32x768xf32, #tpu.memory_space<hbm>>
        %dma_start3A_468 = arith.constant 96 : i32
        %dma_start3A_469 = arith.constant 0 : i32
        %dma_start3A_470 = tpu.memref_slice %arg3[%sub3A_361, %dma_start3A_468, %dma_start3A_469] : memref<512x512x768xf32, #tpu.memory_space<hbm>> -> memref<1x32x768xf32, #tpu.memory_space<hbm>>
        %dma_start3A_471 = tpu.memref_squeeze %dma_start3A_470 : memref<1x32x768xf32, #tpu.memory_space<hbm>> -> memref<32x768xf32, #tpu.memory_space<hbm>>
        %dma_start3A_472 = arith.constant 0 : i32
        %dma_start3A_473 = tpu.memref_slice %arg5[%mul3A_461, %dma_start3A_472] : memref<144x768xf32, #tpu.memory_space<vmem>> -> memref<32x768xf32, #tpu.memory_space<vmem>>
        tpu.enqueue_dma source(%dma_start3A_473 : memref<32x768xf32, #tpu.memory_space<vmem>>) target(%dma_start3A_471 : memref<32x768xf32, #tpu.memory_space<hbm>>) target_semaphore(%arg9 : memref<!tpu.dma_semaphore, #tpu.memory_space<semaphore_mem>>)
        %add3A_474 = arith.constant 128 : i32
        %add3A_475 = arith.addi %sub3A_363, %add3A_474 : i32
        %ge3A_476 = arith.constant 544 : i32
        %ge3A_477 = arith.cmpi sge, %add3A_475, %ge3A_476 : i32
        %le3A_478 = arith.constant 448 : i32
        %le3A_479 = arith.cmpi sle, %add3A_475, %le3A_478 : i32
        %add3A_480 = arith.constant 16 : i32
        %add3A_481 = arith.addi %shift_right_arithmetic3A_364, %add3A_480 : i32
        %sub3A_482 = arith.constant 55 : i32
        %sub3A_483 = arith.subi %add3A_481, %sub3A_482 : i32
        %jit3A_484 = arith.constant 0 : i32
        %select_n3A_485 = arith.select %le3A_479, %jit3A_484, %sub3A_483 : i32
        %jit3A_486 = arith.constant 13 : i32
        %select_n3A_487 = arith.select %ge3A_477, %jit3A_486, %select_n3A_485 : i32
        %mul3A_488 = arith.constant 8 : i32
        %mul3A_489 = arith.muli %mul3A_488, %select_n3A_487 : i32
        %dma_start3A_490 = arith.constant 0 : i32
        %dma_start3A_491 = tpu.memref_slice %arg5[%mul3A_489, %dma_start3A_490] : memref<144x768xf32, #tpu.memory_space<vmem>> -> memref<32x768xf32, #tpu.memory_space<vmem>>
        %dma_start3A_492 = arith.constant 128 : i32
        %dma_start3A_493 = arith.constant 0 : i32
        %dma_start3A_494 = tpu.memref_slice %arg3[%sub3A_361, %dma_start3A_492, %dma_start3A_493] : memref<512x512x768xf32, #tpu.memory_space<hbm>> -> memref<1x32x768xf32, #tpu.memory_space<hbm>>
        %dma_start3A_495 = tpu.memref_squeeze %dma_start3A_494 : memref<1x32x768xf32, #tpu.memory_space<hbm>> -> memref<32x768xf32, #tpu.memory_space<hbm>>
        %dma_start3A_496 = arith.constant 128 : i32
        %dma_start3A_497 = arith.constant 0 : i32
        %dma_start3A_498 = tpu.memref_slice %arg3[%sub3A_361, %dma_start3A_496, %dma_start3A_497] : memref<512x512x768xf32, #tpu.memory_space<hbm>> -> memref<1x32x768xf32, #tpu.memory_space<hbm>>
        %dma_start3A_499 = tpu.memref_squeeze %dma_start3A_498 : memref<1x32x768xf32, #tpu.memory_space<hbm>> -> memref<32x768xf32, #tpu.memory_space<hbm>>
        %dma_start3A_500 = arith.constant 0 : i32
        %dma_start3A_501 = tpu.memref_slice %arg5[%mul3A_489, %dma_start3A_500] : memref<144x768xf32, #tpu.memory_space<vmem>> -> memref<32x768xf32, #tpu.memory_space<vmem>>
        tpu.enqueue_dma source(%dma_start3A_501 : memref<32x768xf32, #tpu.memory_space<vmem>>) target(%dma_start3A_499 : memref<32x768xf32, #tpu.memory_space<hbm>>) target_semaphore(%arg9 : memref<!tpu.dma_semaphore, #tpu.memory_space<semaphore_mem>>)
        %add3A_502 = arith.addi %add3A, %scan3A_354 : i32
        %add3A_503 = arith.constant 5 : i32
        %add3A_504 = arith.addi %add3A_502, %add3A_503 : i32
        %and3A_505 = arith.constant 3 : i32
        %and3A_506 = arith.andi %add3A_504, %and3A_505 : i32
        %mul3A_507 = arith.constant 32 : i32
        %mul3A_508 = arith.muli %mul3A_507, %and3A_506 : i32
        %dma_start3A_509 = arith.constant 160 : i32
        %dma_start3A_510 = arith.constant 0 : i32
        %dma_start3A_511 = tpu.memref_slice %arg3[%sub3A_361, %dma_start3A_509, %dma_start3A_510] : memref<512x512x768xf32, #tpu.memory_space<hbm>> -> memref<1x32x768xf32, #tpu.memory_space<hbm>>
        %dma_start3A_512 = tpu.memref_squeeze %dma_start3A_511 : memref<1x32x768xf32, #tpu.memory_space<hbm>> -> memref<32x768xf32, #tpu.memory_space<hbm>>
        %dma_start3A_513 = arith.constant 0 : i32
        %dma_start3A_514 = tpu.memref_slice %arg7[%mul3A_508, %dma_start3A_513] : memref<128x768xf32, #tpu.memory_space<vmem_shared>> -> memref<32x768xf32, #tpu.memory_space<vmem_shared>>
        tpu.enqueue_dma source(%dma_start3A_514 : memref<32x768xf32, #tpu.memory_space<vmem_shared>>) target(%dma_start3A_512 : memref<32x768xf32, #tpu.memory_space<hbm>>) target_semaphore(%arg9 : memref<!tpu.dma_semaphore, #tpu.memory_space<semaphore_mem>>)
        %add3A_515 = arith.addi %add3A, %scan3A_354 : i32
        %add3A_516 = arith.constant 6 : i32
        %add3A_517 = arith.addi %add3A_515, %add3A_516 : i32
        %and3A_518 = arith.constant 3 : i32
        %and3A_519 = arith.andi %add3A_517, %and3A_518 : i32
        %mul3A_520 = arith.constant 32 : i32
        %mul3A_521 = arith.muli %mul3A_520, %and3A_519 : i32
        %dma_start3A_522 = arith.constant 192 : i32
        %dma_start3A_523 = arith.constant 0 : i32
        %dma_start3A_524 = tpu.memref_slice %arg3[%sub3A_361, %dma_start3A_522, %dma_start3A_523] : memref<512x512x768xf32, #tpu.memory_space<hbm>> -> memref<1x32x768xf32, #tpu.memory_space<hbm>>
        %dma_start3A_525 = tpu.memref_squeeze %dma_start3A_524 : memref<1x32x768xf32, #tpu.memory_space<hbm>> -> memref<32x768xf32, #tpu.memory_space<hbm>>
        %dma_start3A_526 = arith.constant 0 : i32
        %dma_start3A_527 = tpu.memref_slice %arg7[%mul3A_521, %dma_start3A_526] : memref<128x768xf32, #tpu.memory_space<vmem_shared>> -> memref<32x768xf32, #tpu.memory_space<vmem_shared>>
        tpu.enqueue_dma source(%dma_start3A_527 : memref<32x768xf32, #tpu.memory_space<vmem_shared>>) target(%dma_start3A_525 : memref<32x768xf32, #tpu.memory_space<hbm>>) target_semaphore(%arg9 : memref<!tpu.dma_semaphore, #tpu.memory_space<semaphore_mem>>)
        %add3A_528 = arith.addi %add3A, %scan3A_354 : i32
        %add3A_529 = arith.constant 7 : i32
        %add3A_530 = arith.addi %add3A_528, %add3A_529 : i32
        %and3A_531 = arith.constant 3 : i32
        %and3A_532 = arith.andi %add3A_530, %and3A_531 : i32
        %mul3A_533 = arith.constant 32 : i32
        %mul3A_534 = arith.muli %mul3A_533, %and3A_532 : i32
        %dma_start3A_535 = arith.constant 224 : i32
        %dma_start3A_536 = arith.constant 0 : i32
        %dma_start3A_537 = tpu.memref_slice %arg3[%sub3A_361, %dma_start3A_535, %dma_start3A_536] : memref<512x512x768xf32, #tpu.memory_space<hbm>> -> memref<1x32x768xf32, #tpu.memory_space<hbm>>
        %dma_start3A_538 = tpu.memref_squeeze %dma_start3A_537 : memref<1x32x768xf32, #tpu.memory_space<hbm>> -> memref<32x768xf32, #tpu.memory_space<hbm>>
        %dma_start3A_539 = arith.constant 0 : i32
        %dma_start3A_540 = tpu.memref_slice %arg7[%mul3A_534, %dma_start3A_539] : memref<128x768xf32, #tpu.memory_space<vmem_shared>> -> memref<32x768xf32, #tpu.memory_space<vmem_shared>>
        tpu.enqueue_dma source(%dma_start3A_540 : memref<32x768xf32, #tpu.memory_space<vmem_shared>>) target(%dma_start3A_538 : memref<32x768xf32, #tpu.memory_space<hbm>>) target_semaphore(%arg9 : memref<!tpu.dma_semaphore, #tpu.memory_space<semaphore_mem>>)
        %add3A_541 = arith.constant 256 : i32
        %add3A_542 = arith.addi %sub3A_363, %add3A_541 : i32
        %ge3A_543 = arith.constant 544 : i32
        %ge3A_544 = arith.cmpi sge, %add3A_542, %ge3A_543 : i32
        %le3A_545 = arith.constant 448 : i32
        %le3A_546 = arith.cmpi sle, %add3A_542, %le3A_545 : i32
        %add3A_547 = arith.constant 32 : i32
        %add3A_548 = arith.addi %shift_right_arithmetic3A_364, %add3A_547 : i32
        %sub3A_549 = arith.constant 55 : i32
        %sub3A_550 = arith.subi %add3A_548, %sub3A_549 : i32
        %jit3A_551 = arith.constant 0 : i32
        %select_n3A_552 = arith.select %le3A_546, %jit3A_551, %sub3A_550 : i32
        %jit3A_553 = arith.constant 13 : i32
        %select_n3A_554 = arith.select %ge3A_544, %jit3A_553, %select_n3A_552 : i32
        %mul3A_555 = arith.constant 8 : i32
        %mul3A_556 = arith.muli %mul3A_555, %select_n3A_554 : i32
        %dma_start3A_557 = arith.constant 0 : i32
        %dma_start3A_558 = tpu.memref_slice %arg5[%mul3A_556, %dma_start3A_557] : memref<144x768xf32, #tpu.memory_space<vmem>> -> memref<32x768xf32, #tpu.memory_space<vmem>>
        %dma_start3A_559 = arith.constant 256 : i32
        %dma_start3A_560 = arith.constant 0 : i32
        %dma_start3A_561 = tpu.memref_slice %arg3[%sub3A_361, %dma_start3A_559, %dma_start3A_560] : memref<512x512x768xf32, #tpu.memory_space<hbm>> -> memref<1x32x768xf32, #tpu.memory_space<hbm>>
        %dma_start3A_562 = tpu.memref_squeeze %dma_start3A_561 : memref<1x32x768xf32, #tpu.memory_space<hbm>> -> memref<32x768xf32, #tpu.memory_space<hbm>>
        %dma_start3A_563 = arith.constant 256 : i32
        %dma_start3A_564 = arith.constant 0 : i32
        %dma_start3A_565 = tpu.memref_slice %arg3[%sub3A_361, %dma_start3A_563, %dma_start3A_564] : memref<512x512x768xf32, #tpu.memory_space<hbm>> -> memref<1x32x768xf32, #tpu.memory_space<hbm>>
        %dma_start3A_566 = tpu.memref_squeeze %dma_start3A_565 : memref<1x32x768xf32, #tpu.memory_space<hbm>> -> memref<32x768xf32, #tpu.memory_space<hbm>>
        %dma_start3A_567 = arith.constant 0 : i32
        %dma_start3A_568 = tpu.memref_slice %arg5[%mul3A_556, %dma_start3A_567] : memref<144x768xf32, #tpu.memory_space<vmem>> -> memref<32x768xf32, #tpu.memory_space<vmem>>
        tpu.enqueue_dma source(%dma_start3A_568 : memref<32x768xf32, #tpu.memory_space<vmem>>) target(%dma_start3A_566 : memref<32x768xf32, #tpu.memory_space<hbm>>) target_semaphore(%arg9 : memref<!tpu.dma_semaphore, #tpu.memory_space<semaphore_mem>>)
        %add3A_569 = arith.addi %add3A, %scan3A_354 : i32
        %add3A_570 = arith.constant 9 : i32
        %add3A_571 = arith.addi %add3A_569, %add3A_570 : i32
        %and3A_572 = arith.constant 3 : i32
        %and3A_573 = arith.andi %add3A_571, %and3A_572 : i32
        %mul3A_574 = arith.constant 32 : i32
        %mul3A_575 = arith.muli %mul3A_574, %and3A_573 : i32
        %dma_start3A_576 = arith.constant 288 : i32
        %dma_start3A_577 = arith.constant 0 : i32
        %dma_start3A_578 = tpu.memref_slice %arg3[%sub3A_361, %dma_start3A_576, %dma_start3A_577] : memref<512x512x768xf32, #tpu.memory_space<hbm>> -> memref<1x32x768xf32, #tpu.memory_space<hbm>>
        %dma_start3A_579 = tpu.memref_squeeze %dma_start3A_578 : memref<1x32x768xf32, #tpu.memory_space<hbm>> -> memref<32x768xf32, #tpu.memory_space<hbm>>
        %dma_start3A_580 = arith.constant 0 : i32
        %dma_start3A_581 = tpu.memref_slice %arg7[%mul3A_575, %dma_start3A_580] : memref<128x768xf32, #tpu.memory_space<vmem_shared>> -> memref<32x768xf32, #tpu.memory_space<vmem_shared>>
        tpu.enqueue_dma source(%dma_start3A_581 : memref<32x768xf32, #tpu.memory_space<vmem_shared>>) target(%dma_start3A_579 : memref<32x768xf32, #tpu.memory_space<hbm>>) target_semaphore(%arg9 : memref<!tpu.dma_semaphore, #tpu.memory_space<semaphore_mem>>)
        %add3A_582 = arith.constant 320 : i32
        %add3A_583 = arith.addi %sub3A_363, %add3A_582 : i32
        %ge3A_584 = arith.constant 544 : i32
        %ge3A_585 = arith.cmpi sge, %add3A_583, %ge3A_584 : i32
        %le3A_586 = arith.constant 448 : i32
        %le3A_587 = arith.cmpi sle, %add3A_583, %le3A_586 : i32
        %add3A_588 = arith.constant 40 : i32
        %add3A_589 = arith.addi %shift_right_arithmetic3A_364, %add3A_588 : i32
        %sub3A_590 = arith.constant 55 : i32
        %sub3A_591 = arith.subi %add3A_589, %sub3A_590 : i32
        %jit3A_592 = arith.constant 0 : i32
        %select_n3A_593 = arith.select %le3A_587, %jit3A_592, %sub3A_591 : i32
        %jit3A_594 = arith.constant 13 : i32
        %select_n3A_595 = arith.select %ge3A_585, %jit3A_594, %select_n3A_593 : i32
        %mul3A_596 = arith.constant 8 : i32
        %mul3A_597 = arith.muli %mul3A_596, %select_n3A_595 : i32
        %dma_start3A_598 = arith.constant 0 : i32
        %dma_start3A_599 = tpu.memref_slice %arg5[%mul3A_597, %dma_start3A_598] : memref<144x768xf32, #tpu.memory_space<vmem>> -> memref<32x768xf32, #tpu.memory_space<vmem>>
        %dma_start3A_600 = arith.constant 320 : i32
        %dma_start3A_601 = arith.constant 0 : i32
        %dma_start3A_602 = tpu.memref_slice %arg3[%sub3A_361, %dma_start3A_600, %dma_start3A_601] : memref<512x512x768xf32, #tpu.memory_space<hbm>> -> memref<1x32x768xf32, #tpu.memory_space<hbm>>
        %dma_start3A_603 = tpu.memref_squeeze %dma_start3A_602 : memref<1x32x768xf32, #tpu.memory_space<hbm>> -> memref<32x768xf32, #tpu.memory_space<hbm>>
        %dma_start3A_604 = arith.constant 320 : i32
        %dma_start3A_605 = arith.constant 0 : i32
        %dma_start3A_606 = tpu.memref_slice %arg3[%sub3A_361, %dma_start3A_604, %dma_start3A_605] : memref<512x512x768xf32, #tpu.memory_space<hbm>> -> memref<1x32x768xf32, #tpu.memory_space<hbm>>
        %dma_start3A_607 = tpu.memref_squeeze %dma_start3A_606 : memref<1x32x768xf32, #tpu.memory_space<hbm>> -> memref<32x768xf32, #tpu.memory_space<hbm>>
        %dma_start3A_608 = arith.constant 0 : i32
        %dma_start3A_609 = tpu.memref_slice %arg5[%mul3A_597, %dma_start3A_608] : memref<144x768xf32, #tpu.memory_space<vmem>> -> memref<32x768xf32, #tpu.memory_space<vmem>>
        tpu.enqueue_dma source(%dma_start3A_609 : memref<32x768xf32, #tpu.memory_space<vmem>>) target(%dma_start3A_607 : memref<32x768xf32, #tpu.memory_space<hbm>>) target_semaphore(%arg9 : memref<!tpu.dma_semaphore, #tpu.memory_space<semaphore_mem>>)
        %add3A_610 = arith.addi %add3A, %scan3A_354 : i32
        %add3A_611 = arith.constant 11 : i32
        %add3A_612 = arith.addi %add3A_610, %add3A_611 : i32
        %and3A_613 = arith.constant 3 : i32
        %and3A_614 = arith.andi %add3A_612, %and3A_613 : i32
        %mul3A_615 = arith.constant 32 : i32
        %mul3A_616 = arith.muli %mul3A_615, %and3A_614 : i32
        %dma_start3A_617 = arith.constant 352 : i32
        %dma_start3A_618 = arith.constant 0 : i32
        %dma_start3A_619 = tpu.memref_slice %arg3[%sub3A_361, %dma_start3A_617, %dma_start3A_618] : memref<512x512x768xf32, #tpu.memory_space<hbm>> -> memref<1x32x768xf32, #tpu.memory_space<hbm>>
        %dma_start3A_620 = tpu.memref_squeeze %dma_start3A_619 : memref<1x32x768xf32, #tpu.memory_space<hbm>> -> memref<32x768xf32, #tpu.memory_space<hbm>>
        %dma_start3A_621 = arith.constant 0 : i32
        %dma_start3A_622 = tpu.memref_slice %arg7[%mul3A_616, %dma_start3A_621] : memref<128x768xf32, #tpu.memory_space<vmem_shared>> -> memref<32x768xf32, #tpu.memory_space<vmem_shared>>
        tpu.enqueue_dma source(%dma_start3A_622 : memref<32x768xf32, #tpu.memory_space<vmem_shared>>) target(%dma_start3A_620 : memref<32x768xf32, #tpu.memory_space<hbm>>) target_semaphore(%arg9 : memref<!tpu.dma_semaphore, #tpu.memory_space<semaphore_mem>>)
        %add3A_623 = arith.constant 384 : i32
        %add3A_624 = arith.addi %sub3A_363, %add3A_623 : i32
        %ge3A_625 = arith.constant 544 : i32
        %ge3A_626 = arith.cmpi sge, %add3A_624, %ge3A_625 : i32
        %le3A_627 = arith.constant 448 : i32
        %le3A_628 = arith.cmpi sle, %add3A_624, %le3A_627 : i32
        %add3A_629 = arith.constant 48 : i32
        %add3A_630 = arith.addi %shift_right_arithmetic3A_364, %add3A_629 : i32
        %sub3A_631 = arith.constant 55 : i32
        %sub3A_632 = arith.subi %add3A_630, %sub3A_631 : i32
        %jit3A_633 = arith.constant 0 : i32
        %select_n3A_634 = arith.select %le3A_628, %jit3A_633, %sub3A_632 : i32
        %jit3A_635 = arith.constant 13 : i32
        %select_n3A_636 = arith.select %ge3A_626, %jit3A_635, %select_n3A_634 : i32
        %mul3A_637 = arith.constant 8 : i32
        %mul3A_638 = arith.muli %mul3A_637, %select_n3A_636 : i32
        %dma_start3A_639 = arith.constant 0 : i32
        %dma_start3A_640 = tpu.memref_slice %arg5[%mul3A_638, %dma_start3A_639] : memref<144x768xf32, #tpu.memory_space<vmem>> -> memref<32x768xf32, #tpu.memory_space<vmem>>
        %dma_start3A_641 = arith.constant 384 : i32
        %dma_start3A_642 = arith.constant 0 : i32
        %dma_start3A_643 = tpu.memref_slice %arg3[%sub3A_361, %dma_start3A_641, %dma_start3A_642] : memref<512x512x768xf32, #tpu.memory_space<hbm>> -> memref<1x32x768xf32, #tpu.memory_space<hbm>>
        %dma_start3A_644 = tpu.memref_squeeze %dma_start3A_643 : memref<1x32x768xf32, #tpu.memory_space<hbm>> -> memref<32x768xf32, #tpu.memory_space<hbm>>
        %dma_start3A_645 = arith.constant 384 : i32
        %dma_start3A_646 = arith.constant 0 : i32
        %dma_start3A_647 = tpu.memref_slice %arg3[%sub3A_361, %dma_start3A_645, %dma_start3A_646] : memref<512x512x768xf32, #tpu.memory_space<hbm>> -> memref<1x32x768xf32, #tpu.memory_space<hbm>>
        %dma_start3A_648 = tpu.memref_squeeze %dma_start3A_647 : memref<1x32x768xf32, #tpu.memory_space<hbm>> -> memref<32x768xf32, #tpu.memory_space<hbm>>
        %dma_start3A_649 = arith.constant 0 : i32
        %dma_start3A_650 = tpu.memref_slice %arg5[%mul3A_638, %dma_start3A_649] : memref<144x768xf32, #tpu.memory_space<vmem>> -> memref<32x768xf32, #tpu.memory_space<vmem>>
        tpu.enqueue_dma source(%dma_start3A_650 : memref<32x768xf32, #tpu.memory_space<vmem>>) target(%dma_start3A_648 : memref<32x768xf32, #tpu.memory_space<hbm>>) target_semaphore(%arg9 : memref<!tpu.dma_semaphore, #tpu.memory_space<semaphore_mem>>)
        %add3A_651 = arith.addi %add3A, %scan3A_354 : i32
        %add3A_652 = arith.constant 13 : i32
        %add3A_653 = arith.addi %add3A_651, %add3A_652 : i32
        %and3A_654 = arith.constant 3 : i32
        %and3A_655 = arith.andi %add3A_653, %and3A_654 : i32
        %mul3A_656 = arith.constant 32 : i32
        %mul3A_657 = arith.muli %mul3A_656, %and3A_655 : i32
        %dma_start3A_658 = arith.constant 416 : i32
        %dma_start3A_659 = arith.constant 0 : i32
        %dma_start3A_660 = tpu.memref_slice %arg3[%sub3A_361, %dma_start3A_658, %dma_start3A_659] : memref<512x512x768xf32, #tpu.memory_space<hbm>> -> memref<1x32x768xf32, #tpu.memory_space<hbm>>
        %dma_start3A_661 = tpu.memref_squeeze %dma_start3A_660 : memref<1x32x768xf32, #tpu.memory_space<hbm>> -> memref<32x768xf32, #tpu.memory_space<hbm>>
        %dma_start3A_662 = arith.constant 0 : i32
        %dma_start3A_663 = tpu.memref_slice %arg7[%mul3A_657, %dma_start3A_662] : memref<128x768xf32, #tpu.memory_space<vmem_shared>> -> memref<32x768xf32, #tpu.memory_space<vmem_shared>>
        tpu.enqueue_dma source(%dma_start3A_663 : memref<32x768xf32, #tpu.memory_space<vmem_shared>>) target(%dma_start3A_661 : memref<32x768xf32, #tpu.memory_space<hbm>>) target_semaphore(%arg9 : memref<!tpu.dma_semaphore, #tpu.memory_space<semaphore_mem>>)
        %add3A_664 = arith.addi %add3A, %scan3A_354 : i32
        %add3A_665 = arith.constant 14 : i32
        %add3A_666 = arith.addi %add3A_664, %add3A_665 : i32
        %and3A_667 = arith.constant 3 : i32
        %and3A_668 = arith.andi %add3A_666, %and3A_667 : i32
        %mul3A_669 = arith.constant 32 : i32
        %mul3A_670 = arith.muli %mul3A_669, %and3A_668 : i32
        %dma_start3A_671 = arith.constant 448 : i32
        %dma_start3A_672 = arith.constant 0 : i32
        %dma_start3A_673 = tpu.memref_slice %arg3[%sub3A_361, %dma_start3A_671, %dma_start3A_672] : memref<512x512x768xf32, #tpu.memory_space<hbm>> -> memref<1x32x768xf32, #tpu.memory_space<hbm>>
        %dma_start3A_674 = tpu.memref_squeeze %dma_start3A_673 : memref<1x32x768xf32, #tpu.memory_space<hbm>> -> memref<32x768xf32, #tpu.memory_space<hbm>>
        %dma_start3A_675 = arith.constant 0 : i32
        %dma_start3A_676 = tpu.memref_slice %arg7[%mul3A_670, %dma_start3A_675] : memref<128x768xf32, #tpu.memory_space<vmem_shared>> -> memref<32x768xf32, #tpu.memory_space<vmem_shared>>
        tpu.enqueue_dma source(%dma_start3A_676 : memref<32x768xf32, #tpu.memory_space<vmem_shared>>) target(%dma_start3A_674 : memref<32x768xf32, #tpu.memory_space<hbm>>) target_semaphore(%arg9 : memref<!tpu.dma_semaphore, #tpu.memory_space<semaphore_mem>>)
        %add3A_677 = arith.addi %add3A, %scan3A_354 : i32
        %add3A_678 = arith.constant 15 : i32
        %add3A_679 = arith.addi %add3A_677, %add3A_678 : i32
        %and3A_680 = arith.constant 3 : i32
        %and3A_681 = arith.andi %add3A_679, %and3A_680 : i32
        %mul3A_682 = arith.constant 32 : i32
        %mul3A_683 = arith.muli %mul3A_682, %and3A_681 : i32
        %dma_start3A_684 = arith.constant 480 : i32
        %dma_start3A_685 = arith.constant 0 : i32
        %dma_start3A_686 = tpu.memref_slice %arg3[%sub3A_361, %dma_start3A_684, %dma_start3A_685] : memref<512x512x768xf32, #tpu.memory_space<hbm>> -> memref<1x32x768xf32, #tpu.memory_space<hbm>>
        %dma_start3A_687 = tpu.memref_squeeze %dma_start3A_686 : memref<1x32x768xf32, #tpu.memory_space<hbm>> -> memref<32x768xf32, #tpu.memory_space<hbm>>
        %dma_start3A_688 = arith.constant 0 : i32
        %dma_start3A_689 = tpu.memref_slice %arg7[%mul3A_683, %dma_start3A_688] : memref<128x768xf32, #tpu.memory_space<vmem_shared>> -> memref<32x768xf32, #tpu.memory_space<vmem_shared>>
        tpu.enqueue_dma source(%dma_start3A_689 : memref<32x768xf32, #tpu.memory_space<vmem_shared>>) target(%dma_start3A_687 : memref<32x768xf32, #tpu.memory_space<hbm>>) target_semaphore(%arg9 : memref<!tpu.dma_semaphore, #tpu.memory_space<semaphore_mem>>)
        %ge3A_690 = arith.constant 2 : i32
        %ge3A_691 = arith.cmpi sge, %scan3A_354, %ge3A_690 : i32
        %convert_element_type3A_692 = arith.extui %ge3A_691 : i1 to i32
        %cond3A_693 = arith.constant 0 : i32
        %cond3A_694 = arith.cmpi ne, %convert_element_type3A_692, %cond3A_693 : i32
        scf.if %cond3A_694 {
          %sub3A_695 = arith.constant 2 : i32
          %sub3A_696 = arith.subi %scan3A_354, %sub3A_695 : i32
          %mul3A_697 = arith.constant 8 : i32
          %mul3A_698 = arith.muli %mul3A_697, %sub3A_696 : i32
          %add3A_699 = arith.constant 0 : i32
          %add3A_700 = arith.addi %add3A_699, %mul3A_698 : i32
          %add3A_701 = arith.constant 7 : i32
          %add3A_702 = arith.addi %add3A_700, %add3A_701 : i32
          %sub3A_703 = arith.subi %add3A_702, %and3A_1 : i32
          %dma_wait3A_704 = arith.constant 0 : i32
          %dma_wait3A_705 = arith.constant 0 : i32
          %dma_wait3A_706 = tpu.memref_slice %arg3[%sub3A_703, %dma_wait3A_704, %dma_wait3A_705] : memref<512x512x768xf32, #tpu.memory_space<hbm>> -> memref<1x512x768xf32, #tpu.memory_space<hbm>>
          %dma_wait3A_707 = tpu.memref_squeeze %dma_wait3A_706 : memref<1x512x768xf32, #tpu.memory_space<hbm>> -> memref<512x768xf32, #tpu.memory_space<hbm>>
          %dma_wait3A_708 = arith.constant 0 : i32
          %dma_wait3A_709 = arith.constant 0 : i32
          %dma_wait3A_710 = tpu.memref_slice %arg3[%sub3A_703, %dma_wait3A_708, %dma_wait3A_709] : memref<512x512x768xf32, #tpu.memory_space<hbm>> -> memref<1x512x768xf32, #tpu.memory_space<hbm>>
          %dma_wait3A_711 = tpu.memref_squeeze %dma_wait3A_710 : memref<1x512x768xf32, #tpu.memory_space<hbm>> -> memref<512x768xf32, #tpu.memory_space<hbm>>
          tpu.wait_dma2 semaphore(%arg9 : memref<!tpu.dma_semaphore, #tpu.memory_space<semaphore_mem>>) src(%dma_wait3A_711 : memref<512x768xf32, #tpu.memory_space<hbm>>) dst(%dma_wait3A_707 : memref<512x768xf32, #tpu.memory_space<hbm>>)
        } else {
        }
      }
      %scan3A_333 = arith.constant 16 : i32
      %sub3A_334 = arith.constant 119 : i32
      %sub3A_335 = arith.subi %sub3A_334, %and3A_1 : i32
      %dma_wait3A_336 = arith.constant 0 : i32
      %dma_wait3A_337 = arith.constant 0 : i32
      %dma_wait3A_338 = tpu.memref_slice %arg3[%sub3A_335, %dma_wait3A_336, %dma_wait3A_337] : memref<512x512x768xf32, #tpu.memory_space<hbm>> -> memref<1x512x768xf32, #tpu.memory_space<hbm>>
      %dma_wait3A_339 = tpu.memref_squeeze %dma_wait3A_338 : memref<1x512x768xf32, #tpu.memory_space<hbm>> -> memref<512x768xf32, #tpu.memory_space<hbm>>
      %dma_wait3A_340 = arith.constant 0 : i32
      %dma_wait3A_341 = arith.constant 0 : i32
      %dma_wait3A_342 = tpu.memref_slice %arg3[%sub3A_335, %dma_wait3A_340, %dma_wait3A_341] : memref<512x512x768xf32, #tpu.memory_space<hbm>> -> memref<1x512x768xf32, #tpu.memory_space<hbm>>
      %dma_wait3A_343 = tpu.memref_squeeze %dma_wait3A_342 : memref<1x512x768xf32, #tpu.memory_space<hbm>> -> memref<512x768xf32, #tpu.memory_space<hbm>>
      tpu.wait_dma2 semaphore(%arg9 : memref<!tpu.dma_semaphore, #tpu.memory_space<semaphore_mem>>) src(%dma_wait3A_343 : memref<512x768xf32, #tpu.memory_space<hbm>>) dst(%dma_wait3A_339 : memref<512x768xf32, #tpu.memory_space<hbm>>)
      %sub3A_344 = arith.constant 127 : i32
      %sub3A_345 = arith.subi %sub3A_344, %and3A_1 : i32
      %dma_wait3A_346 = arith.constant 0 : i32
      %dma_wait3A_347 = arith.constant 0 : i32
      %dma_wait3A_348 = tpu.memref_slice %arg3[%sub3A_345, %dma_wait3A_346, %dma_wait3A_347] : memref<512x512x768xf32, #tpu.memory_space<hbm>> -> memref<1x512x768xf32, #tpu.memory_space<hbm>>
      %dma_wait3A_349 = tpu.memref_squeeze %dma_wait3A_348 : memref<1x512x768xf32, #tpu.memory_space<hbm>> -> memref<512x768xf32, #tpu.memory_space<hbm>>
      %dma_wait3A_350 = arith.constant 0 : i32
      %dma_wait3A_351 = arith.constant 0 : i32
      %dma_wait3A_352 = tpu.memref_slice %arg3[%sub3A_345, %dma_wait3A_350, %dma_wait3A_351] : memref<512x512x768xf32, #tpu.memory_space<hbm>> -> memref<1x512x768xf32, #tpu.memory_space<hbm>>
      %dma_wait3A_353 = tpu.memref_squeeze %dma_wait3A_352 : memref<1x512x768xf32, #tpu.memory_space<hbm>> -> memref<512x768xf32, #tpu.memory_space<hbm>>
      tpu.wait_dma2 semaphore(%arg9 : memref<!tpu.dma_semaphore, #tpu.memory_space<semaphore_mem>>) src(%dma_wait3A_353 : memref<512x768xf32, #tpu.memory_space<hbm>>) dst(%dma_wait3A_349 : memref<512x768xf32, #tpu.memory_space<hbm>>)
    } else {
    }
    %eq3A_314 = arith.constant 1 : i32
    %eq3A_315 = arith.cmpi eq, %shift_right_logical3A_2, %eq3A_314 : i32
    %convert_element_type3A_316 = arith.extui %eq3A_315 : i1 to i32
    %cond3A_317 = arith.constant 0 : i32
    %cond3A_318 = arith.cmpi ne, %convert_element_type3A_316, %cond3A_317 : i32
    scf.if %cond3A_318 {
      %scan3A = arith.constant 0 : i32
      %scan3A_329 = arith.constant 0 : i32
      %scan3A_330 = arith.constant 16 : i32
      %scan3A_331 = arith.addi %scan3A_329, %scan3A_330 : i32
      %scan3A_332 = arith.constant 1 : i32
      scf.for %scan3A_354 = %scan3A_329 to %scan3A_331 step %scan3A_332  : i32 {
        %mul3A_355 = arith.constant 8 : i32
        %mul3A_356 = arith.muli %mul3A_355, %scan3A_354 : i32
        %add3A_357 = arith.constant 128 : i32
        %add3A_358 = arith.addi %add3A_357, %mul3A_356 : i32
        %add3A_359 = arith.constant 7 : i32
        %add3A_360 = arith.addi %add3A_358, %add3A_359 : i32
        %sub3A_361 = arith.subi %add3A_360, %and3A_1 : i32
        %sub3A_362 = arith.constant 511 : i32
        %sub3A_363 = arith.subi %sub3A_362, %sub3A_361 : i32
        %shift_right_arithmetic3A = arith.constant 3 : i32
        %shift_right_arithmetic3A_364 = arith.shrsi %sub3A_363, %shift_right_arithmetic3A : i32
        %add3A_365 = arith.addi %add3A, %scan3A_354 : i32
        %add3A_366 = arith.constant 0 : i32
        %add3A_367 = arith.addi %add3A_365, %add3A_366 : i32
        %and3A_368 = arith.constant 3 : i32
        %and3A_369 = arith.andi %add3A_367, %and3A_368 : i32
        %mul3A_370 = arith.constant 32 : i32
        %mul3A_371 = arith.muli %mul3A_370, %and3A_369 : i32
        %dma_start3A_372 = arith.constant 0 : i32
        %dma_start3A_373 = arith.constant 0 : i32
        %dma_start3A_374 = tpu.memref_slice %arg3[%sub3A_361, %dma_start3A_372, %dma_start3A_373] : memref<512x512x768xf32, #tpu.memory_space<hbm>> -> memref<1x32x768xf32, #tpu.memory_space<hbm>>
        %dma_start3A_375 = tpu.memref_squeeze %dma_start3A_374 : memref<1x32x768xf32, #tpu.memory_space<hbm>> -> memref<32x768xf32, #tpu.memory_space<hbm>>
        %dma_start3A_376 = arith.constant 0 : i32
        %dma_start3A_377 = tpu.memref_slice %arg6[%mul3A_371, %dma_start3A_376] : memref<128x768xf32, #tpu.memory_space<vmem_shared>> -> memref<32x768xf32, #tpu.memory_space<vmem_shared>>
        tpu.enqueue_dma source(%dma_start3A_377 : memref<32x768xf32, #tpu.memory_space<vmem_shared>>) target(%dma_start3A_375 : memref<32x768xf32, #tpu.memory_space<hbm>>) target_semaphore(%arg9 : memref<!tpu.dma_semaphore, #tpu.memory_space<semaphore_mem>>)
        %add3A_378 = arith.addi %add3A, %scan3A_354 : i32
        %add3A_379 = arith.constant 1 : i32
        %add3A_380 = arith.addi %add3A_378, %add3A_379 : i32
        %and3A_381 = arith.constant 3 : i32
        %and3A_382 = arith.andi %add3A_380, %and3A_381 : i32
        %mul3A_383 = arith.constant 32 : i32
        %mul3A_384 = arith.muli %mul3A_383, %and3A_382 : i32
        %dma_start3A_385 = arith.constant 32 : i32
        %dma_start3A_386 = arith.constant 0 : i32
        %dma_start3A_387 = tpu.memref_slice %arg3[%sub3A_361, %dma_start3A_385, %dma_start3A_386] : memref<512x512x768xf32, #tpu.memory_space<hbm>> -> memref<1x32x768xf32, #tpu.memory_space<hbm>>
        %dma_start3A_388 = tpu.memref_squeeze %dma_start3A_387 : memref<1x32x768xf32, #tpu.memory_space<hbm>> -> memref<32x768xf32, #tpu.memory_space<hbm>>
        %dma_start3A_389 = arith.constant 0 : i32
        %dma_start3A_390 = tpu.memref_slice %arg6[%mul3A_384, %dma_start3A_389] : memref<128x768xf32, #tpu.memory_space<vmem_shared>> -> memref<32x768xf32, #tpu.memory_space<vmem_shared>>
        tpu.enqueue_dma source(%dma_start3A_390 : memref<32x768xf32, #tpu.memory_space<vmem_shared>>) target(%dma_start3A_388 : memref<32x768xf32, #tpu.memory_space<hbm>>) target_semaphore(%arg9 : memref<!tpu.dma_semaphore, #tpu.memory_space<semaphore_mem>>)
        %add3A_391 = arith.addi %add3A, %scan3A_354 : i32
        %add3A_392 = arith.constant 2 : i32
        %add3A_393 = arith.addi %add3A_391, %add3A_392 : i32
        %and3A_394 = arith.constant 3 : i32
        %and3A_395 = arith.andi %add3A_393, %and3A_394 : i32
        %mul3A_396 = arith.constant 32 : i32
        %mul3A_397 = arith.muli %mul3A_396, %and3A_395 : i32
        %dma_start3A_398 = arith.constant 64 : i32
        %dma_start3A_399 = arith.constant 0 : i32
        %dma_start3A_400 = tpu.memref_slice %arg3[%sub3A_361, %dma_start3A_398, %dma_start3A_399] : memref<512x512x768xf32, #tpu.memory_space<hbm>> -> memref<1x32x768xf32, #tpu.memory_space<hbm>>
        %dma_start3A_401 = tpu.memref_squeeze %dma_start3A_400 : memref<1x32x768xf32, #tpu.memory_space<hbm>> -> memref<32x768xf32, #tpu.memory_space<hbm>>
        %dma_start3A_402 = arith.constant 0 : i32
        %dma_start3A_403 = tpu.memref_slice %arg6[%mul3A_397, %dma_start3A_402] : memref<128x768xf32, #tpu.memory_space<vmem_shared>> -> memref<32x768xf32, #tpu.memory_space<vmem_shared>>
        tpu.enqueue_dma source(%dma_start3A_403 : memref<32x768xf32, #tpu.memory_space<vmem_shared>>) target(%dma_start3A_401 : memref<32x768xf32, #tpu.memory_space<hbm>>) target_semaphore(%arg9 : memref<!tpu.dma_semaphore, #tpu.memory_space<semaphore_mem>>)
        %add3A_404 = arith.constant 96 : i32
        %add3A_405 = arith.addi %sub3A_363, %add3A_404 : i32
        %ge3A = arith.constant 544 : i32
        %ge3A_406 = arith.cmpi sge, %add3A_405, %ge3A : i32
        %le3A = arith.constant 448 : i32
        %le3A_407 = arith.cmpi sle, %add3A_405, %le3A : i32
        %add3A_408 = arith.constant 12 : i32
        %add3A_409 = arith.addi %shift_right_arithmetic3A_364, %add3A_408 : i32
        %sub3A_410 = arith.constant 55 : i32
        %sub3A_411 = arith.subi %add3A_409, %sub3A_410 : i32
        %jit3A_412 = arith.constant 0 : i32
        %select_n3A = arith.select %le3A_407, %jit3A_412, %sub3A_411 : i32
        %jit3A_413 = arith.constant 13 : i32
        %select_n3A_414 = arith.select %ge3A_406, %jit3A_413, %select_n3A : i32
        %mul3A_415 = arith.constant 8 : i32
        %mul3A_416 = arith.muli %mul3A_415, %select_n3A_414 : i32
        %dma_start3A_417 = arith.constant 0 : i32
        %dma_start3A_418 = tpu.memref_slice %arg5[%mul3A_416, %dma_start3A_417] : memref<144x768xf32, #tpu.memory_space<vmem>> -> memref<32x768xf32, #tpu.memory_space<vmem>>
        %dma_start3A_419 = arith.constant 96 : i32
        %dma_start3A_420 = arith.constant 0 : i32
        %dma_start3A_421 = tpu.memref_slice %arg3[%sub3A_361, %dma_start3A_419, %dma_start3A_420] : memref<512x512x768xf32, #tpu.memory_space<hbm>> -> memref<1x32x768xf32, #tpu.memory_space<hbm>>
        %dma_start3A_422 = tpu.memref_squeeze %dma_start3A_421 : memref<1x32x768xf32, #tpu.memory_space<hbm>> -> memref<32x768xf32, #tpu.memory_space<hbm>>
        %dma_start3A_423 = arith.constant 96 : i32
        %dma_start3A_424 = arith.constant 0 : i32
        %dma_start3A_425 = tpu.memref_slice %arg3[%sub3A_361, %dma_start3A_423, %dma_start3A_424] : memref<512x512x768xf32, #tpu.memory_space<hbm>> -> memref<1x32x768xf32, #tpu.memory_space<hbm>>
        %dma_start3A_426 = tpu.memref_squeeze %dma_start3A_425 : memref<1x32x768xf32, #tpu.memory_space<hbm>> -> memref<32x768xf32, #tpu.memory_space<hbm>>
        %dma_start3A_427 = arith.constant 0 : i32
        %dma_start3A_428 = tpu.memref_slice %arg5[%mul3A_416, %dma_start3A_427] : memref<144x768xf32, #tpu.memory_space<vmem>> -> memref<32x768xf32, #tpu.memory_space<vmem>>
        tpu.enqueue_dma source(%dma_start3A_428 : memref<32x768xf32, #tpu.memory_space<vmem>>) target(%dma_start3A_426 : memref<32x768xf32, #tpu.memory_space<hbm>>) target_semaphore(%arg9 : memref<!tpu.dma_semaphore, #tpu.memory_space<semaphore_mem>>)
        %add3A_429 = arith.constant 128 : i32
        %add3A_430 = arith.addi %sub3A_363, %add3A_429 : i32
        %ge3A_431 = arith.constant 544 : i32
        %ge3A_432 = arith.cmpi sge, %add3A_430, %ge3A_431 : i32
        %le3A_433 = arith.constant 448 : i32
        %le3A_434 = arith.cmpi sle, %add3A_430, %le3A_433 : i32
        %add3A_435 = arith.constant 16 : i32
        %add3A_436 = arith.addi %shift_right_arithmetic3A_364, %add3A_435 : i32
        %sub3A_437 = arith.constant 55 : i32
        %sub3A_438 = arith.subi %add3A_436, %sub3A_437 : i32
        %jit3A_439 = arith.constant 0 : i32
        %select_n3A_440 = arith.select %le3A_434, %jit3A_439, %sub3A_438 : i32
        %jit3A_441 = arith.constant 13 : i32
        %select_n3A_442 = arith.select %ge3A_432, %jit3A_441, %select_n3A_440 : i32
        %mul3A_443 = arith.constant 8 : i32
        %mul3A_444 = arith.muli %mul3A_443, %select_n3A_442 : i32
        %dma_start3A_445 = arith.constant 0 : i32
        %dma_start3A_446 = tpu.memref_slice %arg5[%mul3A_444, %dma_start3A_445] : memref<144x768xf32, #tpu.memory_space<vmem>> -> memref<32x768xf32, #tpu.memory_space<vmem>>
        %dma_start3A_447 = arith.constant 128 : i32
        %dma_start3A_448 = arith.constant 0 : i32
        %dma_start3A_449 = tpu.memref_slice %arg3[%sub3A_361, %dma_start3A_447, %dma_start3A_448] : memref<512x512x768xf32, #tpu.memory_space<hbm>> -> memref<1x32x768xf32, #tpu.memory_space<hbm>>
        %dma_start3A_450 = tpu.memref_squeeze %dma_start3A_449 : memref<1x32x768xf32, #tpu.memory_space<hbm>> -> memref<32x768xf32, #tpu.memory_space<hbm>>
        %dma_start3A_451 = arith.constant 128 : i32
        %dma_start3A_452 = arith.constant 0 : i32
        %dma_start3A_453 = tpu.memref_slice %arg3[%sub3A_361, %dma_start3A_451, %dma_start3A_452] : memref<512x512x768xf32, #tpu.memory_space<hbm>> -> memref<1x32x768xf32, #tpu.memory_space<hbm>>
        %dma_start3A_454 = tpu.memref_squeeze %dma_start3A_453 : memref<1x32x768xf32, #tpu.memory_space<hbm>> -> memref<32x768xf32, #tpu.memory_space<hbm>>
        %dma_start3A_455 = arith.constant 0 : i32
        %dma_start3A_456 = tpu.memref_slice %arg5[%mul3A_444, %dma_start3A_455] : memref<144x768xf32, #tpu.memory_space<vmem>> -> memref<32x768xf32, #tpu.memory_space<vmem>>
        tpu.enqueue_dma source(%dma_start3A_456 : memref<32x768xf32, #tpu.memory_space<vmem>>) target(%dma_start3A_454 : memref<32x768xf32, #tpu.memory_space<hbm>>) target_semaphore(%arg9 : memref<!tpu.dma_semaphore, #tpu.memory_space<semaphore_mem>>)
        %add3A_457 = arith.constant 160 : i32
        %add3A_458 = arith.addi %sub3A_363, %add3A_457 : i32
        %ge3A_459 = arith.constant 544 : i32
        %ge3A_460 = arith.cmpi sge, %add3A_458, %ge3A_459 : i32
        %le3A_461 = arith.constant 448 : i32
        %le3A_462 = arith.cmpi sle, %add3A_458, %le3A_461 : i32
        %add3A_463 = arith.constant 20 : i32
        %add3A_464 = arith.addi %shift_right_arithmetic3A_364, %add3A_463 : i32
        %sub3A_465 = arith.constant 55 : i32
        %sub3A_466 = arith.subi %add3A_464, %sub3A_465 : i32
        %jit3A_467 = arith.constant 0 : i32
        %select_n3A_468 = arith.select %le3A_462, %jit3A_467, %sub3A_466 : i32
        %jit3A_469 = arith.constant 13 : i32
        %select_n3A_470 = arith.select %ge3A_460, %jit3A_469, %select_n3A_468 : i32
        %mul3A_471 = arith.constant 8 : i32
        %mul3A_472 = arith.muli %mul3A_471, %select_n3A_470 : i32
        %dma_start3A_473 = arith.constant 0 : i32
        %dma_start3A_474 = tpu.memref_slice %arg5[%mul3A_472, %dma_start3A_473] : memref<144x768xf32, #tpu.memory_space<vmem>> -> memref<32x768xf32, #tpu.memory_space<vmem>>
        %dma_start3A_475 = arith.constant 160 : i32
        %dma_start3A_476 = arith.constant 0 : i32
        %dma_start3A_477 = tpu.memref_slice %arg3[%sub3A_361, %dma_start3A_475, %dma_start3A_476] : memref<512x512x768xf32, #tpu.memory_space<hbm>> -> memref<1x32x768xf32, #tpu.memory_space<hbm>>
        %dma_start3A_478 = tpu.memref_squeeze %dma_start3A_477 : memref<1x32x768xf32, #tpu.memory_space<hbm>> -> memref<32x768xf32, #tpu.memory_space<hbm>>
        %dma_start3A_479 = arith.constant 160 : i32
        %dma_start3A_480 = arith.constant 0 : i32
        %dma_start3A_481 = tpu.memref_slice %arg3[%sub3A_361, %dma_start3A_479, %dma_start3A_480] : memref<512x512x768xf32, #tpu.memory_space<hbm>> -> memref<1x32x768xf32, #tpu.memory_space<hbm>>
        %dma_start3A_482 = tpu.memref_squeeze %dma_start3A_481 : memref<1x32x768xf32, #tpu.memory_space<hbm>> -> memref<32x768xf32, #tpu.memory_space<hbm>>
        %dma_start3A_483 = arith.constant 0 : i32
        %dma_start3A_484 = tpu.memref_slice %arg5[%mul3A_472, %dma_start3A_483] : memref<144x768xf32, #tpu.memory_space<vmem>> -> memref<32x768xf32, #tpu.memory_space<vmem>>
        tpu.enqueue_dma source(%dma_start3A_484 : memref<32x768xf32, #tpu.memory_space<vmem>>) target(%dma_start3A_482 : memref<32x768xf32, #tpu.memory_space<hbm>>) target_semaphore(%arg9 : memref<!tpu.dma_semaphore, #tpu.memory_space<semaphore_mem>>)
        %add3A_485 = arith.constant 192 : i32
        %add3A_486 = arith.addi %sub3A_363, %add3A_485 : i32
        %ge3A_487 = arith.constant 544 : i32
        %ge3A_488 = arith.cmpi sge, %add3A_486, %ge3A_487 : i32
        %le3A_489 = arith.constant 448 : i32
        %le3A_490 = arith.cmpi sle, %add3A_486, %le3A_489 : i32
        %add3A_491 = arith.constant 24 : i32
        %add3A_492 = arith.addi %shift_right_arithmetic3A_364, %add3A_491 : i32
        %sub3A_493 = arith.constant 55 : i32
        %sub3A_494 = arith.subi %add3A_492, %sub3A_493 : i32
        %jit3A_495 = arith.constant 0 : i32
        %select_n3A_496 = arith.select %le3A_490, %jit3A_495, %sub3A_494 : i32
        %jit3A_497 = arith.constant 13 : i32
        %select_n3A_498 = arith.select %ge3A_488, %jit3A_497, %select_n3A_496 : i32
        %mul3A_499 = arith.constant 8 : i32
        %mul3A_500 = arith.muli %mul3A_499, %select_n3A_498 : i32
        %dma_start3A_501 = arith.constant 0 : i32
        %dma_start3A_502 = tpu.memref_slice %arg5[%mul3A_500, %dma_start3A_501] : memref<144x768xf32, #tpu.memory_space<vmem>> -> memref<32x768xf32, #tpu.memory_space<vmem>>
        %dma_start3A_503 = arith.constant 192 : i32
        %dma_start3A_504 = arith.constant 0 : i32
        %dma_start3A_505 = tpu.memref_slice %arg3[%sub3A_361, %dma_start3A_503, %dma_start3A_504] : memref<512x512x768xf32, #tpu.memory_space<hbm>> -> memref<1x32x768xf32, #tpu.memory_space<hbm>>
        %dma_start3A_506 = tpu.memref_squeeze %dma_start3A_505 : memref<1x32x768xf32, #tpu.memory_space<hbm>> -> memref<32x768xf32, #tpu.memory_space<hbm>>
        %dma_start3A_507 = arith.constant 192 : i32
        %dma_start3A_508 = arith.constant 0 : i32
        %dma_start3A_509 = tpu.memref_slice %arg3[%sub3A_361, %dma_start3A_507, %dma_start3A_508] : memref<512x512x768xf32, #tpu.memory_space<hbm>> -> memref<1x32x768xf32, #tpu.memory_space<hbm>>
        %dma_start3A_510 = tpu.memref_squeeze %dma_start3A_509 : memref<1x32x768xf32, #tpu.memory_space<hbm>> -> memref<32x768xf32, #tpu.memory_space<hbm>>
        %dma_start3A_511 = arith.constant 0 : i32
        %dma_start3A_512 = tpu.memref_slice %arg5[%mul3A_500, %dma_start3A_511] : memref<144x768xf32, #tpu.memory_space<vmem>> -> memref<32x768xf32, #tpu.memory_space<vmem>>
        tpu.enqueue_dma source(%dma_start3A_512 : memref<32x768xf32, #tpu.memory_space<vmem>>) target(%dma_start3A_510 : memref<32x768xf32, #tpu.memory_space<hbm>>) target_semaphore(%arg9 : memref<!tpu.dma_semaphore, #tpu.memory_space<semaphore_mem>>)
        %add3A_513 = arith.constant 224 : i32
        %add3A_514 = arith.addi %sub3A_363, %add3A_513 : i32
        %ge3A_515 = arith.constant 544 : i32
        %ge3A_516 = arith.cmpi sge, %add3A_514, %ge3A_515 : i32
        %le3A_517 = arith.constant 448 : i32
        %le3A_518 = arith.cmpi sle, %add3A_514, %le3A_517 : i32
        %add3A_519 = arith.constant 28 : i32
        %add3A_520 = arith.addi %shift_right_arithmetic3A_364, %add3A_519 : i32
        %sub3A_521 = arith.constant 55 : i32
        %sub3A_522 = arith.subi %add3A_520, %sub3A_521 : i32
        %jit3A_523 = arith.constant 0 : i32
        %select_n3A_524 = arith.select %le3A_518, %jit3A_523, %sub3A_522 : i32
        %jit3A_525 = arith.constant 13 : i32
        %select_n3A_526 = arith.select %ge3A_516, %jit3A_525, %select_n3A_524 : i32
        %mul3A_527 = arith.constant 8 : i32
        %mul3A_528 = arith.muli %mul3A_527, %select_n3A_526 : i32
        %dma_start3A_529 = arith.constant 0 : i32
        %dma_start3A_530 = tpu.memref_slice %arg5[%mul3A_528, %dma_start3A_529] : memref<144x768xf32, #tpu.memory_space<vmem>> -> memref<32x768xf32, #tpu.memory_space<vmem>>
        %dma_start3A_531 = arith.constant 224 : i32
        %dma_start3A_532 = arith.constant 0 : i32
        %dma_start3A_533 = tpu.memref_slice %arg3[%sub3A_361, %dma_start3A_531, %dma_start3A_532] : memref<512x512x768xf32, #tpu.memory_space<hbm>> -> memref<1x32x768xf32, #tpu.memory_space<hbm>>
        %dma_start3A_534 = tpu.memref_squeeze %dma_start3A_533 : memref<1x32x768xf32, #tpu.memory_space<hbm>> -> memref<32x768xf32, #tpu.memory_space<hbm>>
        %dma_start3A_535 = arith.constant 224 : i32
        %dma_start3A_536 = arith.constant 0 : i32
        %dma_start3A_537 = tpu.memref_slice %arg3[%sub3A_361, %dma_start3A_535, %dma_start3A_536] : memref<512x512x768xf32, #tpu.memory_space<hbm>> -> memref<1x32x768xf32, #tpu.memory_space<hbm>>
        %dma_start3A_538 = tpu.memref_squeeze %dma_start3A_537 : memref<1x32x768xf32, #tpu.memory_space<hbm>> -> memref<32x768xf32, #tpu.memory_space<hbm>>
        %dma_start3A_539 = arith.constant 0 : i32
        %dma_start3A_540 = tpu.memref_slice %arg5[%mul3A_528, %dma_start3A_539] : memref<144x768xf32, #tpu.memory_space<vmem>> -> memref<32x768xf32, #tpu.memory_space<vmem>>
        tpu.enqueue_dma source(%dma_start3A_540 : memref<32x768xf32, #tpu.memory_space<vmem>>) target(%dma_start3A_538 : memref<32x768xf32, #tpu.memory_space<hbm>>) target_semaphore(%arg9 : memref<!tpu.dma_semaphore, #tpu.memory_space<semaphore_mem>>)
        %add3A_541 = arith.constant 256 : i32
        %add3A_542 = arith.addi %sub3A_363, %add3A_541 : i32
        %ge3A_543 = arith.constant 544 : i32
        %ge3A_544 = arith.cmpi sge, %add3A_542, %ge3A_543 : i32
        %le3A_545 = arith.constant 448 : i32
        %le3A_546 = arith.cmpi sle, %add3A_542, %le3A_545 : i32
        %add3A_547 = arith.constant 32 : i32
        %add3A_548 = arith.addi %shift_right_arithmetic3A_364, %add3A_547 : i32
        %sub3A_549 = arith.constant 55 : i32
        %sub3A_550 = arith.subi %add3A_548, %sub3A_549 : i32
        %jit3A_551 = arith.constant 0 : i32
        %select_n3A_552 = arith.select %le3A_546, %jit3A_551, %sub3A_550 : i32
        %jit3A_553 = arith.constant 13 : i32
        %select_n3A_554 = arith.select %ge3A_544, %jit3A_553, %select_n3A_552 : i32
        %mul3A_555 = arith.constant 8 : i32
        %mul3A_556 = arith.muli %mul3A_555, %select_n3A_554 : i32
        %dma_start3A_557 = arith.constant 0 : i32
        %dma_start3A_558 = tpu.memref_slice %arg5[%mul3A_556, %dma_start3A_557] : memref<144x768xf32, #tpu.memory_space<vmem>> -> memref<32x768xf32, #tpu.memory_space<vmem>>
        %dma_start3A_559 = arith.constant 256 : i32
        %dma_start3A_560 = arith.constant 0 : i32
        %dma_start3A_561 = tpu.memref_slice %arg3[%sub3A_361, %dma_start3A_559, %dma_start3A_560] : memref<512x512x768xf32, #tpu.memory_space<hbm>> -> memref<1x32x768xf32, #tpu.memory_space<hbm>>
        %dma_start3A_562 = tpu.memref_squeeze %dma_start3A_561 : memref<1x32x768xf32, #tpu.memory_space<hbm>> -> memref<32x768xf32, #tpu.memory_space<hbm>>
        %dma_start3A_563 = arith.constant 256 : i32
        %dma_start3A_564 = arith.constant 0 : i32
        %dma_start3A_565 = tpu.memref_slice %arg3[%sub3A_361, %dma_start3A_563, %dma_start3A_564] : memref<512x512x768xf32, #tpu.memory_space<hbm>> -> memref<1x32x768xf32, #tpu.memory_space<hbm>>
        %dma_start3A_566 = tpu.memref_squeeze %dma_start3A_565 : memref<1x32x768xf32, #tpu.memory_space<hbm>> -> memref<32x768xf32, #tpu.memory_space<hbm>>
        %dma_start3A_567 = arith.constant 0 : i32
        %dma_start3A_568 = tpu.memref_slice %arg5[%mul3A_556, %dma_start3A_567] : memref<144x768xf32, #tpu.memory_space<vmem>> -> memref<32x768xf32, #tpu.memory_space<vmem>>
        tpu.enqueue_dma source(%dma_start3A_568 : memref<32x768xf32, #tpu.memory_space<vmem>>) target(%dma_start3A_566 : memref<32x768xf32, #tpu.memory_space<hbm>>) target_semaphore(%arg9 : memref<!tpu.dma_semaphore, #tpu.memory_space<semaphore_mem>>)
        %add3A_569 = arith.addi %add3A, %scan3A_354 : i32
        %add3A_570 = arith.constant 9 : i32
        %add3A_571 = arith.addi %add3A_569, %add3A_570 : i32
        %and3A_572 = arith.constant 3 : i32
        %and3A_573 = arith.andi %add3A_571, %and3A_572 : i32
        %mul3A_574 = arith.constant 32 : i32
        %mul3A_575 = arith.muli %mul3A_574, %and3A_573 : i32
        %dma_start3A_576 = arith.constant 288 : i32
        %dma_start3A_577 = arith.constant 0 : i32
        %dma_start3A_578 = tpu.memref_slice %arg3[%sub3A_361, %dma_start3A_576, %dma_start3A_577] : memref<512x512x768xf32, #tpu.memory_space<hbm>> -> memref<1x32x768xf32, #tpu.memory_space<hbm>>
        %dma_start3A_579 = tpu.memref_squeeze %dma_start3A_578 : memref<1x32x768xf32, #tpu.memory_space<hbm>> -> memref<32x768xf32, #tpu.memory_space<hbm>>
        %dma_start3A_580 = arith.constant 0 : i32
        %dma_start3A_581 = tpu.memref_slice %arg7[%mul3A_575, %dma_start3A_580] : memref<128x768xf32, #tpu.memory_space<vmem_shared>> -> memref<32x768xf32, #tpu.memory_space<vmem_shared>>
        tpu.enqueue_dma source(%dma_start3A_581 : memref<32x768xf32, #tpu.memory_space<vmem_shared>>) target(%dma_start3A_579 : memref<32x768xf32, #tpu.memory_space<hbm>>) target_semaphore(%arg9 : memref<!tpu.dma_semaphore, #tpu.memory_space<semaphore_mem>>)
        %add3A_582 = arith.addi %add3A, %scan3A_354 : i32
        %add3A_583 = arith.constant 10 : i32
        %add3A_584 = arith.addi %add3A_582, %add3A_583 : i32
        %and3A_585 = arith.constant 3 : i32
        %and3A_586 = arith.andi %add3A_584, %and3A_585 : i32
        %mul3A_587 = arith.constant 32 : i32
        %mul3A_588 = arith.muli %mul3A_587, %and3A_586 : i32
        %dma_start3A_589 = arith.constant 320 : i32
        %dma_start3A_590 = arith.constant 0 : i32
        %dma_start3A_591 = tpu.memref_slice %arg3[%sub3A_361, %dma_start3A_589, %dma_start3A_590] : memref<512x512x768xf32, #tpu.memory_space<hbm>> -> memref<1x32x768xf32, #tpu.memory_space<hbm>>
        %dma_start3A_592 = tpu.memref_squeeze %dma_start3A_591 : memref<1x32x768xf32, #tpu.memory_space<hbm>> -> memref<32x768xf32, #tpu.memory_space<hbm>>
        %dma_start3A_593 = arith.constant 0 : i32
        %dma_start3A_594 = tpu.memref_slice %arg7[%mul3A_588, %dma_start3A_593] : memref<128x768xf32, #tpu.memory_space<vmem_shared>> -> memref<32x768xf32, #tpu.memory_space<vmem_shared>>
        tpu.enqueue_dma source(%dma_start3A_594 : memref<32x768xf32, #tpu.memory_space<vmem_shared>>) target(%dma_start3A_592 : memref<32x768xf32, #tpu.memory_space<hbm>>) target_semaphore(%arg9 : memref<!tpu.dma_semaphore, #tpu.memory_space<semaphore_mem>>)
        %add3A_595 = arith.addi %add3A, %scan3A_354 : i32
        %add3A_596 = arith.constant 11 : i32
        %add3A_597 = arith.addi %add3A_595, %add3A_596 : i32
        %and3A_598 = arith.constant 3 : i32
        %and3A_599 = arith.andi %add3A_597, %and3A_598 : i32
        %mul3A_600 = arith.constant 32 : i32
        %mul3A_601 = arith.muli %mul3A_600, %and3A_599 : i32
        %dma_start3A_602 = arith.constant 352 : i32
        %dma_start3A_603 = arith.constant 0 : i32
        %dma_start3A_604 = tpu.memref_slice %arg3[%sub3A_361, %dma_start3A_602, %dma_start3A_603] : memref<512x512x768xf32, #tpu.memory_space<hbm>> -> memref<1x32x768xf32, #tpu.memory_space<hbm>>
        %dma_start3A_605 = tpu.memref_squeeze %dma_start3A_604 : memref<1x32x768xf32, #tpu.memory_space<hbm>> -> memref<32x768xf32, #tpu.memory_space<hbm>>
        %dma_start3A_606 = arith.constant 0 : i32
        %dma_start3A_607 = tpu.memref_slice %arg7[%mul3A_601, %dma_start3A_606] : memref<128x768xf32, #tpu.memory_space<vmem_shared>> -> memref<32x768xf32, #tpu.memory_space<vmem_shared>>
        tpu.enqueue_dma source(%dma_start3A_607 : memref<32x768xf32, #tpu.memory_space<vmem_shared>>) target(%dma_start3A_605 : memref<32x768xf32, #tpu.memory_space<hbm>>) target_semaphore(%arg9 : memref<!tpu.dma_semaphore, #tpu.memory_space<semaphore_mem>>)
        %add3A_608 = arith.constant 384 : i32
        %add3A_609 = arith.addi %sub3A_363, %add3A_608 : i32
        %ge3A_610 = arith.constant 544 : i32
        %ge3A_611 = arith.cmpi sge, %add3A_609, %ge3A_610 : i32
        %le3A_612 = arith.constant 448 : i32
        %le3A_613 = arith.cmpi sle, %add3A_609, %le3A_612 : i32
        %add3A_614 = arith.constant 48 : i32
        %add3A_615 = arith.addi %shift_right_arithmetic3A_364, %add3A_614 : i32
        %sub3A_616 = arith.constant 55 : i32
        %sub3A_617 = arith.subi %add3A_615, %sub3A_616 : i32
        %jit3A_618 = arith.constant 0 : i32
        %select_n3A_619 = arith.select %le3A_613, %jit3A_618, %sub3A_617 : i32
        %jit3A_620 = arith.constant 13 : i32
        %select_n3A_621 = arith.select %ge3A_611, %jit3A_620, %select_n3A_619 : i32
        %mul3A_622 = arith.constant 8 : i32
        %mul3A_623 = arith.muli %mul3A_622, %select_n3A_621 : i32
        %dma_start3A_624 = arith.constant 0 : i32
        %dma_start3A_625 = tpu.memref_slice %arg5[%mul3A_623, %dma_start3A_624] : memref<144x768xf32, #tpu.memory_space<vmem>> -> memref<32x768xf32, #tpu.memory_space<vmem>>
        %dma_start3A_626 = arith.constant 384 : i32
        %dma_start3A_627 = arith.constant 0 : i32
        %dma_start3A_628 = tpu.memref_slice %arg3[%sub3A_361, %dma_start3A_626, %dma_start3A_627] : memref<512x512x768xf32, #tpu.memory_space<hbm>> -> memref<1x32x768xf32, #tpu.memory_space<hbm>>
        %dma_start3A_629 = tpu.memref_squeeze %dma_start3A_628 : memref<1x32x768xf32, #tpu.memory_space<hbm>> -> memref<32x768xf32, #tpu.memory_space<hbm>>
        %dma_start3A_630 = arith.constant 384 : i32
        %dma_start3A_631 = arith.constant 0 : i32
        %dma_start3A_632 = tpu.memref_slice %arg3[%sub3A_361, %dma_start3A_630, %dma_start3A_631] : memref<512x512x768xf32, #tpu.memory_space<hbm>> -> memref<1x32x768xf32, #tpu.memory_space<hbm>>
        %dma_start3A_633 = tpu.memref_squeeze %dma_start3A_632 : memref<1x32x768xf32, #tpu.memory_space<hbm>> -> memref<32x768xf32, #tpu.memory_space<hbm>>
        %dma_start3A_634 = arith.constant 0 : i32
        %dma_start3A_635 = tpu.memref_slice %arg5[%mul3A_623, %dma_start3A_634] : memref<144x768xf32, #tpu.memory_space<vmem>> -> memref<32x768xf32, #tpu.memory_space<vmem>>
        tpu.enqueue_dma source(%dma_start3A_635 : memref<32x768xf32, #tpu.memory_space<vmem>>) target(%dma_start3A_633 : memref<32x768xf32, #tpu.memory_space<hbm>>) target_semaphore(%arg9 : memref<!tpu.dma_semaphore, #tpu.memory_space<semaphore_mem>>)
        %add3A_636 = arith.addi %add3A, %scan3A_354 : i32
        %add3A_637 = arith.constant 13 : i32
        %add3A_638 = arith.addi %add3A_636, %add3A_637 : i32
        %and3A_639 = arith.constant 3 : i32
        %and3A_640 = arith.andi %add3A_638, %and3A_639 : i32
        %mul3A_641 = arith.constant 32 : i32
        %mul3A_642 = arith.muli %mul3A_641, %and3A_640 : i32
        %dma_start3A_643 = arith.constant 416 : i32
        %dma_start3A_644 = arith.constant 0 : i32
        %dma_start3A_645 = tpu.memref_slice %arg3[%sub3A_361, %dma_start3A_643, %dma_start3A_644] : memref<512x512x768xf32, #tpu.memory_space<hbm>> -> memref<1x32x768xf32, #tpu.memory_space<hbm>>
        %dma_start3A_646 = tpu.memref_squeeze %dma_start3A_645 : memref<1x32x768xf32, #tpu.memory_space<hbm>> -> memref<32x768xf32, #tpu.memory_space<hbm>>
        %dma_start3A_647 = arith.constant 0 : i32
        %dma_start3A_648 = tpu.memref_slice %arg7[%mul3A_642, %dma_start3A_647] : memref<128x768xf32, #tpu.memory_space<vmem_shared>> -> memref<32x768xf32, #tpu.memory_space<vmem_shared>>
        tpu.enqueue_dma source(%dma_start3A_648 : memref<32x768xf32, #tpu.memory_space<vmem_shared>>) target(%dma_start3A_646 : memref<32x768xf32, #tpu.memory_space<hbm>>) target_semaphore(%arg9 : memref<!tpu.dma_semaphore, #tpu.memory_space<semaphore_mem>>)
        %add3A_649 = arith.constant 448 : i32
        %add3A_650 = arith.addi %sub3A_363, %add3A_649 : i32
        %ge3A_651 = arith.constant 544 : i32
        %ge3A_652 = arith.cmpi sge, %add3A_650, %ge3A_651 : i32
        %le3A_653 = arith.constant 448 : i32
        %le3A_654 = arith.cmpi sle, %add3A_650, %le3A_653 : i32
        %add3A_655 = arith.constant 56 : i32
        %add3A_656 = arith.addi %shift_right_arithmetic3A_364, %add3A_655 : i32
        %sub3A_657 = arith.constant 55 : i32
        %sub3A_658 = arith.subi %add3A_656, %sub3A_657 : i32
        %jit3A_659 = arith.constant 0 : i32
        %select_n3A_660 = arith.select %le3A_654, %jit3A_659, %sub3A_658 : i32
        %jit3A_661 = arith.constant 13 : i32
        %select_n3A_662 = arith.select %ge3A_652, %jit3A_661, %select_n3A_660 : i32
        %mul3A_663 = arith.constant 8 : i32
        %mul3A_664 = arith.muli %mul3A_663, %select_n3A_662 : i32
        %dma_start3A_665 = arith.constant 0 : i32
        %dma_start3A_666 = tpu.memref_slice %arg5[%mul3A_664, %dma_start3A_665] : memref<144x768xf32, #tpu.memory_space<vmem>> -> memref<32x768xf32, #tpu.memory_space<vmem>>
        %dma_start3A_667 = arith.constant 448 : i32
        %dma_start3A_668 = arith.constant 0 : i32
        %dma_start3A_669 = tpu.memref_slice %arg3[%sub3A_361, %dma_start3A_667, %dma_start3A_668] : memref<512x512x768xf32, #tpu.memory_space<hbm>> -> memref<1x32x768xf32, #tpu.memory_space<hbm>>
        %dma_start3A_670 = tpu.memref_squeeze %dma_start3A_669 : memref<1x32x768xf32, #tpu.memory_space<hbm>> -> memref<32x768xf32, #tpu.memory_space<hbm>>
        %dma_start3A_671 = arith.constant 448 : i32
        %dma_start3A_672 = arith.constant 0 : i32
        %dma_start3A_673 = tpu.memref_slice %arg3[%sub3A_361, %dma_start3A_671, %dma_start3A_672] : memref<512x512x768xf32, #tpu.memory_space<hbm>> -> memref<1x32x768xf32, #tpu.memory_space<hbm>>
        %dma_start3A_674 = tpu.memref_squeeze %dma_start3A_673 : memref<1x32x768xf32, #tpu.memory_space<hbm>> -> memref<32x768xf32, #tpu.memory_space<hbm>>
        %dma_start3A_675 = arith.constant 0 : i32
        %dma_start3A_676 = tpu.memref_slice %arg5[%mul3A_664, %dma_start3A_675] : memref<144x768xf32, #tpu.memory_space<vmem>> -> memref<32x768xf32, #tpu.memory_space<vmem>>
        tpu.enqueue_dma source(%dma_start3A_676 : memref<32x768xf32, #tpu.memory_space<vmem>>) target(%dma_start3A_674 : memref<32x768xf32, #tpu.memory_space<hbm>>) target_semaphore(%arg9 : memref<!tpu.dma_semaphore, #tpu.memory_space<semaphore_mem>>)
        %add3A_677 = arith.addi %add3A, %scan3A_354 : i32
        %add3A_678 = arith.constant 15 : i32
        %add3A_679 = arith.addi %add3A_677, %add3A_678 : i32
        %and3A_680 = arith.constant 3 : i32
        %and3A_681 = arith.andi %add3A_679, %and3A_680 : i32
        %mul3A_682 = arith.constant 32 : i32
        %mul3A_683 = arith.muli %mul3A_682, %and3A_681 : i32
        %dma_start3A_684 = arith.constant 480 : i32
        %dma_start3A_685 = arith.constant 0 : i32
        %dma_start3A_686 = tpu.memref_slice %arg3[%sub3A_361, %dma_start3A_684, %dma_start3A_685] : memref<512x512x768xf32, #tpu.memory_space<hbm>> -> memref<1x32x768xf32, #tpu.memory_space<hbm>>
        %dma_start3A_687 = tpu.memref_squeeze %dma_start3A_686 : memref<1x32x768xf32, #tpu.memory_space<hbm>> -> memref<32x768xf32, #tpu.memory_space<hbm>>
        %dma_start3A_688 = arith.constant 0 : i32
        %dma_start3A_689 = tpu.memref_slice %arg7[%mul3A_683, %dma_start3A_688] : memref<128x768xf32, #tpu.memory_space<vmem_shared>> -> memref<32x768xf32, #tpu.memory_space<vmem_shared>>
        tpu.enqueue_dma source(%dma_start3A_689 : memref<32x768xf32, #tpu.memory_space<vmem_shared>>) target(%dma_start3A_687 : memref<32x768xf32, #tpu.memory_space<hbm>>) target_semaphore(%arg9 : memref<!tpu.dma_semaphore, #tpu.memory_space<semaphore_mem>>)
        %ge3A_690 = arith.constant 2 : i32
        %ge3A_691 = arith.cmpi sge, %scan3A_354, %ge3A_690 : i32
        %convert_element_type3A_692 = arith.extui %ge3A_691 : i1 to i32
        %cond3A_693 = arith.constant 0 : i32
        %cond3A_694 = arith.cmpi ne, %convert_element_type3A_692, %cond3A_693 : i32
        scf.if %cond3A_694 {
          %sub3A_695 = arith.constant 2 : i32
          %sub3A_696 = arith.subi %scan3A_354, %sub3A_695 : i32
          %mul3A_697 = arith.constant 8 : i32
          %mul3A_698 = arith.muli %mul3A_697, %sub3A_696 : i32
          %add3A_699 = arith.constant 128 : i32
          %add3A_700 = arith.addi %add3A_699, %mul3A_698 : i32
          %add3A_701 = arith.constant 7 : i32
          %add3A_702 = arith.addi %add3A_700, %add3A_701 : i32
          %sub3A_703 = arith.subi %add3A_702, %and3A_1 : i32
          %dma_wait3A_704 = arith.constant 0 : i32
          %dma_wait3A_705 = arith.constant 0 : i32
          %dma_wait3A_706 = tpu.memref_slice %arg3[%sub3A_703, %dma_wait3A_704, %dma_wait3A_705] : memref<512x512x768xf32, #tpu.memory_space<hbm>> -> memref<1x512x768xf32, #tpu.memory_space<hbm>>
          %dma_wait3A_707 = tpu.memref_squeeze %dma_wait3A_706 : memref<1x512x768xf32, #tpu.memory_space<hbm>> -> memref<512x768xf32, #tpu.memory_space<hbm>>
          %dma_wait3A_708 = arith.constant 0 : i32
          %dma_wait3A_709 = arith.constant 0 : i32
          %dma_wait3A_710 = tpu.memref_slice %arg3[%sub3A_703, %dma_wait3A_708, %dma_wait3A_709] : memref<512x512x768xf32, #tpu.memory_space<hbm>> -> memref<1x512x768xf32, #tpu.memory_space<hbm>>
          %dma_wait3A_711 = tpu.memref_squeeze %dma_wait3A_710 : memref<1x512x768xf32, #tpu.memory_space<hbm>> -> memref<512x768xf32, #tpu.memory_space<hbm>>
          tpu.wait_dma2 semaphore(%arg9 : memref<!tpu.dma_semaphore, #tpu.memory_space<semaphore_mem>>) src(%dma_wait3A_711 : memref<512x768xf32, #tpu.memory_space<hbm>>) dst(%dma_wait3A_707 : memref<512x768xf32, #tpu.memory_space<hbm>>)
        } else {
        }
      }
      %scan3A_333 = arith.constant 16 : i32
      %sub3A_334 = arith.constant 247 : i32
      %sub3A_335 = arith.subi %sub3A_334, %and3A_1 : i32
      %dma_wait3A_336 = arith.constant 0 : i32
      %dma_wait3A_337 = arith.constant 0 : i32
      %dma_wait3A_338 = tpu.memref_slice %arg3[%sub3A_335, %dma_wait3A_336, %dma_wait3A_337] : memref<512x512x768xf32, #tpu.memory_space<hbm>> -> memref<1x512x768xf32, #tpu.memory_space<hbm>>
      %dma_wait3A_339 = tpu.memref_squeeze %dma_wait3A_338 : memref<1x512x768xf32, #tpu.memory_space<hbm>> -> memref<512x768xf32, #tpu.memory_space<hbm>>
      %dma_wait3A_340 = arith.constant 0 : i32
      %dma_wait3A_341 = arith.constant 0 : i32
      %dma_wait3A_342 = tpu.memref_slice %arg3[%sub3A_335, %dma_wait3A_340, %dma_wait3A_341] : memref<512x512x768xf32, #tpu.memory_space<hbm>> -> memref<1x512x768xf32, #tpu.memory_space<hbm>>
      %dma_wait3A_343 = tpu.memref_squeeze %dma_wait3A_342 : memref<1x512x768xf32, #tpu.memory_space<hbm>> -> memref<512x768xf32, #tpu.memory_space<hbm>>
      tpu.wait_dma2 semaphore(%arg9 : memref<!tpu.dma_semaphore, #tpu.memory_space<semaphore_mem>>) src(%dma_wait3A_343 : memref<512x768xf32, #tpu.memory_space<hbm>>) dst(%dma_wait3A_339 : memref<512x768xf32, #tpu.memory_space<hbm>>)
      %sub3A_344 = arith.constant 255 : i32
      %sub3A_345 = arith.subi %sub3A_344, %and3A_1 : i32
      %dma_wait3A_346 = arith.constant 0 : i32
      %dma_wait3A_347 = arith.constant 0 : i32
      %dma_wait3A_348 = tpu.memref_slice %arg3[%sub3A_345, %dma_wait3A_346, %dma_wait3A_347] : memref<512x512x768xf32, #tpu.memory_space<hbm>> -> memref<1x512x768xf32, #tpu.memory_space<hbm>>
      %dma_wait3A_349 = tpu.memref_squeeze %dma_wait3A_348 : memref<1x512x768xf32, #tpu.memory_space<hbm>> -> memref<512x768xf32, #tpu.memory_space<hbm>>
      %dma_wait3A_350 = arith.constant 0 : i32
      %dma_wait3A_351 = arith.constant 0 : i32
      %dma_wait3A_352 = tpu.memref_slice %arg3[%sub3A_345, %dma_wait3A_350, %dma_wait3A_351] : memref<512x512x768xf32, #tpu.memory_space<hbm>> -> memref<1x512x768xf32, #tpu.memory_space<hbm>>
      %dma_wait3A_353 = tpu.memref_squeeze %dma_wait3A_352 : memref<1x512x768xf32, #tpu.memory_space<hbm>> -> memref<512x768xf32, #tpu.memory_space<hbm>>
      tpu.wait_dma2 semaphore(%arg9 : memref<!tpu.dma_semaphore, #tpu.memory_space<semaphore_mem>>) src(%dma_wait3A_353 : memref<512x768xf32, #tpu.memory_space<hbm>>) dst(%dma_wait3A_349 : memref<512x768xf32, #tpu.memory_space<hbm>>)
    } else {
    }
    %eq3A_319 = arith.constant 2 : i32
    %eq3A_320 = arith.cmpi eq, %shift_right_logical3A_2, %eq3A_319 : i32
    %convert_element_type3A_321 = arith.extui %eq3A_320 : i1 to i32
    %cond3A_322 = arith.constant 0 : i32
    %cond3A_323 = arith.cmpi ne, %convert_element_type3A_321, %cond3A_322 : i32
    scf.if %cond3A_323 {
      %scan3A = arith.constant 0 : i32
      %scan3A_329 = arith.constant 0 : i32
      %scan3A_330 = arith.constant 16 : i32
      %scan3A_331 = arith.addi %scan3A_329, %scan3A_330 : i32
      %scan3A_332 = arith.constant 1 : i32
      scf.for %scan3A_354 = %scan3A_329 to %scan3A_331 step %scan3A_332  : i32 {
        %mul3A_355 = arith.constant 8 : i32
        %mul3A_356 = arith.muli %mul3A_355, %scan3A_354 : i32
        %add3A_357 = arith.constant 256 : i32
        %add3A_358 = arith.addi %add3A_357, %mul3A_356 : i32
        %add3A_359 = arith.constant 7 : i32
        %add3A_360 = arith.addi %add3A_358, %add3A_359 : i32
        %sub3A_361 = arith.subi %add3A_360, %and3A_1 : i32
        %sub3A_362 = arith.constant 511 : i32
        %sub3A_363 = arith.subi %sub3A_362, %sub3A_361 : i32
        %shift_right_arithmetic3A = arith.constant 3 : i32
        %shift_right_arithmetic3A_364 = arith.shrsi %sub3A_363, %shift_right_arithmetic3A : i32
        %add3A_365 = arith.addi %add3A, %scan3A_354 : i32
        %add3A_366 = arith.constant 0 : i32
        %add3A_367 = arith.addi %add3A_365, %add3A_366 : i32
        %and3A_368 = arith.constant 3 : i32
        %and3A_369 = arith.andi %add3A_367, %and3A_368 : i32
        %mul3A_370 = arith.constant 32 : i32
        %mul3A_371 = arith.muli %mul3A_370, %and3A_369 : i32
        %dma_start3A_372 = arith.constant 0 : i32
        %dma_start3A_373 = arith.constant 0 : i32
        %dma_start3A_374 = tpu.memref_slice %arg3[%sub3A_361, %dma_start3A_372, %dma_start3A_373] : memref<512x512x768xf32, #tpu.memory_space<hbm>> -> memref<1x32x768xf32, #tpu.memory_space<hbm>>
        %dma_start3A_375 = tpu.memref_squeeze %dma_start3A_374 : memref<1x32x768xf32, #tpu.memory_space<hbm>> -> memref<32x768xf32, #tpu.memory_space<hbm>>
        %dma_start3A_376 = arith.constant 0 : i32
        %dma_start3A_377 = tpu.memref_slice %arg6[%mul3A_371, %dma_start3A_376] : memref<128x768xf32, #tpu.memory_space<vmem_shared>> -> memref<32x768xf32, #tpu.memory_space<vmem_shared>>
        tpu.enqueue_dma source(%dma_start3A_377 : memref<32x768xf32, #tpu.memory_space<vmem_shared>>) target(%dma_start3A_375 : memref<32x768xf32, #tpu.memory_space<hbm>>) target_semaphore(%arg9 : memref<!tpu.dma_semaphore, #tpu.memory_space<semaphore_mem>>)
        %add3A_378 = arith.addi %add3A, %scan3A_354 : i32
        %add3A_379 = arith.constant 1 : i32
        %add3A_380 = arith.addi %add3A_378, %add3A_379 : i32
        %and3A_381 = arith.constant 3 : i32
        %and3A_382 = arith.andi %add3A_380, %and3A_381 : i32
        %mul3A_383 = arith.constant 32 : i32
        %mul3A_384 = arith.muli %mul3A_383, %and3A_382 : i32
        %dma_start3A_385 = arith.constant 32 : i32
        %dma_start3A_386 = arith.constant 0 : i32
        %dma_start3A_387 = tpu.memref_slice %arg3[%sub3A_361, %dma_start3A_385, %dma_start3A_386] : memref<512x512x768xf32, #tpu.memory_space<hbm>> -> memref<1x32x768xf32, #tpu.memory_space<hbm>>
        %dma_start3A_388 = tpu.memref_squeeze %dma_start3A_387 : memref<1x32x768xf32, #tpu.memory_space<hbm>> -> memref<32x768xf32, #tpu.memory_space<hbm>>
        %dma_start3A_389 = arith.constant 0 : i32
        %dma_start3A_390 = tpu.memref_slice %arg6[%mul3A_384, %dma_start3A_389] : memref<128x768xf32, #tpu.memory_space<vmem_shared>> -> memref<32x768xf32, #tpu.memory_space<vmem_shared>>
        tpu.enqueue_dma source(%dma_start3A_390 : memref<32x768xf32, #tpu.memory_space<vmem_shared>>) target(%dma_start3A_388 : memref<32x768xf32, #tpu.memory_space<hbm>>) target_semaphore(%arg9 : memref<!tpu.dma_semaphore, #tpu.memory_space<semaphore_mem>>)
        %add3A_391 = arith.addi %add3A, %scan3A_354 : i32
        %add3A_392 = arith.constant 2 : i32
        %add3A_393 = arith.addi %add3A_391, %add3A_392 : i32
        %and3A_394 = arith.constant 3 : i32
        %and3A_395 = arith.andi %add3A_393, %and3A_394 : i32
        %mul3A_396 = arith.constant 32 : i32
        %mul3A_397 = arith.muli %mul3A_396, %and3A_395 : i32
        %dma_start3A_398 = arith.constant 64 : i32
        %dma_start3A_399 = arith.constant 0 : i32
        %dma_start3A_400 = tpu.memref_slice %arg3[%sub3A_361, %dma_start3A_398, %dma_start3A_399] : memref<512x512x768xf32, #tpu.memory_space<hbm>> -> memref<1x32x768xf32, #tpu.memory_space<hbm>>
        %dma_start3A_401 = tpu.memref_squeeze %dma_start3A_400 : memref<1x32x768xf32, #tpu.memory_space<hbm>> -> memref<32x768xf32, #tpu.memory_space<hbm>>
        %dma_start3A_402 = arith.constant 0 : i32
        %dma_start3A_403 = tpu.memref_slice %arg6[%mul3A_397, %dma_start3A_402] : memref<128x768xf32, #tpu.memory_space<vmem_shared>> -> memref<32x768xf32, #tpu.memory_space<vmem_shared>>
        tpu.enqueue_dma source(%dma_start3A_403 : memref<32x768xf32, #tpu.memory_space<vmem_shared>>) target(%dma_start3A_401 : memref<32x768xf32, #tpu.memory_space<hbm>>) target_semaphore(%arg9 : memref<!tpu.dma_semaphore, #tpu.memory_space<semaphore_mem>>)
        %add3A_404 = arith.constant 96 : i32
        %add3A_405 = arith.addi %sub3A_363, %add3A_404 : i32
        %ge3A = arith.constant 544 : i32
        %ge3A_406 = arith.cmpi sge, %add3A_405, %ge3A : i32
        %le3A = arith.constant 448 : i32
        %le3A_407 = arith.cmpi sle, %add3A_405, %le3A : i32
        %add3A_408 = arith.constant 12 : i32
        %add3A_409 = arith.addi %shift_right_arithmetic3A_364, %add3A_408 : i32
        %sub3A_410 = arith.constant 55 : i32
        %sub3A_411 = arith.subi %add3A_409, %sub3A_410 : i32
        %jit3A_412 = arith.constant 0 : i32
        %select_n3A = arith.select %le3A_407, %jit3A_412, %sub3A_411 : i32
        %jit3A_413 = arith.constant 13 : i32
        %select_n3A_414 = arith.select %ge3A_406, %jit3A_413, %select_n3A : i32
        %mul3A_415 = arith.constant 8 : i32
        %mul3A_416 = arith.muli %mul3A_415, %select_n3A_414 : i32
        %dma_start3A_417 = arith.constant 0 : i32
        %dma_start3A_418 = tpu.memref_slice %arg5[%mul3A_416, %dma_start3A_417] : memref<144x768xf32, #tpu.memory_space<vmem>> -> memref<32x768xf32, #tpu.memory_space<vmem>>
        %dma_start3A_419 = arith.constant 96 : i32
        %dma_start3A_420 = arith.constant 0 : i32
        %dma_start3A_421 = tpu.memref_slice %arg3[%sub3A_361, %dma_start3A_419, %dma_start3A_420] : memref<512x512x768xf32, #tpu.memory_space<hbm>> -> memref<1x32x768xf32, #tpu.memory_space<hbm>>
        %dma_start3A_422 = tpu.memref_squeeze %dma_start3A_421 : memref<1x32x768xf32, #tpu.memory_space<hbm>> -> memref<32x768xf32, #tpu.memory_space<hbm>>
        %dma_start3A_423 = arith.constant 96 : i32
        %dma_start3A_424 = arith.constant 0 : i32
        %dma_start3A_425 = tpu.memref_slice %arg3[%sub3A_361, %dma_start3A_423, %dma_start3A_424] : memref<512x512x768xf32, #tpu.memory_space<hbm>> -> memref<1x32x768xf32, #tpu.memory_space<hbm>>
        %dma_start3A_426 = tpu.memref_squeeze %dma_start3A_425 : memref<1x32x768xf32, #tpu.memory_space<hbm>> -> memref<32x768xf32, #tpu.memory_space<hbm>>
        %dma_start3A_427 = arith.constant 0 : i32
        %dma_start3A_428 = tpu.memref_slice %arg5[%mul3A_416, %dma_start3A_427] : memref<144x768xf32, #tpu.memory_space<vmem>> -> memref<32x768xf32, #tpu.memory_space<vmem>>
        tpu.enqueue_dma source(%dma_start3A_428 : memref<32x768xf32, #tpu.memory_space<vmem>>) target(%dma_start3A_426 : memref<32x768xf32, #tpu.memory_space<hbm>>) target_semaphore(%arg9 : memref<!tpu.dma_semaphore, #tpu.memory_space<semaphore_mem>>)
        %add3A_429 = arith.addi %add3A, %scan3A_354 : i32
        %add3A_430 = arith.constant 4 : i32
        %add3A_431 = arith.addi %add3A_429, %add3A_430 : i32
        %and3A_432 = arith.constant 3 : i32
        %and3A_433 = arith.andi %add3A_431, %and3A_432 : i32
        %mul3A_434 = arith.constant 32 : i32
        %mul3A_435 = arith.muli %mul3A_434, %and3A_433 : i32
        %dma_start3A_436 = arith.constant 128 : i32
        %dma_start3A_437 = arith.constant 0 : i32
        %dma_start3A_438 = tpu.memref_slice %arg3[%sub3A_361, %dma_start3A_436, %dma_start3A_437] : memref<512x512x768xf32, #tpu.memory_space<hbm>> -> memref<1x32x768xf32, #tpu.memory_space<hbm>>
        %dma_start3A_439 = tpu.memref_squeeze %dma_start3A_438 : memref<1x32x768xf32, #tpu.memory_space<hbm>> -> memref<32x768xf32, #tpu.memory_space<hbm>>
        %dma_start3A_440 = arith.constant 0 : i32
        %dma_start3A_441 = tpu.memref_slice %arg6[%mul3A_435, %dma_start3A_440] : memref<128x768xf32, #tpu.memory_space<vmem_shared>> -> memref<32x768xf32, #tpu.memory_space<vmem_shared>>
        tpu.enqueue_dma source(%dma_start3A_441 : memref<32x768xf32, #tpu.memory_space<vmem_shared>>) target(%dma_start3A_439 : memref<32x768xf32, #tpu.memory_space<hbm>>) target_semaphore(%arg9 : memref<!tpu.dma_semaphore, #tpu.memory_space<semaphore_mem>>)
        %add3A_442 = arith.constant 160 : i32
        %add3A_443 = arith.addi %sub3A_363, %add3A_442 : i32
        %ge3A_444 = arith.constant 544 : i32
        %ge3A_445 = arith.cmpi sge, %add3A_443, %ge3A_444 : i32
        %le3A_446 = arith.constant 448 : i32
        %le3A_447 = arith.cmpi sle, %add3A_443, %le3A_446 : i32
        %add3A_448 = arith.constant 20 : i32
        %add3A_449 = arith.addi %shift_right_arithmetic3A_364, %add3A_448 : i32
        %sub3A_450 = arith.constant 55 : i32
        %sub3A_451 = arith.subi %add3A_449, %sub3A_450 : i32
        %jit3A_452 = arith.constant 0 : i32
        %select_n3A_453 = arith.select %le3A_447, %jit3A_452, %sub3A_451 : i32
        %jit3A_454 = arith.constant 13 : i32
        %select_n3A_455 = arith.select %ge3A_445, %jit3A_454, %select_n3A_453 : i32
        %mul3A_456 = arith.constant 8 : i32
        %mul3A_457 = arith.muli %mul3A_456, %select_n3A_455 : i32
        %dma_start3A_458 = arith.constant 0 : i32
        %dma_start3A_459 = tpu.memref_slice %arg5[%mul3A_457, %dma_start3A_458] : memref<144x768xf32, #tpu.memory_space<vmem>> -> memref<32x768xf32, #tpu.memory_space<vmem>>
        %dma_start3A_460 = arith.constant 160 : i32
        %dma_start3A_461 = arith.constant 0 : i32
        %dma_start3A_462 = tpu.memref_slice %arg3[%sub3A_361, %dma_start3A_460, %dma_start3A_461] : memref<512x512x768xf32, #tpu.memory_space<hbm>> -> memref<1x32x768xf32, #tpu.memory_space<hbm>>
        %dma_start3A_463 = tpu.memref_squeeze %dma_start3A_462 : memref<1x32x768xf32, #tpu.memory_space<hbm>> -> memref<32x768xf32, #tpu.memory_space<hbm>>
        %dma_start3A_464 = arith.constant 160 : i32
        %dma_start3A_465 = arith.constant 0 : i32
        %dma_start3A_466 = tpu.memref_slice %arg3[%sub3A_361, %dma_start3A_464, %dma_start3A_465] : memref<512x512x768xf32, #tpu.memory_space<hbm>> -> memref<1x32x768xf32, #tpu.memory_space<hbm>>
        %dma_start3A_467 = tpu.memref_squeeze %dma_start3A_466 : memref<1x32x768xf32, #tpu.memory_space<hbm>> -> memref<32x768xf32, #tpu.memory_space<hbm>>
        %dma_start3A_468 = arith.constant 0 : i32
        %dma_start3A_469 = tpu.memref_slice %arg5[%mul3A_457, %dma_start3A_468] : memref<144x768xf32, #tpu.memory_space<vmem>> -> memref<32x768xf32, #tpu.memory_space<vmem>>
        tpu.enqueue_dma source(%dma_start3A_469 : memref<32x768xf32, #tpu.memory_space<vmem>>) target(%dma_start3A_467 : memref<32x768xf32, #tpu.memory_space<hbm>>) target_semaphore(%arg9 : memref<!tpu.dma_semaphore, #tpu.memory_space<semaphore_mem>>)
        %add3A_470 = arith.addi %add3A, %scan3A_354 : i32
        %add3A_471 = arith.constant 6 : i32
        %add3A_472 = arith.addi %add3A_470, %add3A_471 : i32
        %and3A_473 = arith.constant 3 : i32
        %and3A_474 = arith.andi %add3A_472, %and3A_473 : i32
        %mul3A_475 = arith.constant 32 : i32
        %mul3A_476 = arith.muli %mul3A_475, %and3A_474 : i32
        %dma_start3A_477 = arith.constant 192 : i32
        %dma_start3A_478 = arith.constant 0 : i32
        %dma_start3A_479 = tpu.memref_slice %arg3[%sub3A_361, %dma_start3A_477, %dma_start3A_478] : memref<512x512x768xf32, #tpu.memory_space<hbm>> -> memref<1x32x768xf32, #tpu.memory_space<hbm>>
        %dma_start3A_480 = tpu.memref_squeeze %dma_start3A_479 : memref<1x32x768xf32, #tpu.memory_space<hbm>> -> memref<32x768xf32, #tpu.memory_space<hbm>>
        %dma_start3A_481 = arith.constant 0 : i32
        %dma_start3A_482 = tpu.memref_slice %arg6[%mul3A_476, %dma_start3A_481] : memref<128x768xf32, #tpu.memory_space<vmem_shared>> -> memref<32x768xf32, #tpu.memory_space<vmem_shared>>
        tpu.enqueue_dma source(%dma_start3A_482 : memref<32x768xf32, #tpu.memory_space<vmem_shared>>) target(%dma_start3A_480 : memref<32x768xf32, #tpu.memory_space<hbm>>) target_semaphore(%arg9 : memref<!tpu.dma_semaphore, #tpu.memory_space<semaphore_mem>>)
        %add3A_483 = arith.constant 224 : i32
        %add3A_484 = arith.addi %sub3A_363, %add3A_483 : i32
        %ge3A_485 = arith.constant 544 : i32
        %ge3A_486 = arith.cmpi sge, %add3A_484, %ge3A_485 : i32
        %le3A_487 = arith.constant 448 : i32
        %le3A_488 = arith.cmpi sle, %add3A_484, %le3A_487 : i32
        %add3A_489 = arith.constant 28 : i32
        %add3A_490 = arith.addi %shift_right_arithmetic3A_364, %add3A_489 : i32
        %sub3A_491 = arith.constant 55 : i32
        %sub3A_492 = arith.subi %add3A_490, %sub3A_491 : i32
        %jit3A_493 = arith.constant 0 : i32
        %select_n3A_494 = arith.select %le3A_488, %jit3A_493, %sub3A_492 : i32
        %jit3A_495 = arith.constant 13 : i32
        %select_n3A_496 = arith.select %ge3A_486, %jit3A_495, %select_n3A_494 : i32
        %mul3A_497 = arith.constant 8 : i32
        %mul3A_498 = arith.muli %mul3A_497, %select_n3A_496 : i32
        %dma_start3A_499 = arith.constant 0 : i32
        %dma_start3A_500 = tpu.memref_slice %arg5[%mul3A_498, %dma_start3A_499] : memref<144x768xf32, #tpu.memory_space<vmem>> -> memref<32x768xf32, #tpu.memory_space<vmem>>
        %dma_start3A_501 = arith.constant 224 : i32
        %dma_start3A_502 = arith.constant 0 : i32
        %dma_start3A_503 = tpu.memref_slice %arg3[%sub3A_361, %dma_start3A_501, %dma_start3A_502] : memref<512x512x768xf32, #tpu.memory_space<hbm>> -> memref<1x32x768xf32, #tpu.memory_space<hbm>>
        %dma_start3A_504 = tpu.memref_squeeze %dma_start3A_503 : memref<1x32x768xf32, #tpu.memory_space<hbm>> -> memref<32x768xf32, #tpu.memory_space<hbm>>
        %dma_start3A_505 = arith.constant 224 : i32
        %dma_start3A_506 = arith.constant 0 : i32
        %dma_start3A_507 = tpu.memref_slice %arg3[%sub3A_361, %dma_start3A_505, %dma_start3A_506] : memref<512x512x768xf32, #tpu.memory_space<hbm>> -> memref<1x32x768xf32, #tpu.memory_space<hbm>>
        %dma_start3A_508 = tpu.memref_squeeze %dma_start3A_507 : memref<1x32x768xf32, #tpu.memory_space<hbm>> -> memref<32x768xf32, #tpu.memory_space<hbm>>
        %dma_start3A_509 = arith.constant 0 : i32
        %dma_start3A_510 = tpu.memref_slice %arg5[%mul3A_498, %dma_start3A_509] : memref<144x768xf32, #tpu.memory_space<vmem>> -> memref<32x768xf32, #tpu.memory_space<vmem>>
        tpu.enqueue_dma source(%dma_start3A_510 : memref<32x768xf32, #tpu.memory_space<vmem>>) target(%dma_start3A_508 : memref<32x768xf32, #tpu.memory_space<hbm>>) target_semaphore(%arg9 : memref<!tpu.dma_semaphore, #tpu.memory_space<semaphore_mem>>)
        %add3A_511 = arith.constant 256 : i32
        %add3A_512 = arith.addi %sub3A_363, %add3A_511 : i32
        %ge3A_513 = arith.constant 544 : i32
        %ge3A_514 = arith.cmpi sge, %add3A_512, %ge3A_513 : i32
        %le3A_515 = arith.constant 448 : i32
        %le3A_516 = arith.cmpi sle, %add3A_512, %le3A_515 : i32
        %add3A_517 = arith.constant 32 : i32
        %add3A_518 = arith.addi %shift_right_arithmetic3A_364, %add3A_517 : i32
        %sub3A_519 = arith.constant 55 : i32
        %sub3A_520 = arith.subi %add3A_518, %sub3A_519 : i32
        %jit3A_521 = arith.constant 0 : i32
        %select_n3A_522 = arith.select %le3A_516, %jit3A_521, %sub3A_520 : i32
        %jit3A_523 = arith.constant 13 : i32
        %select_n3A_524 = arith.select %ge3A_514, %jit3A_523, %select_n3A_522 : i32
        %mul3A_525 = arith.constant 8 : i32
        %mul3A_526 = arith.muli %mul3A_525, %select_n3A_524 : i32
        %dma_start3A_527 = arith.constant 0 : i32
        %dma_start3A_528 = tpu.memref_slice %arg5[%mul3A_526, %dma_start3A_527] : memref<144x768xf32, #tpu.memory_space<vmem>> -> memref<32x768xf32, #tpu.memory_space<vmem>>
        %dma_start3A_529 = arith.constant 256 : i32
        %dma_start3A_530 = arith.constant 0 : i32
        %dma_start3A_531 = tpu.memref_slice %arg3[%sub3A_361, %dma_start3A_529, %dma_start3A_530] : memref<512x512x768xf32, #tpu.memory_space<hbm>> -> memref<1x32x768xf32, #tpu.memory_space<hbm>>
        %dma_start3A_532 = tpu.memref_squeeze %dma_start3A_531 : memref<1x32x768xf32, #tpu.memory_space<hbm>> -> memref<32x768xf32, #tpu.memory_space<hbm>>
        %dma_start3A_533 = arith.constant 256 : i32
        %dma_start3A_534 = arith.constant 0 : i32
        %dma_start3A_535 = tpu.memref_slice %arg3[%sub3A_361, %dma_start3A_533, %dma_start3A_534] : memref<512x512x768xf32, #tpu.memory_space<hbm>> -> memref<1x32x768xf32, #tpu.memory_space<hbm>>
        %dma_start3A_536 = tpu.memref_squeeze %dma_start3A_535 : memref<1x32x768xf32, #tpu.memory_space<hbm>> -> memref<32x768xf32, #tpu.memory_space<hbm>>
        %dma_start3A_537 = arith.constant 0 : i32
        %dma_start3A_538 = tpu.memref_slice %arg5[%mul3A_526, %dma_start3A_537] : memref<144x768xf32, #tpu.memory_space<vmem>> -> memref<32x768xf32, #tpu.memory_space<vmem>>
        tpu.enqueue_dma source(%dma_start3A_538 : memref<32x768xf32, #tpu.memory_space<vmem>>) target(%dma_start3A_536 : memref<32x768xf32, #tpu.memory_space<hbm>>) target_semaphore(%arg9 : memref<!tpu.dma_semaphore, #tpu.memory_space<semaphore_mem>>)
        %add3A_539 = arith.constant 288 : i32
        %add3A_540 = arith.addi %sub3A_363, %add3A_539 : i32
        %ge3A_541 = arith.constant 544 : i32
        %ge3A_542 = arith.cmpi sge, %add3A_540, %ge3A_541 : i32
        %le3A_543 = arith.constant 448 : i32
        %le3A_544 = arith.cmpi sle, %add3A_540, %le3A_543 : i32
        %add3A_545 = arith.constant 36 : i32
        %add3A_546 = arith.addi %shift_right_arithmetic3A_364, %add3A_545 : i32
        %sub3A_547 = arith.constant 55 : i32
        %sub3A_548 = arith.subi %add3A_546, %sub3A_547 : i32
        %jit3A_549 = arith.constant 0 : i32
        %select_n3A_550 = arith.select %le3A_544, %jit3A_549, %sub3A_548 : i32
        %jit3A_551 = arith.constant 13 : i32
        %select_n3A_552 = arith.select %ge3A_542, %jit3A_551, %select_n3A_550 : i32
        %mul3A_553 = arith.constant 8 : i32
        %mul3A_554 = arith.muli %mul3A_553, %select_n3A_552 : i32
        %dma_start3A_555 = arith.constant 0 : i32
        %dma_start3A_556 = tpu.memref_slice %arg5[%mul3A_554, %dma_start3A_555] : memref<144x768xf32, #tpu.memory_space<vmem>> -> memref<32x768xf32, #tpu.memory_space<vmem>>
        %dma_start3A_557 = arith.constant 288 : i32
        %dma_start3A_558 = arith.constant 0 : i32
        %dma_start3A_559 = tpu.memref_slice %arg3[%sub3A_361, %dma_start3A_557, %dma_start3A_558] : memref<512x512x768xf32, #tpu.memory_space<hbm>> -> memref<1x32x768xf32, #tpu.memory_space<hbm>>
        %dma_start3A_560 = tpu.memref_squeeze %dma_start3A_559 : memref<1x32x768xf32, #tpu.memory_space<hbm>> -> memref<32x768xf32, #tpu.memory_space<hbm>>
        %dma_start3A_561 = arith.constant 288 : i32
        %dma_start3A_562 = arith.constant 0 : i32
        %dma_start3A_563 = tpu.memref_slice %arg3[%sub3A_361, %dma_start3A_561, %dma_start3A_562] : memref<512x512x768xf32, #tpu.memory_space<hbm>> -> memref<1x32x768xf32, #tpu.memory_space<hbm>>
        %dma_start3A_564 = tpu.memref_squeeze %dma_start3A_563 : memref<1x32x768xf32, #tpu.memory_space<hbm>> -> memref<32x768xf32, #tpu.memory_space<hbm>>
        %dma_start3A_565 = arith.constant 0 : i32
        %dma_start3A_566 = tpu.memref_slice %arg5[%mul3A_554, %dma_start3A_565] : memref<144x768xf32, #tpu.memory_space<vmem>> -> memref<32x768xf32, #tpu.memory_space<vmem>>
        tpu.enqueue_dma source(%dma_start3A_566 : memref<32x768xf32, #tpu.memory_space<vmem>>) target(%dma_start3A_564 : memref<32x768xf32, #tpu.memory_space<hbm>>) target_semaphore(%arg9 : memref<!tpu.dma_semaphore, #tpu.memory_space<semaphore_mem>>)
        %add3A_567 = arith.constant 320 : i32
        %add3A_568 = arith.addi %sub3A_363, %add3A_567 : i32
        %ge3A_569 = arith.constant 544 : i32
        %ge3A_570 = arith.cmpi sge, %add3A_568, %ge3A_569 : i32
        %le3A_571 = arith.constant 448 : i32
        %le3A_572 = arith.cmpi sle, %add3A_568, %le3A_571 : i32
        %add3A_573 = arith.constant 40 : i32
        %add3A_574 = arith.addi %shift_right_arithmetic3A_364, %add3A_573 : i32
        %sub3A_575 = arith.constant 55 : i32
        %sub3A_576 = arith.subi %add3A_574, %sub3A_575 : i32
        %jit3A_577 = arith.constant 0 : i32
        %select_n3A_578 = arith.select %le3A_572, %jit3A_577, %sub3A_576 : i32
        %jit3A_579 = arith.constant 13 : i32
        %select_n3A_580 = arith.select %ge3A_570, %jit3A_579, %select_n3A_578 : i32
        %mul3A_581 = arith.constant 8 : i32
        %mul3A_582 = arith.muli %mul3A_581, %select_n3A_580 : i32
        %dma_start3A_583 = arith.constant 0 : i32
        %dma_start3A_584 = tpu.memref_slice %arg5[%mul3A_582, %dma_start3A_583] : memref<144x768xf32, #tpu.memory_space<vmem>> -> memref<32x768xf32, #tpu.memory_space<vmem>>
        %dma_start3A_585 = arith.constant 320 : i32
        %dma_start3A_586 = arith.constant 0 : i32
        %dma_start3A_587 = tpu.memref_slice %arg3[%sub3A_361, %dma_start3A_585, %dma_start3A_586] : memref<512x512x768xf32, #tpu.memory_space<hbm>> -> memref<1x32x768xf32, #tpu.memory_space<hbm>>
        %dma_start3A_588 = tpu.memref_squeeze %dma_start3A_587 : memref<1x32x768xf32, #tpu.memory_space<hbm>> -> memref<32x768xf32, #tpu.memory_space<hbm>>
        %dma_start3A_589 = arith.constant 320 : i32
        %dma_start3A_590 = arith.constant 0 : i32
        %dma_start3A_591 = tpu.memref_slice %arg3[%sub3A_361, %dma_start3A_589, %dma_start3A_590] : memref<512x512x768xf32, #tpu.memory_space<hbm>> -> memref<1x32x768xf32, #tpu.memory_space<hbm>>
        %dma_start3A_592 = tpu.memref_squeeze %dma_start3A_591 : memref<1x32x768xf32, #tpu.memory_space<hbm>> -> memref<32x768xf32, #tpu.memory_space<hbm>>
        %dma_start3A_593 = arith.constant 0 : i32
        %dma_start3A_594 = tpu.memref_slice %arg5[%mul3A_582, %dma_start3A_593] : memref<144x768xf32, #tpu.memory_space<vmem>> -> memref<32x768xf32, #tpu.memory_space<vmem>>
        tpu.enqueue_dma source(%dma_start3A_594 : memref<32x768xf32, #tpu.memory_space<vmem>>) target(%dma_start3A_592 : memref<32x768xf32, #tpu.memory_space<hbm>>) target_semaphore(%arg9 : memref<!tpu.dma_semaphore, #tpu.memory_space<semaphore_mem>>)
        %add3A_595 = arith.constant 352 : i32
        %add3A_596 = arith.addi %sub3A_363, %add3A_595 : i32
        %ge3A_597 = arith.constant 544 : i32
        %ge3A_598 = arith.cmpi sge, %add3A_596, %ge3A_597 : i32
        %le3A_599 = arith.constant 448 : i32
        %le3A_600 = arith.cmpi sle, %add3A_596, %le3A_599 : i32
        %add3A_601 = arith.constant 44 : i32
        %add3A_602 = arith.addi %shift_right_arithmetic3A_364, %add3A_601 : i32
        %sub3A_603 = arith.constant 55 : i32
        %sub3A_604 = arith.subi %add3A_602, %sub3A_603 : i32
        %jit3A_605 = arith.constant 0 : i32
        %select_n3A_606 = arith.select %le3A_600, %jit3A_605, %sub3A_604 : i32
        %jit3A_607 = arith.constant 13 : i32
        %select_n3A_608 = arith.select %ge3A_598, %jit3A_607, %select_n3A_606 : i32
        %mul3A_609 = arith.constant 8 : i32
        %mul3A_610 = arith.muli %mul3A_609, %select_n3A_608 : i32
        %dma_start3A_611 = arith.constant 0 : i32
        %dma_start3A_612 = tpu.memref_slice %arg5[%mul3A_610, %dma_start3A_611] : memref<144x768xf32, #tpu.memory_space<vmem>> -> memref<32x768xf32, #tpu.memory_space<vmem>>
        %dma_start3A_613 = arith.constant 352 : i32
        %dma_start3A_614 = arith.constant 0 : i32
        %dma_start3A_615 = tpu.memref_slice %arg3[%sub3A_361, %dma_start3A_613, %dma_start3A_614] : memref<512x512x768xf32, #tpu.memory_space<hbm>> -> memref<1x32x768xf32, #tpu.memory_space<hbm>>
        %dma_start3A_616 = tpu.memref_squeeze %dma_start3A_615 : memref<1x32x768xf32, #tpu.memory_space<hbm>> -> memref<32x768xf32, #tpu.memory_space<hbm>>
        %dma_start3A_617 = arith.constant 352 : i32
        %dma_start3A_618 = arith.constant 0 : i32
        %dma_start3A_619 = tpu.memref_slice %arg3[%sub3A_361, %dma_start3A_617, %dma_start3A_618] : memref<512x512x768xf32, #tpu.memory_space<hbm>> -> memref<1x32x768xf32, #tpu.memory_space<hbm>>
        %dma_start3A_620 = tpu.memref_squeeze %dma_start3A_619 : memref<1x32x768xf32, #tpu.memory_space<hbm>> -> memref<32x768xf32, #tpu.memory_space<hbm>>
        %dma_start3A_621 = arith.constant 0 : i32
        %dma_start3A_622 = tpu.memref_slice %arg5[%mul3A_610, %dma_start3A_621] : memref<144x768xf32, #tpu.memory_space<vmem>> -> memref<32x768xf32, #tpu.memory_space<vmem>>
        tpu.enqueue_dma source(%dma_start3A_622 : memref<32x768xf32, #tpu.memory_space<vmem>>) target(%dma_start3A_620 : memref<32x768xf32, #tpu.memory_space<hbm>>) target_semaphore(%arg9 : memref<!tpu.dma_semaphore, #tpu.memory_space<semaphore_mem>>)
        %add3A_623 = arith.constant 384 : i32
        %add3A_624 = arith.addi %sub3A_363, %add3A_623 : i32
        %ge3A_625 = arith.constant 544 : i32
        %ge3A_626 = arith.cmpi sge, %add3A_624, %ge3A_625 : i32
        %le3A_627 = arith.constant 448 : i32
        %le3A_628 = arith.cmpi sle, %add3A_624, %le3A_627 : i32
        %add3A_629 = arith.constant 48 : i32
        %add3A_630 = arith.addi %shift_right_arithmetic3A_364, %add3A_629 : i32
        %sub3A_631 = arith.constant 55 : i32
        %sub3A_632 = arith.subi %add3A_630, %sub3A_631 : i32
        %jit3A_633 = arith.constant 0 : i32
        %select_n3A_634 = arith.select %le3A_628, %jit3A_633, %sub3A_632 : i32
        %jit3A_635 = arith.constant 13 : i32
        %select_n3A_636 = arith.select %ge3A_626, %jit3A_635, %select_n3A_634 : i32
        %mul3A_637 = arith.constant 8 : i32
        %mul3A_638 = arith.muli %mul3A_637, %select_n3A_636 : i32
        %dma_start3A_639 = arith.constant 0 : i32
        %dma_start3A_640 = tpu.memref_slice %arg5[%mul3A_638, %dma_start3A_639] : memref<144x768xf32, #tpu.memory_space<vmem>> -> memref<32x768xf32, #tpu.memory_space<vmem>>
        %dma_start3A_641 = arith.constant 384 : i32
        %dma_start3A_642 = arith.constant 0 : i32
        %dma_start3A_643 = tpu.memref_slice %arg3[%sub3A_361, %dma_start3A_641, %dma_start3A_642] : memref<512x512x768xf32, #tpu.memory_space<hbm>> -> memref<1x32x768xf32, #tpu.memory_space<hbm>>
        %dma_start3A_644 = tpu.memref_squeeze %dma_start3A_643 : memref<1x32x768xf32, #tpu.memory_space<hbm>> -> memref<32x768xf32, #tpu.memory_space<hbm>>
        %dma_start3A_645 = arith.constant 384 : i32
        %dma_start3A_646 = arith.constant 0 : i32
        %dma_start3A_647 = tpu.memref_slice %arg3[%sub3A_361, %dma_start3A_645, %dma_start3A_646] : memref<512x512x768xf32, #tpu.memory_space<hbm>> -> memref<1x32x768xf32, #tpu.memory_space<hbm>>
        %dma_start3A_648 = tpu.memref_squeeze %dma_start3A_647 : memref<1x32x768xf32, #tpu.memory_space<hbm>> -> memref<32x768xf32, #tpu.memory_space<hbm>>
        %dma_start3A_649 = arith.constant 0 : i32
        %dma_start3A_650 = tpu.memref_slice %arg5[%mul3A_638, %dma_start3A_649] : memref<144x768xf32, #tpu.memory_space<vmem>> -> memref<32x768xf32, #tpu.memory_space<vmem>>
        tpu.enqueue_dma source(%dma_start3A_650 : memref<32x768xf32, #tpu.memory_space<vmem>>) target(%dma_start3A_648 : memref<32x768xf32, #tpu.memory_space<hbm>>) target_semaphore(%arg9 : memref<!tpu.dma_semaphore, #tpu.memory_space<semaphore_mem>>)
        %add3A_651 = arith.addi %add3A, %scan3A_354 : i32
        %add3A_652 = arith.constant 13 : i32
        %add3A_653 = arith.addi %add3A_651, %add3A_652 : i32
        %and3A_654 = arith.constant 3 : i32
        %and3A_655 = arith.andi %add3A_653, %and3A_654 : i32
        %mul3A_656 = arith.constant 32 : i32
        %mul3A_657 = arith.muli %mul3A_656, %and3A_655 : i32
        %dma_start3A_658 = arith.constant 416 : i32
        %dma_start3A_659 = arith.constant 0 : i32
        %dma_start3A_660 = tpu.memref_slice %arg3[%sub3A_361, %dma_start3A_658, %dma_start3A_659] : memref<512x512x768xf32, #tpu.memory_space<hbm>> -> memref<1x32x768xf32, #tpu.memory_space<hbm>>
        %dma_start3A_661 = tpu.memref_squeeze %dma_start3A_660 : memref<1x32x768xf32, #tpu.memory_space<hbm>> -> memref<32x768xf32, #tpu.memory_space<hbm>>
        %dma_start3A_662 = arith.constant 0 : i32
        %dma_start3A_663 = tpu.memref_slice %arg7[%mul3A_657, %dma_start3A_662] : memref<128x768xf32, #tpu.memory_space<vmem_shared>> -> memref<32x768xf32, #tpu.memory_space<vmem_shared>>
        tpu.enqueue_dma source(%dma_start3A_663 : memref<32x768xf32, #tpu.memory_space<vmem_shared>>) target(%dma_start3A_661 : memref<32x768xf32, #tpu.memory_space<hbm>>) target_semaphore(%arg9 : memref<!tpu.dma_semaphore, #tpu.memory_space<semaphore_mem>>)
        %add3A_664 = arith.addi %add3A, %scan3A_354 : i32
        %add3A_665 = arith.constant 14 : i32
        %add3A_666 = arith.addi %add3A_664, %add3A_665 : i32
        %and3A_667 = arith.constant 3 : i32
        %and3A_668 = arith.andi %add3A_666, %and3A_667 : i32
        %mul3A_669 = arith.constant 32 : i32
        %mul3A_670 = arith.muli %mul3A_669, %and3A_668 : i32
        %dma_start3A_671 = arith.constant 448 : i32
        %dma_start3A_672 = arith.constant 0 : i32
        %dma_start3A_673 = tpu.memref_slice %arg3[%sub3A_361, %dma_start3A_671, %dma_start3A_672] : memref<512x512x768xf32, #tpu.memory_space<hbm>> -> memref<1x32x768xf32, #tpu.memory_space<hbm>>
        %dma_start3A_674 = tpu.memref_squeeze %dma_start3A_673 : memref<1x32x768xf32, #tpu.memory_space<hbm>> -> memref<32x768xf32, #tpu.memory_space<hbm>>
        %dma_start3A_675 = arith.constant 0 : i32
        %dma_start3A_676 = tpu.memref_slice %arg7[%mul3A_670, %dma_start3A_675] : memref<128x768xf32, #tpu.memory_space<vmem_shared>> -> memref<32x768xf32, #tpu.memory_space<vmem_shared>>
        tpu.enqueue_dma source(%dma_start3A_676 : memref<32x768xf32, #tpu.memory_space<vmem_shared>>) target(%dma_start3A_674 : memref<32x768xf32, #tpu.memory_space<hbm>>) target_semaphore(%arg9 : memref<!tpu.dma_semaphore, #tpu.memory_space<semaphore_mem>>)
        %add3A_677 = arith.addi %add3A, %scan3A_354 : i32
        %add3A_678 = arith.constant 15 : i32
        %add3A_679 = arith.addi %add3A_677, %add3A_678 : i32
        %and3A_680 = arith.constant 3 : i32
        %and3A_681 = arith.andi %add3A_679, %and3A_680 : i32
        %mul3A_682 = arith.constant 32 : i32
        %mul3A_683 = arith.muli %mul3A_682, %and3A_681 : i32
        %dma_start3A_684 = arith.constant 480 : i32
        %dma_start3A_685 = arith.constant 0 : i32
        %dma_start3A_686 = tpu.memref_slice %arg3[%sub3A_361, %dma_start3A_684, %dma_start3A_685] : memref<512x512x768xf32, #tpu.memory_space<hbm>> -> memref<1x32x768xf32, #tpu.memory_space<hbm>>
        %dma_start3A_687 = tpu.memref_squeeze %dma_start3A_686 : memref<1x32x768xf32, #tpu.memory_space<hbm>> -> memref<32x768xf32, #tpu.memory_space<hbm>>
        %dma_start3A_688 = arith.constant 0 : i32
        %dma_start3A_689 = tpu.memref_slice %arg7[%mul3A_683, %dma_start3A_688] : memref<128x768xf32, #tpu.memory_space<vmem_shared>> -> memref<32x768xf32, #tpu.memory_space<vmem_shared>>
        tpu.enqueue_dma source(%dma_start3A_689 : memref<32x768xf32, #tpu.memory_space<vmem_shared>>) target(%dma_start3A_687 : memref<32x768xf32, #tpu.memory_space<hbm>>) target_semaphore(%arg9 : memref<!tpu.dma_semaphore, #tpu.memory_space<semaphore_mem>>)
        %ge3A_690 = arith.constant 2 : i32
        %ge3A_691 = arith.cmpi sge, %scan3A_354, %ge3A_690 : i32
        %convert_element_type3A_692 = arith.extui %ge3A_691 : i1 to i32
        %cond3A_693 = arith.constant 0 : i32
        %cond3A_694 = arith.cmpi ne, %convert_element_type3A_692, %cond3A_693 : i32
        scf.if %cond3A_694 {
          %sub3A_695 = arith.constant 2 : i32
          %sub3A_696 = arith.subi %scan3A_354, %sub3A_695 : i32
          %mul3A_697 = arith.constant 8 : i32
          %mul3A_698 = arith.muli %mul3A_697, %sub3A_696 : i32
          %add3A_699 = arith.constant 256 : i32
          %add3A_700 = arith.addi %add3A_699, %mul3A_698 : i32
          %add3A_701 = arith.constant 7 : i32
          %add3A_702 = arith.addi %add3A_700, %add3A_701 : i32
          %sub3A_703 = arith.subi %add3A_702, %and3A_1 : i32
          %dma_wait3A_704 = arith.constant 0 : i32
          %dma_wait3A_705 = arith.constant 0 : i32
          %dma_wait3A_706 = tpu.memref_slice %arg3[%sub3A_703, %dma_wait3A_704, %dma_wait3A_705] : memref<512x512x768xf32, #tpu.memory_space<hbm>> -> memref<1x512x768xf32, #tpu.memory_space<hbm>>
          %dma_wait3A_707 = tpu.memref_squeeze %dma_wait3A_706 : memref<1x512x768xf32, #tpu.memory_space<hbm>> -> memref<512x768xf32, #tpu.memory_space<hbm>>
          %dma_wait3A_708 = arith.constant 0 : i32
          %dma_wait3A_709 = arith.constant 0 : i32
          %dma_wait3A_710 = tpu.memref_slice %arg3[%sub3A_703, %dma_wait3A_708, %dma_wait3A_709] : memref<512x512x768xf32, #tpu.memory_space<hbm>> -> memref<1x512x768xf32, #tpu.memory_space<hbm>>
          %dma_wait3A_711 = tpu.memref_squeeze %dma_wait3A_710 : memref<1x512x768xf32, #tpu.memory_space<hbm>> -> memref<512x768xf32, #tpu.memory_space<hbm>>
          tpu.wait_dma2 semaphore(%arg9 : memref<!tpu.dma_semaphore, #tpu.memory_space<semaphore_mem>>) src(%dma_wait3A_711 : memref<512x768xf32, #tpu.memory_space<hbm>>) dst(%dma_wait3A_707 : memref<512x768xf32, #tpu.memory_space<hbm>>)
        } else {
        }
      }
      %scan3A_333 = arith.constant 16 : i32
      %sub3A_334 = arith.constant 375 : i32
      %sub3A_335 = arith.subi %sub3A_334, %and3A_1 : i32
      %dma_wait3A_336 = arith.constant 0 : i32
      %dma_wait3A_337 = arith.constant 0 : i32
      %dma_wait3A_338 = tpu.memref_slice %arg3[%sub3A_335, %dma_wait3A_336, %dma_wait3A_337] : memref<512x512x768xf32, #tpu.memory_space<hbm>> -> memref<1x512x768xf32, #tpu.memory_space<hbm>>
      %dma_wait3A_339 = tpu.memref_squeeze %dma_wait3A_338 : memref<1x512x768xf32, #tpu.memory_space<hbm>> -> memref<512x768xf32, #tpu.memory_space<hbm>>
      %dma_wait3A_340 = arith.constant 0 : i32
      %dma_wait3A_341 = arith.constant 0 : i32
      %dma_wait3A_342 = tpu.memref_slice %arg3[%sub3A_335, %dma_wait3A_340, %dma_wait3A_341] : memref<512x512x768xf32, #tpu.memory_space<hbm>> -> memref<1x512x768xf32, #tpu.memory_space<hbm>>
      %dma_wait3A_343 = tpu.memref_squeeze %dma_wait3A_342 : memref<1x512x768xf32, #tpu.memory_space<hbm>> -> memref<512x768xf32, #tpu.memory_space<hbm>>
      tpu.wait_dma2 semaphore(%arg9 : memref<!tpu.dma_semaphore, #tpu.memory_space<semaphore_mem>>) src(%dma_wait3A_343 : memref<512x768xf32, #tpu.memory_space<hbm>>) dst(%dma_wait3A_339 : memref<512x768xf32, #tpu.memory_space<hbm>>)
      %sub3A_344 = arith.constant 383 : i32
      %sub3A_345 = arith.subi %sub3A_344, %and3A_1 : i32
      %dma_wait3A_346 = arith.constant 0 : i32
      %dma_wait3A_347 = arith.constant 0 : i32
      %dma_wait3A_348 = tpu.memref_slice %arg3[%sub3A_345, %dma_wait3A_346, %dma_wait3A_347] : memref<512x512x768xf32, #tpu.memory_space<hbm>> -> memref<1x512x768xf32, #tpu.memory_space<hbm>>
      %dma_wait3A_349 = tpu.memref_squeeze %dma_wait3A_348 : memref<1x512x768xf32, #tpu.memory_space<hbm>> -> memref<512x768xf32, #tpu.memory_space<hbm>>
      %dma_wait3A_350 = arith.constant 0 : i32
      %dma_wait3A_351 = arith.constant 0 : i32
      %dma_wait3A_352 = tpu.memref_slice %arg3[%sub3A_345, %dma_wait3A_350, %dma_wait3A_351] : memref<512x512x768xf32, #tpu.memory_space<hbm>> -> memref<1x512x768xf32, #tpu.memory_space<hbm>>
      %dma_wait3A_353 = tpu.memref_squeeze %dma_wait3A_352 : memref<1x512x768xf32, #tpu.memory_space<hbm>> -> memref<512x768xf32, #tpu.memory_space<hbm>>
      tpu.wait_dma2 semaphore(%arg9 : memref<!tpu.dma_semaphore, #tpu.memory_space<semaphore_mem>>) src(%dma_wait3A_353 : memref<512x768xf32, #tpu.memory_space<hbm>>) dst(%dma_wait3A_349 : memref<512x768xf32, #tpu.memory_space<hbm>>)
    } else {
    }
    %eq3A_324 = arith.constant 3 : i32
    %eq3A_325 = arith.cmpi eq, %shift_right_logical3A_2, %eq3A_324 : i32
    %convert_element_type3A_326 = arith.extui %eq3A_325 : i1 to i32
    %cond3A_327 = arith.constant 0 : i32
    %cond3A_328 = arith.cmpi ne, %convert_element_type3A_326, %cond3A_327 : i32
    scf.if %cond3A_328 {
      %scan3A = arith.constant 0 : i32
      %scan3A_329 = arith.constant 0 : i32
      %scan3A_330 = arith.constant 16 : i32
      %scan3A_331 = arith.addi %scan3A_329, %scan3A_330 : i32
      %scan3A_332 = arith.constant 1 : i32
      scf.for %scan3A_354 = %scan3A_329 to %scan3A_331 step %scan3A_332  : i32 {
        %mul3A_355 = arith.constant 8 : i32
        %mul3A_356 = arith.muli %mul3A_355, %scan3A_354 : i32
        %add3A_357 = arith.constant 384 : i32
        %add3A_358 = arith.addi %add3A_357, %mul3A_356 : i32
        %add3A_359 = arith.constant 7 : i32
        %add3A_360 = arith.addi %add3A_358, %add3A_359 : i32
        %sub3A_361 = arith.subi %add3A_360, %and3A_1 : i32
        %sub3A_362 = arith.constant 511 : i32
        %sub3A_363 = arith.subi %sub3A_362, %sub3A_361 : i32
        %shift_right_arithmetic3A = arith.constant 3 : i32
        %shift_right_arithmetic3A_364 = arith.shrsi %sub3A_363, %shift_right_arithmetic3A : i32
        %add3A_365 = arith.addi %add3A, %scan3A_354 : i32
        %add3A_366 = arith.constant 0 : i32
        %add3A_367 = arith.addi %add3A_365, %add3A_366 : i32
        %and3A_368 = arith.constant 3 : i32
        %and3A_369 = arith.andi %add3A_367, %and3A_368 : i32
        %mul3A_370 = arith.constant 32 : i32
        %mul3A_371 = arith.muli %mul3A_370, %and3A_369 : i32
        %dma_start3A_372 = arith.constant 0 : i32
        %dma_start3A_373 = arith.constant 0 : i32
        %dma_start3A_374 = tpu.memref_slice %arg3[%sub3A_361, %dma_start3A_372, %dma_start3A_373] : memref<512x512x768xf32, #tpu.memory_space<hbm>> -> memref<1x32x768xf32, #tpu.memory_space<hbm>>
        %dma_start3A_375 = tpu.memref_squeeze %dma_start3A_374 : memref<1x32x768xf32, #tpu.memory_space<hbm>> -> memref<32x768xf32, #tpu.memory_space<hbm>>
        %dma_start3A_376 = arith.constant 0 : i32
        %dma_start3A_377 = tpu.memref_slice %arg6[%mul3A_371, %dma_start3A_376] : memref<128x768xf32, #tpu.memory_space<vmem_shared>> -> memref<32x768xf32, #tpu.memory_space<vmem_shared>>
        tpu.enqueue_dma source(%dma_start3A_377 : memref<32x768xf32, #tpu.memory_space<vmem_shared>>) target(%dma_start3A_375 : memref<32x768xf32, #tpu.memory_space<hbm>>) target_semaphore(%arg9 : memref<!tpu.dma_semaphore, #tpu.memory_space<semaphore_mem>>)
        %add3A_378 = arith.addi %add3A, %scan3A_354 : i32
        %add3A_379 = arith.constant 1 : i32
        %add3A_380 = arith.addi %add3A_378, %add3A_379 : i32
        %and3A_381 = arith.constant 3 : i32
        %and3A_382 = arith.andi %add3A_380, %and3A_381 : i32
        %mul3A_383 = arith.constant 32 : i32
        %mul3A_384 = arith.muli %mul3A_383, %and3A_382 : i32
        %dma_start3A_385 = arith.constant 32 : i32
        %dma_start3A_386 = arith.constant 0 : i32
        %dma_start3A_387 = tpu.memref_slice %arg3[%sub3A_361, %dma_start3A_385, %dma_start3A_386] : memref<512x512x768xf32, #tpu.memory_space<hbm>> -> memref<1x32x768xf32, #tpu.memory_space<hbm>>
        %dma_start3A_388 = tpu.memref_squeeze %dma_start3A_387 : memref<1x32x768xf32, #tpu.memory_space<hbm>> -> memref<32x768xf32, #tpu.memory_space<hbm>>
        %dma_start3A_389 = arith.constant 0 : i32
        %dma_start3A_390 = tpu.memref_slice %arg6[%mul3A_384, %dma_start3A_389] : memref<128x768xf32, #tpu.memory_space<vmem_shared>> -> memref<32x768xf32, #tpu.memory_space<vmem_shared>>
        tpu.enqueue_dma source(%dma_start3A_390 : memref<32x768xf32, #tpu.memory_space<vmem_shared>>) target(%dma_start3A_388 : memref<32x768xf32, #tpu.memory_space<hbm>>) target_semaphore(%arg9 : memref<!tpu.dma_semaphore, #tpu.memory_space<semaphore_mem>>)
        %add3A_391 = arith.addi %add3A, %scan3A_354 : i32
        %add3A_392 = arith.constant 2 : i32
        %add3A_393 = arith.addi %add3A_391, %add3A_392 : i32
        %and3A_394 = arith.constant 3 : i32
        %and3A_395 = arith.andi %add3A_393, %and3A_394 : i32
        %mul3A_396 = arith.constant 32 : i32
        %mul3A_397 = arith.muli %mul3A_396, %and3A_395 : i32
        %dma_start3A_398 = arith.constant 64 : i32
        %dma_start3A_399 = arith.constant 0 : i32
        %dma_start3A_400 = tpu.memref_slice %arg3[%sub3A_361, %dma_start3A_398, %dma_start3A_399] : memref<512x512x768xf32, #tpu.memory_space<hbm>> -> memref<1x32x768xf32, #tpu.memory_space<hbm>>
        %dma_start3A_401 = tpu.memref_squeeze %dma_start3A_400 : memref<1x32x768xf32, #tpu.memory_space<hbm>> -> memref<32x768xf32, #tpu.memory_space<hbm>>
        %dma_start3A_402 = arith.constant 0 : i32
        %dma_start3A_403 = tpu.memref_slice %arg6[%mul3A_397, %dma_start3A_402] : memref<128x768xf32, #tpu.memory_space<vmem_shared>> -> memref<32x768xf32, #tpu.memory_space<vmem_shared>>
        tpu.enqueue_dma source(%dma_start3A_403 : memref<32x768xf32, #tpu.memory_space<vmem_shared>>) target(%dma_start3A_401 : memref<32x768xf32, #tpu.memory_space<hbm>>) target_semaphore(%arg9 : memref<!tpu.dma_semaphore, #tpu.memory_space<semaphore_mem>>)
        %add3A_404 = arith.addi %add3A, %scan3A_354 : i32
        %add3A_405 = arith.constant 3 : i32
        %add3A_406 = arith.addi %add3A_404, %add3A_405 : i32
        %and3A_407 = arith.constant 3 : i32
        %and3A_408 = arith.andi %add3A_406, %and3A_407 : i32
        %mul3A_409 = arith.constant 32 : i32
        %mul3A_410 = arith.muli %mul3A_409, %and3A_408 : i32
        %dma_start3A_411 = arith.constant 96 : i32
        %dma_start3A_412 = arith.constant 0 : i32
        %dma_start3A_413 = tpu.memref_slice %arg3[%sub3A_361, %dma_start3A_411, %dma_start3A_412] : memref<512x512x768xf32, #tpu.memory_space<hbm>> -> memref<1x32x768xf32, #tpu.memory_space<hbm>>
        %dma_start3A_414 = tpu.memref_squeeze %dma_start3A_413 : memref<1x32x768xf32, #tpu.memory_space<hbm>> -> memref<32x768xf32, #tpu.memory_space<hbm>>
        %dma_start3A_415 = arith.constant 0 : i32
        %dma_start3A_416 = tpu.memref_slice %arg6[%mul3A_410, %dma_start3A_415] : memref<128x768xf32, #tpu.memory_space<vmem_shared>> -> memref<32x768xf32, #tpu.memory_space<vmem_shared>>
        tpu.enqueue_dma source(%dma_start3A_416 : memref<32x768xf32, #tpu.memory_space<vmem_shared>>) target(%dma_start3A_414 : memref<32x768xf32, #tpu.memory_space<hbm>>) target_semaphore(%arg9 : memref<!tpu.dma_semaphore, #tpu.memory_space<semaphore_mem>>)
        %add3A_417 = arith.addi %add3A, %scan3A_354 : i32
        %add3A_418 = arith.constant 4 : i32
        %add3A_419 = arith.addi %add3A_417, %add3A_418 : i32
        %and3A_420 = arith.constant 3 : i32
        %and3A_421 = arith.andi %add3A_419, %and3A_420 : i32
        %mul3A_422 = arith.constant 32 : i32
        %mul3A_423 = arith.muli %mul3A_422, %and3A_421 : i32
        %dma_start3A_424 = arith.constant 128 : i32
        %dma_start3A_425 = arith.constant 0 : i32
        %dma_start3A_426 = tpu.memref_slice %arg3[%sub3A_361, %dma_start3A_424, %dma_start3A_425] : memref<512x512x768xf32, #tpu.memory_space<hbm>> -> memref<1x32x768xf32, #tpu.memory_space<hbm>>
        %dma_start3A_427 = tpu.memref_squeeze %dma_start3A_426 : memref<1x32x768xf32, #tpu.memory_space<hbm>> -> memref<32x768xf32, #tpu.memory_space<hbm>>
        %dma_start3A_428 = arith.constant 0 : i32
        %dma_start3A_429 = tpu.memref_slice %arg6[%mul3A_423, %dma_start3A_428] : memref<128x768xf32, #tpu.memory_space<vmem_shared>> -> memref<32x768xf32, #tpu.memory_space<vmem_shared>>
        tpu.enqueue_dma source(%dma_start3A_429 : memref<32x768xf32, #tpu.memory_space<vmem_shared>>) target(%dma_start3A_427 : memref<32x768xf32, #tpu.memory_space<hbm>>) target_semaphore(%arg9 : memref<!tpu.dma_semaphore, #tpu.memory_space<semaphore_mem>>)
        %add3A_430 = arith.constant 160 : i32
        %add3A_431 = arith.addi %sub3A_363, %add3A_430 : i32
        %ge3A = arith.constant 544 : i32
        %ge3A_432 = arith.cmpi sge, %add3A_431, %ge3A : i32
        %le3A = arith.constant 448 : i32
        %le3A_433 = arith.cmpi sle, %add3A_431, %le3A : i32
        %add3A_434 = arith.constant 20 : i32
        %add3A_435 = arith.addi %shift_right_arithmetic3A_364, %add3A_434 : i32
        %sub3A_436 = arith.constant 55 : i32
        %sub3A_437 = arith.subi %add3A_435, %sub3A_436 : i32
        %jit3A_438 = arith.constant 0 : i32
        %select_n3A = arith.select %le3A_433, %jit3A_438, %sub3A_437 : i32
        %jit3A_439 = arith.constant 13 : i32
        %select_n3A_440 = arith.select %ge3A_432, %jit3A_439, %select_n3A : i32
        %mul3A_441 = arith.constant 8 : i32
        %mul3A_442 = arith.muli %mul3A_441, %select_n3A_440 : i32
        %dma_start3A_443 = arith.constant 0 : i32
        %dma_start3A_444 = tpu.memref_slice %arg5[%mul3A_442, %dma_start3A_443] : memref<144x768xf32, #tpu.memory_space<vmem>> -> memref<32x768xf32, #tpu.memory_space<vmem>>
        %dma_start3A_445 = arith.constant 160 : i32
        %dma_start3A_446 = arith.constant 0 : i32
        %dma_start3A_447 = tpu.memref_slice %arg3[%sub3A_361, %dma_start3A_445, %dma_start3A_446] : memref<512x512x768xf32, #tpu.memory_space<hbm>> -> memref<1x32x768xf32, #tpu.memory_space<hbm>>
        %dma_start3A_448 = tpu.memref_squeeze %dma_start3A_447 : memref<1x32x768xf32, #tpu.memory_space<hbm>> -> memref<32x768xf32, #tpu.memory_space<hbm>>
        %dma_start3A_449 = arith.constant 160 : i32
        %dma_start3A_450 = arith.constant 0 : i32
        %dma_start3A_451 = tpu.memref_slice %arg3[%sub3A_361, %dma_start3A_449, %dma_start3A_450] : memref<512x512x768xf32, #tpu.memory_space<hbm>> -> memref<1x32x768xf32, #tpu.memory_space<hbm>>
        %dma_start3A_452 = tpu.memref_squeeze %dma_start3A_451 : memref<1x32x768xf32, #tpu.memory_space<hbm>> -> memref<32x768xf32, #tpu.memory_space<hbm>>
        %dma_start3A_453 = arith.constant 0 : i32
        %dma_start3A_454 = tpu.memref_slice %arg5[%mul3A_442, %dma_start3A_453] : memref<144x768xf32, #tpu.memory_space<vmem>> -> memref<32x768xf32, #tpu.memory_space<vmem>>
        tpu.enqueue_dma source(%dma_start3A_454 : memref<32x768xf32, #tpu.memory_space<vmem>>) target(%dma_start3A_452 : memref<32x768xf32, #tpu.memory_space<hbm>>) target_semaphore(%arg9 : memref<!tpu.dma_semaphore, #tpu.memory_space<semaphore_mem>>)
        %add3A_455 = arith.addi %add3A, %scan3A_354 : i32
        %add3A_456 = arith.constant 6 : i32
        %add3A_457 = arith.addi %add3A_455, %add3A_456 : i32
        %and3A_458 = arith.constant 3 : i32
        %and3A_459 = arith.andi %add3A_457, %and3A_458 : i32
        %mul3A_460 = arith.constant 32 : i32
        %mul3A_461 = arith.muli %mul3A_460, %and3A_459 : i32
        %dma_start3A_462 = arith.constant 192 : i32
        %dma_start3A_463 = arith.constant 0 : i32
        %dma_start3A_464 = tpu.memref_slice %arg3[%sub3A_361, %dma_start3A_462, %dma_start3A_463] : memref<512x512x768xf32, #tpu.memory_space<hbm>> -> memref<1x32x768xf32, #tpu.memory_space<hbm>>
        %dma_start3A_465 = tpu.memref_squeeze %dma_start3A_464 : memref<1x32x768xf32, #tpu.memory_space<hbm>> -> memref<32x768xf32, #tpu.memory_space<hbm>>
        %dma_start3A_466 = arith.constant 0 : i32
        %dma_start3A_467 = tpu.memref_slice %arg6[%mul3A_461, %dma_start3A_466] : memref<128x768xf32, #tpu.memory_space<vmem_shared>> -> memref<32x768xf32, #tpu.memory_space<vmem_shared>>
        tpu.enqueue_dma source(%dma_start3A_467 : memref<32x768xf32, #tpu.memory_space<vmem_shared>>) target(%dma_start3A_465 : memref<32x768xf32, #tpu.memory_space<hbm>>) target_semaphore(%arg9 : memref<!tpu.dma_semaphore, #tpu.memory_space<semaphore_mem>>)
        %add3A_468 = arith.constant 224 : i32
        %add3A_469 = arith.addi %sub3A_363, %add3A_468 : i32
        %ge3A_470 = arith.constant 544 : i32
        %ge3A_471 = arith.cmpi sge, %add3A_469, %ge3A_470 : i32
        %le3A_472 = arith.constant 448 : i32
        %le3A_473 = arith.cmpi sle, %add3A_469, %le3A_472 : i32
        %add3A_474 = arith.constant 28 : i32
        %add3A_475 = arith.addi %shift_right_arithmetic3A_364, %add3A_474 : i32
        %sub3A_476 = arith.constant 55 : i32
        %sub3A_477 = arith.subi %add3A_475, %sub3A_476 : i32
        %jit3A_478 = arith.constant 0 : i32
        %select_n3A_479 = arith.select %le3A_473, %jit3A_478, %sub3A_477 : i32
        %jit3A_480 = arith.constant 13 : i32
        %select_n3A_481 = arith.select %ge3A_471, %jit3A_480, %select_n3A_479 : i32
        %mul3A_482 = arith.constant 8 : i32
        %mul3A_483 = arith.muli %mul3A_482, %select_n3A_481 : i32
        %dma_start3A_484 = arith.constant 0 : i32
        %dma_start3A_485 = tpu.memref_slice %arg5[%mul3A_483, %dma_start3A_484] : memref<144x768xf32, #tpu.memory_space<vmem>> -> memref<32x768xf32, #tpu.memory_space<vmem>>
        %dma_start3A_486 = arith.constant 224 : i32
        %dma_start3A_487 = arith.constant 0 : i32
        %dma_start3A_488 = tpu.memref_slice %arg3[%sub3A_361, %dma_start3A_486, %dma_start3A_487] : memref<512x512x768xf32, #tpu.memory_space<hbm>> -> memref<1x32x768xf32, #tpu.memory_space<hbm>>
        %dma_start3A_489 = tpu.memref_squeeze %dma_start3A_488 : memref<1x32x768xf32, #tpu.memory_space<hbm>> -> memref<32x768xf32, #tpu.memory_space<hbm>>
        %dma_start3A_490 = arith.constant 224 : i32
        %dma_start3A_491 = arith.constant 0 : i32
        %dma_start3A_492 = tpu.memref_slice %arg3[%sub3A_361, %dma_start3A_490, %dma_start3A_491] : memref<512x512x768xf32, #tpu.memory_space<hbm>> -> memref<1x32x768xf32, #tpu.memory_space<hbm>>
        %dma_start3A_493 = tpu.memref_squeeze %dma_start3A_492 : memref<1x32x768xf32, #tpu.memory_space<hbm>> -> memref<32x768xf32, #tpu.memory_space<hbm>>
        %dma_start3A_494 = arith.constant 0 : i32
        %dma_start3A_495 = tpu.memref_slice %arg5[%mul3A_483, %dma_start3A_494] : memref<144x768xf32, #tpu.memory_space<vmem>> -> memref<32x768xf32, #tpu.memory_space<vmem>>
        tpu.enqueue_dma source(%dma_start3A_495 : memref<32x768xf32, #tpu.memory_space<vmem>>) target(%dma_start3A_493 : memref<32x768xf32, #tpu.memory_space<hbm>>) target_semaphore(%arg9 : memref<!tpu.dma_semaphore, #tpu.memory_space<semaphore_mem>>)
        %add3A_496 = arith.addi %add3A, %scan3A_354 : i32
        %add3A_497 = arith.constant 8 : i32
        %add3A_498 = arith.addi %add3A_496, %add3A_497 : i32
        %and3A_499 = arith.constant 3 : i32
        %and3A_500 = arith.andi %add3A_498, %and3A_499 : i32
        %mul3A_501 = arith.constant 32 : i32
        %mul3A_502 = arith.muli %mul3A_501, %and3A_500 : i32
        %dma_start3A_503 = arith.constant 256 : i32
        %dma_start3A_504 = arith.constant 0 : i32
        %dma_start3A_505 = tpu.memref_slice %arg3[%sub3A_361, %dma_start3A_503, %dma_start3A_504] : memref<512x512x768xf32, #tpu.memory_space<hbm>> -> memref<1x32x768xf32, #tpu.memory_space<hbm>>
        %dma_start3A_506 = tpu.memref_squeeze %dma_start3A_505 : memref<1x32x768xf32, #tpu.memory_space<hbm>> -> memref<32x768xf32, #tpu.memory_space<hbm>>
        %dma_start3A_507 = arith.constant 0 : i32
        %dma_start3A_508 = tpu.memref_slice %arg6[%mul3A_502, %dma_start3A_507] : memref<128x768xf32, #tpu.memory_space<vmem_shared>> -> memref<32x768xf32, #tpu.memory_space<vmem_shared>>
        tpu.enqueue_dma source(%dma_start3A_508 : memref<32x768xf32, #tpu.memory_space<vmem_shared>>) target(%dma_start3A_506 : memref<32x768xf32, #tpu.memory_space<hbm>>) target_semaphore(%arg9 : memref<!tpu.dma_semaphore, #tpu.memory_space<semaphore_mem>>)
        %add3A_509 = arith.constant 288 : i32
        %add3A_510 = arith.addi %sub3A_363, %add3A_509 : i32
        %ge3A_511 = arith.constant 544 : i32
        %ge3A_512 = arith.cmpi sge, %add3A_510, %ge3A_511 : i32
        %le3A_513 = arith.constant 448 : i32
        %le3A_514 = arith.cmpi sle, %add3A_510, %le3A_513 : i32
        %add3A_515 = arith.constant 36 : i32
        %add3A_516 = arith.addi %shift_right_arithmetic3A_364, %add3A_515 : i32
        %sub3A_517 = arith.constant 55 : i32
        %sub3A_518 = arith.subi %add3A_516, %sub3A_517 : i32
        %jit3A_519 = arith.constant 0 : i32
        %select_n3A_520 = arith.select %le3A_514, %jit3A_519, %sub3A_518 : i32
        %jit3A_521 = arith.constant 13 : i32
        %select_n3A_522 = arith.select %ge3A_512, %jit3A_521, %select_n3A_520 : i32
        %mul3A_523 = arith.constant 8 : i32
        %mul3A_524 = arith.muli %mul3A_523, %select_n3A_522 : i32
        %dma_start3A_525 = arith.constant 0 : i32
        %dma_start3A_526 = tpu.memref_slice %arg5[%mul3A_524, %dma_start3A_525] : memref<144x768xf32, #tpu.memory_space<vmem>> -> memref<32x768xf32, #tpu.memory_space<vmem>>
        %dma_start3A_527 = arith.constant 288 : i32
        %dma_start3A_528 = arith.constant 0 : i32
        %dma_start3A_529 = tpu.memref_slice %arg3[%sub3A_361, %dma_start3A_527, %dma_start3A_528] : memref<512x512x768xf32, #tpu.memory_space<hbm>> -> memref<1x32x768xf32, #tpu.memory_space<hbm>>
        %dma_start3A_530 = tpu.memref_squeeze %dma_start3A_529 : memref<1x32x768xf32, #tpu.memory_space<hbm>> -> memref<32x768xf32, #tpu.memory_space<hbm>>
        %dma_start3A_531 = arith.constant 288 : i32
        %dma_start3A_532 = arith.constant 0 : i32
        %dma_start3A_533 = tpu.memref_slice %arg3[%sub3A_361, %dma_start3A_531, %dma_start3A_532] : memref<512x512x768xf32, #tpu.memory_space<hbm>> -> memref<1x32x768xf32, #tpu.memory_space<hbm>>
        %dma_start3A_534 = tpu.memref_squeeze %dma_start3A_533 : memref<1x32x768xf32, #tpu.memory_space<hbm>> -> memref<32x768xf32, #tpu.memory_space<hbm>>
        %dma_start3A_535 = arith.constant 0 : i32
        %dma_start3A_536 = tpu.memref_slice %arg5[%mul3A_524, %dma_start3A_535] : memref<144x768xf32, #tpu.memory_space<vmem>> -> memref<32x768xf32, #tpu.memory_space<vmem>>
        tpu.enqueue_dma source(%dma_start3A_536 : memref<32x768xf32, #tpu.memory_space<vmem>>) target(%dma_start3A_534 : memref<32x768xf32, #tpu.memory_space<hbm>>) target_semaphore(%arg9 : memref<!tpu.dma_semaphore, #tpu.memory_space<semaphore_mem>>)
        %add3A_537 = arith.addi %add3A, %scan3A_354 : i32
        %add3A_538 = arith.constant 10 : i32
        %add3A_539 = arith.addi %add3A_537, %add3A_538 : i32
        %and3A_540 = arith.constant 3 : i32
        %and3A_541 = arith.andi %add3A_539, %and3A_540 : i32
        %mul3A_542 = arith.constant 32 : i32
        %mul3A_543 = arith.muli %mul3A_542, %and3A_541 : i32
        %dma_start3A_544 = arith.constant 320 : i32
        %dma_start3A_545 = arith.constant 0 : i32
        %dma_start3A_546 = tpu.memref_slice %arg3[%sub3A_361, %dma_start3A_544, %dma_start3A_545] : memref<512x512x768xf32, #tpu.memory_space<hbm>> -> memref<1x32x768xf32, #tpu.memory_space<hbm>>
        %dma_start3A_547 = tpu.memref_squeeze %dma_start3A_546 : memref<1x32x768xf32, #tpu.memory_space<hbm>> -> memref<32x768xf32, #tpu.memory_space<hbm>>
        %dma_start3A_548 = arith.constant 0 : i32
        %dma_start3A_549 = tpu.memref_slice %arg6[%mul3A_543, %dma_start3A_548] : memref<128x768xf32, #tpu.memory_space<vmem_shared>> -> memref<32x768xf32, #tpu.memory_space<vmem_shared>>
        tpu.enqueue_dma source(%dma_start3A_549 : memref<32x768xf32, #tpu.memory_space<vmem_shared>>) target(%dma_start3A_547 : memref<32x768xf32, #tpu.memory_space<hbm>>) target_semaphore(%arg9 : memref<!tpu.dma_semaphore, #tpu.memory_space<semaphore_mem>>)
        %add3A_550 = arith.constant 352 : i32
        %add3A_551 = arith.addi %sub3A_363, %add3A_550 : i32
        %ge3A_552 = arith.constant 544 : i32
        %ge3A_553 = arith.cmpi sge, %add3A_551, %ge3A_552 : i32
        %le3A_554 = arith.constant 448 : i32
        %le3A_555 = arith.cmpi sle, %add3A_551, %le3A_554 : i32
        %add3A_556 = arith.constant 44 : i32
        %add3A_557 = arith.addi %shift_right_arithmetic3A_364, %add3A_556 : i32
        %sub3A_558 = arith.constant 55 : i32
        %sub3A_559 = arith.subi %add3A_557, %sub3A_558 : i32
        %jit3A_560 = arith.constant 0 : i32
        %select_n3A_561 = arith.select %le3A_555, %jit3A_560, %sub3A_559 : i32
        %jit3A_562 = arith.constant 13 : i32
        %select_n3A_563 = arith.select %ge3A_553, %jit3A_562, %select_n3A_561 : i32
        %mul3A_564 = arith.constant 8 : i32
        %mul3A_565 = arith.muli %mul3A_564, %select_n3A_563 : i32
        %dma_start3A_566 = arith.constant 0 : i32
        %dma_start3A_567 = tpu.memref_slice %arg5[%mul3A_565, %dma_start3A_566] : memref<144x768xf32, #tpu.memory_space<vmem>> -> memref<32x768xf32, #tpu.memory_space<vmem>>
        %dma_start3A_568 = arith.constant 352 : i32
        %dma_start3A_569 = arith.constant 0 : i32
        %dma_start3A_570 = tpu.memref_slice %arg3[%sub3A_361, %dma_start3A_568, %dma_start3A_569] : memref<512x512x768xf32, #tpu.memory_space<hbm>> -> memref<1x32x768xf32, #tpu.memory_space<hbm>>
        %dma_start3A_571 = tpu.memref_squeeze %dma_start3A_570 : memref<1x32x768xf32, #tpu.memory_space<hbm>> -> memref<32x768xf32, #tpu.memory_space<hbm>>
        %dma_start3A_572 = arith.constant 352 : i32
        %dma_start3A_573 = arith.constant 0 : i32
        %dma_start3A_574 = tpu.memref_slice %arg3[%sub3A_361, %dma_start3A_572, %dma_start3A_573] : memref<512x512x768xf32, #tpu.memory_space<hbm>> -> memref<1x32x768xf32, #tpu.memory_space<hbm>>
        %dma_start3A_575 = tpu.memref_squeeze %dma_start3A_574 : memref<1x32x768xf32, #tpu.memory_space<hbm>> -> memref<32x768xf32, #tpu.memory_space<hbm>>
        %dma_start3A_576 = arith.constant 0 : i32
        %dma_start3A_577 = tpu.memref_slice %arg5[%mul3A_565, %dma_start3A_576] : memref<144x768xf32, #tpu.memory_space<vmem>> -> memref<32x768xf32, #tpu.memory_space<vmem>>
        tpu.enqueue_dma source(%dma_start3A_577 : memref<32x768xf32, #tpu.memory_space<vmem>>) target(%dma_start3A_575 : memref<32x768xf32, #tpu.memory_space<hbm>>) target_semaphore(%arg9 : memref<!tpu.dma_semaphore, #tpu.memory_space<semaphore_mem>>)
        %add3A_578 = arith.constant 384 : i32
        %add3A_579 = arith.addi %sub3A_363, %add3A_578 : i32
        %ge3A_580 = arith.constant 544 : i32
        %ge3A_581 = arith.cmpi sge, %add3A_579, %ge3A_580 : i32
        %le3A_582 = arith.constant 448 : i32
        %le3A_583 = arith.cmpi sle, %add3A_579, %le3A_582 : i32
        %add3A_584 = arith.constant 48 : i32
        %add3A_585 = arith.addi %shift_right_arithmetic3A_364, %add3A_584 : i32
        %sub3A_586 = arith.constant 55 : i32
        %sub3A_587 = arith.subi %add3A_585, %sub3A_586 : i32
        %jit3A_588 = arith.constant 0 : i32
        %select_n3A_589 = arith.select %le3A_583, %jit3A_588, %sub3A_587 : i32
        %jit3A_590 = arith.constant 13 : i32
        %select_n3A_591 = arith.select %ge3A_581, %jit3A_590, %select_n3A_589 : i32
        %mul3A_592 = arith.constant 8 : i32
        %mul3A_593 = arith.muli %mul3A_592, %select_n3A_591 : i32
        %dma_start3A_594 = arith.constant 0 : i32
        %dma_start3A_595 = tpu.memref_slice %arg5[%mul3A_593, %dma_start3A_594] : memref<144x768xf32, #tpu.memory_space<vmem>> -> memref<32x768xf32, #tpu.memory_space<vmem>>
        %dma_start3A_596 = arith.constant 384 : i32
        %dma_start3A_597 = arith.constant 0 : i32
        %dma_start3A_598 = tpu.memref_slice %arg3[%sub3A_361, %dma_start3A_596, %dma_start3A_597] : memref<512x512x768xf32, #tpu.memory_space<hbm>> -> memref<1x32x768xf32, #tpu.memory_space<hbm>>
        %dma_start3A_599 = tpu.memref_squeeze %dma_start3A_598 : memref<1x32x768xf32, #tpu.memory_space<hbm>> -> memref<32x768xf32, #tpu.memory_space<hbm>>
        %dma_start3A_600 = arith.constant 384 : i32
        %dma_start3A_601 = arith.constant 0 : i32
        %dma_start3A_602 = tpu.memref_slice %arg3[%sub3A_361, %dma_start3A_600, %dma_start3A_601] : memref<512x512x768xf32, #tpu.memory_space<hbm>> -> memref<1x32x768xf32, #tpu.memory_space<hbm>>
        %dma_start3A_603 = tpu.memref_squeeze %dma_start3A_602 : memref<1x32x768xf32, #tpu.memory_space<hbm>> -> memref<32x768xf32, #tpu.memory_space<hbm>>
        %dma_start3A_604 = arith.constant 0 : i32
        %dma_start3A_605 = tpu.memref_slice %arg5[%mul3A_593, %dma_start3A_604] : memref<144x768xf32, #tpu.memory_space<vmem>> -> memref<32x768xf32, #tpu.memory_space<vmem>>
        tpu.enqueue_dma source(%dma_start3A_605 : memref<32x768xf32, #tpu.memory_space<vmem>>) target(%dma_start3A_603 : memref<32x768xf32, #tpu.memory_space<hbm>>) target_semaphore(%arg9 : memref<!tpu.dma_semaphore, #tpu.memory_space<semaphore_mem>>)
        %add3A_606 = arith.constant 416 : i32
        %add3A_607 = arith.addi %sub3A_363, %add3A_606 : i32
        %ge3A_608 = arith.constant 544 : i32
        %ge3A_609 = arith.cmpi sge, %add3A_607, %ge3A_608 : i32
        %le3A_610 = arith.constant 448 : i32
        %le3A_611 = arith.cmpi sle, %add3A_607, %le3A_610 : i32
        %add3A_612 = arith.constant 52 : i32
        %add3A_613 = arith.addi %shift_right_arithmetic3A_364, %add3A_612 : i32
        %sub3A_614 = arith.constant 55 : i32
        %sub3A_615 = arith.subi %add3A_613, %sub3A_614 : i32
        %jit3A_616 = arith.constant 0 : i32
        %select_n3A_617 = arith.select %le3A_611, %jit3A_616, %sub3A_615 : i32
        %jit3A_618 = arith.constant 13 : i32
        %select_n3A_619 = arith.select %ge3A_609, %jit3A_618, %select_n3A_617 : i32
        %mul3A_620 = arith.constant 8 : i32
        %mul3A_621 = arith.muli %mul3A_620, %select_n3A_619 : i32
        %dma_start3A_622 = arith.constant 0 : i32
        %dma_start3A_623 = tpu.memref_slice %arg5[%mul3A_621, %dma_start3A_622] : memref<144x768xf32, #tpu.memory_space<vmem>> -> memref<32x768xf32, #tpu.memory_space<vmem>>
        %dma_start3A_624 = arith.constant 416 : i32
        %dma_start3A_625 = arith.constant 0 : i32
        %dma_start3A_626 = tpu.memref_slice %arg3[%sub3A_361, %dma_start3A_624, %dma_start3A_625] : memref<512x512x768xf32, #tpu.memory_space<hbm>> -> memref<1x32x768xf32, #tpu.memory_space<hbm>>
        %dma_start3A_627 = tpu.memref_squeeze %dma_start3A_626 : memref<1x32x768xf32, #tpu.memory_space<hbm>> -> memref<32x768xf32, #tpu.memory_space<hbm>>
        %dma_start3A_628 = arith.constant 416 : i32
        %dma_start3A_629 = arith.constant 0 : i32
        %dma_start3A_630 = tpu.memref_slice %arg3[%sub3A_361, %dma_start3A_628, %dma_start3A_629] : memref<512x512x768xf32, #tpu.memory_space<hbm>> -> memref<1x32x768xf32, #tpu.memory_space<hbm>>
        %dma_start3A_631 = tpu.memref_squeeze %dma_start3A_630 : memref<1x32x768xf32, #tpu.memory_space<hbm>> -> memref<32x768xf32, #tpu.memory_space<hbm>>
        %dma_start3A_632 = arith.constant 0 : i32
        %dma_start3A_633 = tpu.memref_slice %arg5[%mul3A_621, %dma_start3A_632] : memref<144x768xf32, #tpu.memory_space<vmem>> -> memref<32x768xf32, #tpu.memory_space<vmem>>
        tpu.enqueue_dma source(%dma_start3A_633 : memref<32x768xf32, #tpu.memory_space<vmem>>) target(%dma_start3A_631 : memref<32x768xf32, #tpu.memory_space<hbm>>) target_semaphore(%arg9 : memref<!tpu.dma_semaphore, #tpu.memory_space<semaphore_mem>>)
        %add3A_634 = arith.constant 448 : i32
        %add3A_635 = arith.addi %sub3A_363, %add3A_634 : i32
        %ge3A_636 = arith.constant 544 : i32
        %ge3A_637 = arith.cmpi sge, %add3A_635, %ge3A_636 : i32
        %le3A_638 = arith.constant 448 : i32
        %le3A_639 = arith.cmpi sle, %add3A_635, %le3A_638 : i32
        %add3A_640 = arith.constant 56 : i32
        %add3A_641 = arith.addi %shift_right_arithmetic3A_364, %add3A_640 : i32
        %sub3A_642 = arith.constant 55 : i32
        %sub3A_643 = arith.subi %add3A_641, %sub3A_642 : i32
        %jit3A_644 = arith.constant 0 : i32
        %select_n3A_645 = arith.select %le3A_639, %jit3A_644, %sub3A_643 : i32
        %jit3A_646 = arith.constant 13 : i32
        %select_n3A_647 = arith.select %ge3A_637, %jit3A_646, %select_n3A_645 : i32
        %mul3A_648 = arith.constant 8 : i32
        %mul3A_649 = arith.muli %mul3A_648, %select_n3A_647 : i32
        %dma_start3A_650 = arith.constant 0 : i32
        %dma_start3A_651 = tpu.memref_slice %arg5[%mul3A_649, %dma_start3A_650] : memref<144x768xf32, #tpu.memory_space<vmem>> -> memref<32x768xf32, #tpu.memory_space<vmem>>
        %dma_start3A_652 = arith.constant 448 : i32
        %dma_start3A_653 = arith.constant 0 : i32
        %dma_start3A_654 = tpu.memref_slice %arg3[%sub3A_361, %dma_start3A_652, %dma_start3A_653] : memref<512x512x768xf32, #tpu.memory_space<hbm>> -> memref<1x32x768xf32, #tpu.memory_space<hbm>>
        %dma_start3A_655 = tpu.memref_squeeze %dma_start3A_654 : memref<1x32x768xf32, #tpu.memory_space<hbm>> -> memref<32x768xf32, #tpu.memory_space<hbm>>
        %dma_start3A_656 = arith.constant 448 : i32
        %dma_start3A_657 = arith.constant 0 : i32
        %dma_start3A_658 = tpu.memref_slice %arg3[%sub3A_361, %dma_start3A_656, %dma_start3A_657] : memref<512x512x768xf32, #tpu.memory_space<hbm>> -> memref<1x32x768xf32, #tpu.memory_space<hbm>>
        %dma_start3A_659 = tpu.memref_squeeze %dma_start3A_658 : memref<1x32x768xf32, #tpu.memory_space<hbm>> -> memref<32x768xf32, #tpu.memory_space<hbm>>
        %dma_start3A_660 = arith.constant 0 : i32
        %dma_start3A_661 = tpu.memref_slice %arg5[%mul3A_649, %dma_start3A_660] : memref<144x768xf32, #tpu.memory_space<vmem>> -> memref<32x768xf32, #tpu.memory_space<vmem>>
        tpu.enqueue_dma source(%dma_start3A_661 : memref<32x768xf32, #tpu.memory_space<vmem>>) target(%dma_start3A_659 : memref<32x768xf32, #tpu.memory_space<hbm>>) target_semaphore(%arg9 : memref<!tpu.dma_semaphore, #tpu.memory_space<semaphore_mem>>)
        %add3A_662 = arith.constant 480 : i32
        %add3A_663 = arith.addi %sub3A_363, %add3A_662 : i32
        %ge3A_664 = arith.constant 544 : i32
        %ge3A_665 = arith.cmpi sge, %add3A_663, %ge3A_664 : i32
        %le3A_666 = arith.constant 448 : i32
        %le3A_667 = arith.cmpi sle, %add3A_663, %le3A_666 : i32
        %add3A_668 = arith.constant 60 : i32
        %add3A_669 = arith.addi %shift_right_arithmetic3A_364, %add3A_668 : i32
        %sub3A_670 = arith.constant 55 : i32
        %sub3A_671 = arith.subi %add3A_669, %sub3A_670 : i32
        %jit3A_672 = arith.constant 0 : i32
        %select_n3A_673 = arith.select %le3A_667, %jit3A_672, %sub3A_671 : i32
        %jit3A_674 = arith.constant 13 : i32
        %select_n3A_675 = arith.select %ge3A_665, %jit3A_674, %select_n3A_673 : i32
        %mul3A_676 = arith.constant 8 : i32
        %mul3A_677 = arith.muli %mul3A_676, %select_n3A_675 : i32
        %dma_start3A_678 = arith.constant 0 : i32
        %dma_start3A_679 = tpu.memref_slice %arg5[%mul3A_677, %dma_start3A_678] : memref<144x768xf32, #tpu.memory_space<vmem>> -> memref<32x768xf32, #tpu.memory_space<vmem>>
        %dma_start3A_680 = arith.constant 480 : i32
        %dma_start3A_681 = arith.constant 0 : i32
        %dma_start3A_682 = tpu.memref_slice %arg3[%sub3A_361, %dma_start3A_680, %dma_start3A_681] : memref<512x512x768xf32, #tpu.memory_space<hbm>> -> memref<1x32x768xf32, #tpu.memory_space<hbm>>
        %dma_start3A_683 = tpu.memref_squeeze %dma_start3A_682 : memref<1x32x768xf32, #tpu.memory_space<hbm>> -> memref<32x768xf32, #tpu.memory_space<hbm>>
        %dma_start3A_684 = arith.constant 480 : i32
        %dma_start3A_685 = arith.constant 0 : i32
        %dma_start3A_686 = tpu.memref_slice %arg3[%sub3A_361, %dma_start3A_684, %dma_start3A_685] : memref<512x512x768xf32, #tpu.memory_space<hbm>> -> memref<1x32x768xf32, #tpu.memory_space<hbm>>
        %dma_start3A_687 = tpu.memref_squeeze %dma_start3A_686 : memref<1x32x768xf32, #tpu.memory_space<hbm>> -> memref<32x768xf32, #tpu.memory_space<hbm>>
        %dma_start3A_688 = arith.constant 0 : i32
        %dma_start3A_689 = tpu.memref_slice %arg5[%mul3A_677, %dma_start3A_688] : memref<144x768xf32, #tpu.memory_space<vmem>> -> memref<32x768xf32, #tpu.memory_space<vmem>>
        tpu.enqueue_dma source(%dma_start3A_689 : memref<32x768xf32, #tpu.memory_space<vmem>>) target(%dma_start3A_687 : memref<32x768xf32, #tpu.memory_space<hbm>>) target_semaphore(%arg9 : memref<!tpu.dma_semaphore, #tpu.memory_space<semaphore_mem>>)
        %ge3A_690 = arith.constant 2 : i32
        %ge3A_691 = arith.cmpi sge, %scan3A_354, %ge3A_690 : i32
        %convert_element_type3A_692 = arith.extui %ge3A_691 : i1 to i32
        %cond3A_693 = arith.constant 0 : i32
        %cond3A_694 = arith.cmpi ne, %convert_element_type3A_692, %cond3A_693 : i32
        scf.if %cond3A_694 {
          %sub3A_695 = arith.constant 2 : i32
          %sub3A_696 = arith.subi %scan3A_354, %sub3A_695 : i32
          %mul3A_697 = arith.constant 8 : i32
          %mul3A_698 = arith.muli %mul3A_697, %sub3A_696 : i32
          %add3A_699 = arith.constant 384 : i32
          %add3A_700 = arith.addi %add3A_699, %mul3A_698 : i32
          %add3A_701 = arith.constant 7 : i32
          %add3A_702 = arith.addi %add3A_700, %add3A_701 : i32
          %sub3A_703 = arith.subi %add3A_702, %and3A_1 : i32
          %dma_wait3A_704 = arith.constant 0 : i32
          %dma_wait3A_705 = arith.constant 0 : i32
          %dma_wait3A_706 = tpu.memref_slice %arg3[%sub3A_703, %dma_wait3A_704, %dma_wait3A_705] : memref<512x512x768xf32, #tpu.memory_space<hbm>> -> memref<1x512x768xf32, #tpu.memory_space<hbm>>
          %dma_wait3A_707 = tpu.memref_squeeze %dma_wait3A_706 : memref<1x512x768xf32, #tpu.memory_space<hbm>> -> memref<512x768xf32, #tpu.memory_space<hbm>>
          %dma_wait3A_708 = arith.constant 0 : i32
          %dma_wait3A_709 = arith.constant 0 : i32
          %dma_wait3A_710 = tpu.memref_slice %arg3[%sub3A_703, %dma_wait3A_708, %dma_wait3A_709] : memref<512x512x768xf32, #tpu.memory_space<hbm>> -> memref<1x512x768xf32, #tpu.memory_space<hbm>>
          %dma_wait3A_711 = tpu.memref_squeeze %dma_wait3A_710 : memref<1x512x768xf32, #tpu.memory_space<hbm>> -> memref<512x768xf32, #tpu.memory_space<hbm>>
          tpu.wait_dma2 semaphore(%arg9 : memref<!tpu.dma_semaphore, #tpu.memory_space<semaphore_mem>>) src(%dma_wait3A_711 : memref<512x768xf32, #tpu.memory_space<hbm>>) dst(%dma_wait3A_707 : memref<512x768xf32, #tpu.memory_space<hbm>>)
        } else {
        }
      }
      %scan3A_333 = arith.constant 16 : i32
      %sub3A_334 = arith.constant 503 : i32
      %sub3A_335 = arith.subi %sub3A_334, %and3A_1 : i32
      %dma_wait3A_336 = arith.constant 0 : i32
      %dma_wait3A_337 = arith.constant 0 : i32
      %dma_wait3A_338 = tpu.memref_slice %arg3[%sub3A_335, %dma_wait3A_336, %dma_wait3A_337] : memref<512x512x768xf32, #tpu.memory_space<hbm>> -> memref<1x512x768xf32, #tpu.memory_space<hbm>>
      %dma_wait3A_339 = tpu.memref_squeeze %dma_wait3A_338 : memref<1x512x768xf32, #tpu.memory_space<hbm>> -> memref<512x768xf32, #tpu.memory_space<hbm>>
      %dma_wait3A_340 = arith.constant 0 : i32
      %dma_wait3A_341 = arith.constant 0 : i32
      %dma_wait3A_342 = tpu.memref_slice %arg3[%sub3A_335, %dma_wait3A_340, %dma_wait3A_341] : memref<512x512x768xf32, #tpu.memory_space<hbm>> -> memref<1x512x768xf32, #tpu.memory_space<hbm>>
      %dma_wait3A_343 = tpu.memref_squeeze %dma_wait3A_342 : memref<1x512x768xf32, #tpu.memory_space<hbm>> -> memref<512x768xf32, #tpu.memory_space<hbm>>
      tpu.wait_dma2 semaphore(%arg9 : memref<!tpu.dma_semaphore, #tpu.memory_space<semaphore_mem>>) src(%dma_wait3A_343 : memref<512x768xf32, #tpu.memory_space<hbm>>) dst(%dma_wait3A_339 : memref<512x768xf32, #tpu.memory_space<hbm>>)
      %sub3A_344 = arith.constant 511 : i32
      %sub3A_345 = arith.subi %sub3A_344, %and3A_1 : i32
      %dma_wait3A_346 = arith.constant 0 : i32
      %dma_wait3A_347 = arith.constant 0 : i32
      %dma_wait3A_348 = tpu.memref_slice %arg3[%sub3A_345, %dma_wait3A_346, %dma_wait3A_347] : memref<512x512x768xf32, #tpu.memory_space<hbm>> -> memref<1x512x768xf32, #tpu.memory_space<hbm>>
      %dma_wait3A_349 = tpu.memref_squeeze %dma_wait3A_348 : memref<1x512x768xf32, #tpu.memory_space<hbm>> -> memref<512x768xf32, #tpu.memory_space<hbm>>
      %dma_wait3A_350 = arith.constant 0 : i32
      %dma_wait3A_351 = arith.constant 0 : i32
      %dma_wait3A_352 = tpu.memref_slice %arg3[%sub3A_345, %dma_wait3A_350, %dma_wait3A_351] : memref<512x512x768xf32, #tpu.memory_space<hbm>> -> memref<1x512x768xf32, #tpu.memory_space<hbm>>
      %dma_wait3A_353 = tpu.memref_squeeze %dma_wait3A_352 : memref<1x512x768xf32, #tpu.memory_space<hbm>> -> memref<512x768xf32, #tpu.memory_space<hbm>>
      tpu.wait_dma2 semaphore(%arg9 : memref<!tpu.dma_semaphore, #tpu.memory_space<semaphore_mem>>) src(%dma_wait3A_353 : memref<512x768xf32, #tpu.memory_space<hbm>>) dst(%dma_wait3A_349 : memref<512x768xf32, #tpu.memory_space<hbm>>)
    } else {
    }
    return
  }
}

</mosaic_0001>

<sc_bundles>
// kernel: kernel.3.cloned.1.call-start
scs
__scs_entry_jumppad:
0x0: {  	(pc) =	sbr.rel $0x88, $3  }
0x1: {  	(tag) =	ssettag $0x0;
	lr =	simm.s32 $0x1  }
0x2: {  	[smem:$0x3FA0] =	sst lr;
	_ =	strace $0xD0000000  }
0x3: {  	_ = 	snop  }
0x4: {  	_ = 	snop  }
0x5: {  	_ = 	snop  }
0x6: {  	_ = 	snop  }
0x7: {  	_ = 	snop  }
__scs_overlays_trampoline_lowered:
0x8: {  	[smem:$0x3FAF] =	sst s0  }
0x9: {  	[smem:$0x3FB0] =	sst s1  }
0xa: {  	[smem:$0x3FB1] =	sst s2  }
0xb: {  	[smem:$0x3FB2] =	sst s3  }
0xc: {  	[smem:$0x3FB3] =	sst s4  }
0xd: {  	[smem:$0x3FB4] =	sst s5  }
0xe: {  	[smem:$0x3FB5] =	sst s6  }
0xf: {  	[smem:$0x3FB6] =	sst s7  }
0x10: {  	[smem:$0x3FB7] =	sst s8  }
0x11: {  	[smem:$0x3FB8] =	sst s9;
	s0 =	simm.s32 @!p0 $0x0  }
0x12: {  	s1 =	sld [smem:$0x3F9E];
	s0 =	simm.s32 @p0 $0x1  }
0x13: {  	[smem:$0x3FB9] =	sst s0;
	s0 =	simm.s32 @!p1 $0x0  }
0x14: {  	s2 =	sld [smem:$0x3F9D];
	s0 =	simm.s32 @p1 $0x1  }
0x15: {  	[smem:$0x3FBA] =	sst s0;
	s0 =	simm.s32 @!p2 $0x0  }
0x16: {  	s3 =	sld [smem:$0x3FDB];
	s0 =	simm.s32 @p2 $0x1  }
0x17: {  	s4 =	simm.s32 $0x1BF5;
	[smem:$0x3FBC] =	sst s0  }
0x18: {  	s0 =	sld [smem:$0x3F9F];
	_ =	swait.ge [sflag:s4], $0x0  }
0x19: {  	s7 =	sld [smem:$0x3FA0]  }
0x1a: {  	s8 =	sadd.s32 $0xFFFFE003, lr  }
0x1b: {  	s9 =	sadd.s32 $0xFFFFFEF7, lr;
	s5 =	simm.s32 $0xFFFFFFFF;
	p2 =	slt.u32 s8, $0xFFFFF086  }
0x1c: {  	p1 =	slt.u32 s9, $0xF7A;
	s5 =	simm.s32 @!p2 $0x0  }
0x1d: {  	s5 =	simm.s32 @p1 $0x1;
	p0 =	seq.s32 s7, s2  }
0x1e: {  	s7 =	smul.u32 @!p0 $0xF7A, s2;
	p2 =	seq.s32 @!p0 s5, $0x0  }
0x1f: {  	s9 =	smul.u32 $0xF7A, s1;
	s8 =	simm.s32 @!p0 $0x1BF5;
	p2 =	por !p2, p0  }
0x20: {  	[sflag:s8] =	ssyncset.s32 @!p0 $0xFFFFF086;
	s6 =	sadd.s32 @!p0 s3, s7;
	s7 =	simm.s32 @!p0 $0x108  }
0x21: {  	s3 =	sadd.s32 s3, s9;
	s6 =	sadd.s32 @!p0 $0x88, s6;
	s7 =	simm.s32 @p2 $0x1082  }
0x22: {  	[simem:s7], [sflag:s8] =	dma.local @!p0 [hbm:s6], $0xF7A  }
0x23: {  	s9 =	sor.u32 $0xD0000000, s2;
	s6 =	simm.s32 $0x108;
	_ =	swait.ge @!p0 [sflag:s8], $0x0  }
0x24: {  	s3 =	sadd.s32 $0x88, s3;
	s6 =	simm.s32 @!p1 $0x1082;
	[sflag:s4] =	ssyncset.s32 $0xFFFFF086  }
0x25: {  	[simem:s6], [sflag:s4] =	dma.local [hbm:s3], $0xF7A  }
0x26: {  	[smem:$0x3FA0] =	sst s1;
	(tag) =	ssettag s2;
	_ =	strace s9  }
0x27: {  	s1 =	sld [smem:$0x3FB0]  }
0x28: {  	s2 =	sld [smem:$0x3FB1]  }
0x29: {  	s4 =	sld [smem:$0x3FB3]  }
0x2a: {  	p0 =	seq.s32 s5, $0x0;
	s5 =	sld [smem:$0x3FB4]  }
0x2b: {  	s6 =	sld [smem:$0x3FB5]  }
0x2c: {  	s7 =	sld [smem:$0x3FB6]  }
0x2d: {  	s3 =	simm.s32 $0x108;
	s8 =	sld [smem:$0x3FB7]  }
0x2e: {  	s3 =	simm.s32 @!p0 $0x1082;
	s9 =	sld [smem:$0x3FB8]  }
0x2f: {  	lr =	sadd.s32 s0, s3;
	s0 =	sld [smem:$0x3FAF]  }
0x30: {  	s3 =	sld [smem:$0x3FB2]  }
0x31: {  	[smem:$0x3FBB] =	sst s10  }
0x32: {  	s10 =	sld [smem:$0x3FB9];
	_ =	sdelay $0x3  }
0x33: {  	p0 =	seq.s32 s10, $0x1;
	s10 =	sld [smem:$0x3FBB];
	_ =	sdelay $0x3  }
0x34: {  	[smem:$0x3FBB] =	sst s10  }
0x35: {  	s10 =	sld [smem:$0x3FBA];
	_ =	sdelay $0x3  }
0x36: {  	p1 =	seq.s32 s10, $0x1;
	s10 =	sld [smem:$0x3FBB];
	_ =	sdelay $0x3  }
0x37: {  	[smem:$0x3FBB] =	sst s10  }
0x38: {  	s10 =	sld [smem:$0x3FBC]  }
0x39: {  	_ = 	snop;
	(pc) =	sbr.ind lr, $3  }
0x3a: {  	_ = 	snop  }
0x3b: {  	_ = 	snop  }
0x3c: {  	p2 =	seq.s32 s10, $0x1;
	s10 =	sld [smem:$0x3FBB]  }
0x3d: {  	_ =	shalt  }
0x3e: {  	_ =	shalt  }
0x3f: {  	_ =	shalt  }
0x40: {  	_ =	shalt  }
0x41: {  	_ =	shalt  }
0x42: {  	_ =	shalt  }
0x43: {  	_ =	shalt  }
0x44: {  	_ =	shalt  }
0x45: {  	_ =	shalt  }
0x46: {  	_ =	shalt  }
0x47: {  	_ =	shalt  }
0x48: {  	_ =	shalt  }
0x49: {  	_ =	shalt  }
0x4a: {  	_ =	shalt  }
0x4b: {  	_ =	shalt  }
0x4c: {  	_ =	shalt  }
0x4d: {  	_ =	shalt  }
0x4e: {  	_ =	shalt  }
0x4f: {  	_ =	shalt  }
0x50: {  	_ =	shalt  }
0x51: {  	_ =	shalt  }
0x52: {  	_ =	shalt  }
0x53: {  	_ =	shalt  }
0x54: {  	_ =	shalt  }
0x55: {  	_ =	shalt  }
0x56: {  	_ =	shalt  }
0x57: {  	_ =	shalt  }
0x58: {  	_ =	shalt  }
0x59: {  	_ =	shalt  }
0x5a: {  	_ =	shalt  }
0x5b: {  	_ =	shalt  }
0x5c: {  	_ =	shalt  }
0x5d: {  	_ =	shalt  }
0x5e: {  	_ =	shalt  }
0x5f: {  	_ =	shalt  }
0x60: {  	_ =	shalt  }
0x61: {  	_ =	shalt  }
0x62: {  	_ =	shalt  }
0x63: {  	_ =	shalt  }
0x64: {  	_ =	shalt  }
0x65: {  	_ =	shalt  }
0x66: {  	_ =	shalt  }
0x67: {  	_ =	shalt  }
0x68: {  	_ =	shalt  }
0x69: {  	_ =	shalt  }
0x6a: {  	_ =	shalt  }
0x6b: {  	_ =	shalt  }
0x6c: {  	_ =	shalt  }
0x6d: {  	_ =	shalt  }
0x6e: {  	_ =	shalt  }
0x6f: {  	_ =	shalt  }
0x70: {  	_ =	shalt  }
0x71: {  	_ =	shalt  }
0x72: {  	_ =	shalt  }
0x73: {  	_ =	shalt  }
0x74: {  	_ =	shalt  }
0x75: {  	_ =	shalt  }
0x76: {  	_ =	shalt  }
0x77: {  	_ =	shalt  }
0x78: {  	_ =	shalt  }
0x79: {  	_ =	shalt  }
0x7a: {  	_ =	shalt  }
0x7b: {  	_ =	shalt  }
0x7c: {  	_ =	shalt  }
0x7d: {  	_ =	shalt  }
0x7e: {  	_ =	shalt  }
0x7f: {  	_ =	shalt  }
0x80: {  	_ =	shalt  }
0x81: {  	_ =	shalt  }
0x82: {  	_ =	shalt  }
0x83: {  	_ =	shalt  }
0x84: {  	_ =	shalt  }
0x85: {  	_ =	shalt  }
0x86: {  	_ =	shalt  }
0x87: {  	_ =	shalt  }
.Lfunc_end0:
.L_simem_size_0:
called_computation_lowered:
.L_overlay_start_0:
0x88: {  	s2 =	sld [smem:$0x3FD9]  }
0x89: {  	s3 =	sld [smem:$0x3FFE];
	_ =	sdelay $0x1  }
0x8a: {  	s1 =	srdreg.scid  }
0x8b: {  	s0 =	sand.u32 $0x1, s1  }
0x8c: {  	s18 =	sshll.u32 s0, $0xA;
	s2 =	sadd.s32 s3, s2  }
0x8d: {  	s2 =	sadd.s32 s2, s18  }
0x8e: {  	[smem:$0x3FC7] =	sst s2  }
0x8f: {  	_ = 	snop  }
0x90: {  	s2 =	sld [smem:$0x3FC9]  }
0x91: {  	s19 =	sld [smem:$0x3FD0];
	(tm) =	ssettm $0x1  }
0x92: {  	s4 =	sld [smem:$0x3FFB];
	_ =	sdelay $0x3  }
0x93: {  	_ =	strace s4  }
0x94: {  	s4 =	sld [smem:$0x3FFC];
	_ =	sdelay $0x3  }
0x95: {  	_ =	strace s4  }
0x96: {  	s4 =	sld [smem:$0x3FFD];
	_ =	sdelay $0x3  }
0x97: {  	_ =	strace s4  }
0x98: {  	_ =	strace $0x8FFFFFFF  }
0x99: {  	s20 =	sld [smem:$0x3FDB];
	_ =	sdelay $0x1  }
0x9a: {  	s5 =	simm.s32 $_scs_section_size  }
0x9b: {  	s6 =	simm.s32 $_size__tile_overlayer_lowered;
	s7 =	simm.s32 $_tile_overlayer_lowered  }
0x9c: {  	s23 =	simm.s32 $0x1BFF;
	s22 =	sshll.u32 s7, $0x1;
	s4 =	sadd.s32 s5, s20  }
0x9d: {  	s8 =	simm.s32 $0x0;
	s21 =	sshll.u32 s6, $0x1;
	s6 =	sadd.s32 s22, s4  }
0x9e: {  	[timem:s8], [sflag:s23] =	dma.local [hbm:s6], s21  }
0x9f: {  	_ =	swait.ge [sflag:s23], s21  }
0xa0: {  	s5 =	ssub.s32 $0x0, s21;
	[sflag:s23] =	ssyncset.done $0x0  }
0xa1: {  	[sflag:s23] =	ssyncadd.s32 s5;
	_ =	sdelay $0x1  }
0xa2: {  	s24 =	simm.s32 $0x1B8B  }
0xa3: {  	_ =	swait.ge [sflag:s24], $0x1  }
0xa4: {  	[sflag:s24] =	ssyncset.done $0x0  }
0xa5: {  	s25 =	simm.s32 $0x1B8E;
	[sflag:s24] =	ssyncadd.s32 $0xFFFFFFFF  }
0xa6: {  	s26 =	simm.s32 $execute0_lowered;
	[smem:$0x3FD2] =	sst s25  }
0xa7: {  	s5 =	sshll.u32 s26, $0x1;
	_ =	strace $0x80000046;
	[dreg:$0x1] =	wrdreg $0xFFFFFFFF  }
0xa8: {  	s28 =	simm.s32 $_size_execute0_lowered;
	s4 =	sadd.s32 s4, s5;
	[dreg:$0x0] =	wrdreg $0x0  }
0xa9: {  	s5 =	sshll.u32 s28, $0x1;
	[dreg:$0x2] =	wrdreg s4  }
0xaa: {  	[dreg:$0x3] =	wrdreg s5  }
0xab: {  	[dreg:$0x4] =	wrdreg $0xC0  }
0xac: {  	_ =	task [dreg:s8], $0x5FFFF  }
0xad: {  	[dreg:$0x1] =	wrdreg $0xFFFFFFFF  }
0xae: {  	[dreg:$0x0] =	wrdreg $0x60  }
0xaf: {  	[dreg:$0x2] =	wrdreg s2  }
0xb0: {  	[dreg:$0x3] =	wrdreg s19  }
0xb1: {  	[dreg:$0x4] =	wrdreg $0x1B0800  }
0xb2: {  	[dreg:$0x5] =	wrdreg $0x1C8800  }
0xb3: {  	[dreg:$0x6] =	wrdreg $0x9  }
0xb4: {  	_ =	task.clear_ibuf [dreg:s8], $0x7FFFF;
	_ =	strace $0x90000046  }
0xb5: {  	s29 =	simm.s32 $0x9;
	_ =	strace $0x80000048  }
0xb6: {  	_ =	swait.ge [sflag:s29], $0x1  }
0xb7: {  	[sflag:s29] =	ssyncadd.s32 $0xFFFFFFFF  }
0xb8: {  	_ =	strace $0x90000048  }
0xb9: {  	_ =	sfence  }
0xba: {  	s30 =	sld [smem:$0x0];
	_ =	sdelay $0x2  }
0xbb: {  	s31 =	sshll.u32 s1, $0xD;
	s1 =	sshrl.u32 s1, $0x2  }
0xbc: {  	s3 =	sand.u32 $0x4000, s31;
	s1 =	sadd.s32 s1, s30  }
0xbd: {  	s0 =	sor.u32 s3, s0;
	s1 =	sshll.u32 s1, $0x11  }
0xbe: {  	s0 =	sor.u32 s1, s0  }
0xbf: {  	s0 =	sadd.s32 $0x8F2B, s0  }
0xc0: {  	[sflag:s0] =	ssyncadd.remote.s32 $0x1  }
0xc1: {  	_ =	sfence.sel $0xFFFF  }
0xc2: {  	[dreg:$0x0] =	wrdreg $0xFFFFFFFF;
	(pc) =	sbr.abs _section_cstart, $3  }
0xc3: {  	[dreg:$0x1] =	wrdreg $0xFFFFFFFF  }
0xc4: {  	_ =	task.clear_ibuf [dreg:s8], $0x2FFFF;
	_ =	strace $0x9FFFFFFF  }
0xc5: {  	(tm) =	ssettm $0x7FFFFFFF  }
tec
execute0_lowered:
.L_overlay_start_1:
0x0: {  	(tag) =	ssettag $0x1  }
0x1: {  	s2 =	rddreg [dreg:$0x0]  }
0x2: {  	s23 =	rddreg [dreg:$0x1]  }
0x3: {  	s10 =	rddreg [dreg:$0x2]  }
0x4: {  	s31 =	rddreg [dreg:$0x3];
	s30 =	simm.s32 $0x0  }
0x5: {  	s0 =	srdreg.scid;
	[smem:$0x7FF] =	sst s30;
	s15 =	sadd.s32 $0x100, s2  }
0x6: {  	s16 =	sadd.s32 $0x200, s2;
	_ =	strace $0x80000047;
	[smem:$0x7DD] =	sst s15  }
0x7: {  	s3 =	stileid.u32;
	s17 =	sadd.s32 $0xC00, s23;
	[smem:$0x7DE] =	sst s16  }
0x8: {  	s1 =	sand.u32 $0x1, s0;
	s18 =	sadd.s32 $0x1800, s23;
	[smem:$0x7DF] =	sst s17  }
0x9: {  	s5 =	sshll.u32 s3, $0x1;
	s19 =	sadd.s32 $0x2400, s23;
	[smem:$0x7E0] =	sst s18  }
0xa: {  	s6 =	sshrl.u32 s3, $0x2;
	s20 =	sadd.s32 $0x6000, s31;
	[smem:$0x7E1] =	sst s19  }
0xb: {  	s13 =	sadd.s32 $0x3000, s23;
	s21 =	sadd.s32 $0x3C00, s23;
	[smem:$0x7E2] =	sst s20  }
0xc: {  	s22 =	sadd.s32 $0xC000, s31;
	p0 =	seq.s32 s3, $0x1;
	[smem:$0x7E3] =	sst s13  }
0xd: {  	s0 =	ssub.s32 $0x2, s1;
	s5 =	sor.u32 s1, s5;
	[smem:$0x7E4] =	sst s22  }
0xe: {  	[smem:$0x7E5] =	sst s21;
	s17 =	sshll.u32 s3, $0x3;
	s1 =	sshll.u32 s1, $0x2  }
0xf: {  	[smem:$0x7FC] =	sst s6;
	s7 =	sshrl.u32 s0, $0x1;
	s4 =	sand.u32 $0x7, s5  }
0x10: {  	s16 =	sor.u32 $0x1D8, s5;
	s15 =	sor.u32 $0x1F8, s5;
	s11 =	sor.u32 $0x218, s5  }
0x11: {  	s2 =	sor.u32 s1, s17;
	s14 =	ssub.s32 s0, s7;
	s7 =	sor.u32 $0x1B8, s5  }
0x12: {  	s12 =	sor.u32 $0x1E8, s4;
	s8 =	sor.u32 $0x208, s4;
	[smem:$0x7F1] =	sst s2  }
0x13: {  	s0 =	smul.u32 $0x60000, s4;
	s2 =	sadd.s32 $0xC, s2;
	[smem:$0x7F5] =	sst s4  }
0x14: {  	s5 =	sor.u32 $0x238, s5;
	v6 =	vmov s16;
	s16 =	smov.u32 s10;
	[smem:$0x7F2] =	sst s2  }
0x15: {  	s24 =	ssub.s32 $0x62FA000, s0;
	s26 =	ssub.s32 $0x62F4000, s0;
	s29 =	ssub.s32 $0x62EE000, s0  }
0x16: {  	s9 =	ssub.s32 $0x62C4000, s0;
	s21 =	ssub.s32 $0x62CA000, s0;
	s13 =	sshrl.u32 s24, $0x3  }
0x17: {  	s28 =	sshrl.u32 s26, $0x3;
	s19 =	sshrl.u32 s9, $0x3;
	s22 =	sshrl.u32 s21, $0x3  }
0x18: {  	s24 =	ssub.s32 $0x62D0000, s0;
	s9 =	ssub.s32 $0x62DC000, s0;
	s25 =	sadd.s32 s13, s23  }
0x19: {  	s1 =	sadd.s32 s28, s23;
	s13 =	sshrl.u32 s29, $0x3;
	[dreg:$0xf] =	wrdreg s25  }
0x1a: {  	s20 =	sadd.s32 s19, s23;
	s17 =	sshrl.u32 s9, $0x3;
	[dreg:$0xe] =	wrdreg s1  }
0x1b: {  	s19 =	ssub.s32 $0x62E8000, s0;
	s18 =	sadd.s32 s13, s23;
	[dreg:$0x6] =	wrdreg s20  }
0x1c: {  	s1 =	sadd.s32 s22, s23;
	s13 =	sshrl.u32 s24, $0x3;
	s25 =	ssub.s32 $0x62D6000, s0  }
0x1d: {  	s21 =	sshrl.u32 s19, $0x3;
	s24 =	ssub.s32 $0x62A0000, s0;
	[dreg:$0xd] =	wrdreg s18  }
0x1e: {  	[dreg:$0x7] =	wrdreg s1;
	s26 =	sadd.s32 s13, s23;
	s28 =	sshrl.u32 s25, $0x3  }
0x1f: {  	s18 =	ssub.s32 $0x62E2000, s0;
	s1 =	sadd.s32 s17, s23;
	s22 =	sadd.s32 s21, s23  }
0x20: {  	s25 =	sshrl.u32 s24, $0x3;
	s21 =	ssub.s32 $0x92DC000, s0;
	[dreg:$0x8] =	wrdreg s26  }
0x21: {  	s29 =	sadd.s32 s28, s23;
	s13 =	sshrl.u32 s18, $0x3;
	[dreg:$0xa] =	wrdreg s1  }
0x22: {  	[dreg:$0xc] =	wrdreg s22;
	s26 =	ssub.s32 $0x92C4000, s0;
	s1 =	sadd.s32 s25, s23  }
0x23: {  	s28 =	ssub.s32 $0x92CA000, s0;
	s18 =	ssub.s32 $0x92D0000, s0;
	s24 =	sshrl.u32 s21, $0x3  }
0x24: {  	s21 =	ssub.s32 $0x92FA000, s0;
	[dreg:$0x9] =	wrdreg s29;
	s20 =	sadd.s32 s13, s23  }
0x25: {  	s13 =	sshrl.u32 s26, $0x3;
	[dreg:$0x5] =	wrdreg s1;
	s9 =	sshrl.u32 s28, $0x3  }
0x26: {  	s19 =	sshrl.u32 s18, $0x3;
	s25 =	sadd.s32 s24, s23;
	s26 =	ssub.s32 $0x92E2000, s0  }
0x27: {  	v2 =	vlaneseq.u32;
	s24 =	ssub.s32 $0x92A0000, s0;
	[dreg:$0xb] =	wrdreg s20;
	s29 =	sadd.s32 s13, s23  }
0x28: {  	v4 =	vmul.u32 $0xFFFFFFFF, v2;
	s17 =	sadd.s32 s9, s23;
	s20 =	ssub.s32 $0x92D6000, s0;
	s1 =	sadd.s32 s19, s23  }
0x29: {  	[dreg:$0x15] =	wrdreg s25;
	s28 =	sshrl.u32 s26, $0x3;
	s9 =	ssub.s32 $0x92EE000, s0  }
0x2a: {  	v7 =	vadd.s32 $0x1FF, v4;
	v0 =	vmov s7;
	s19 =	ssub.s32 $0x92F4000, s0;
	s25 =	sshrl.u32 s24, $0x3;
	[dreg:$0x11] =	wrdreg s29  }
0x2b: {  	v0 =	vsub.s32 v7, v0;
	s26 =	ssub.s32 $0x32FA000, s0;
	[dreg:$0x12] =	wrdreg s17;
	s13 =	sshrl.u32 s20, $0x3  }
0x2c: {  	v1 =	vmin.u32 v0, $0x20;
	[dreg:$0x13] =	wrdreg s1;
	s29 =	ssub.s32 $0x92E8000, s0;
	s1 =	sadd.s32 s28, s23  }
0x2d: {  	v0 =	vadd.s32 $0x20, v1;
	s17 =	sshrl.u32 s9, $0x3;
	s20 =	sshrl.u32 s19, $0x3;
	s9 =	sadd.s32 $0x12000, s31  }
0x2e: {  	v3 =	vshrl.u32 v0, $0x3;
	s28 =	sshrl.u32 s26, $0x3;
	s19 =	ssub.s32 $0x32EE000, s0;
	[dreg:$0x16] =	wrdreg s1  }
0x2f: {  	v3 =	vmul.u32 $0x30, v3;
	s26 =	sadd.s32 $0x6000, s10;
	s22 =	sadd.s32 s13, s23;
	[smem:$0x7E6] =	sst s9  }
0x30: {  	v21 =	vand.u32 $0x7, v2;
	v22 =	vor.u32 $0x8, v2;
	v1 =	vand.u32 $0x7, v1;
	s13 =	sshrl.u32 s29, $0x3;
	s18 =	sadd.s32 s17, s23;
	[smem:$0x7EA] =	sst s26  }
0x31: {  	v10 =	vadd.s32 $0x21F, v4;
	v3 =	vor.u32 v1, v3;
	v1 =	vshrl.u32 v2, $0x3;
	s1 =	sadd.s32 s20, s23;
	s29 =	ssub.s32 $0x32F4000, s0;
	[dreg:$0x14] =	wrdreg s22  }
0x32: {  	v8 =	vmov s15;
	v5 =	vperm.xlane v3, v21;
	v26 =	vmul.u32 $0x8, v1;
	s9 =	sadd.s32 s28, s23;
	s20 =	sshrl.u32 s19, $0x3;
	[dreg:$0x18] =	wrdreg s18  }
0x33: {  	v13 =	vmov s8;
	v2 =	vperm.xlane v3, v22;
	v3 =	vsub.s32 v7, v6;
	s19 =	ssub.s32 $0x32C4000, s0;
	s26 =	ssub.s32 $0x0, s4;
	[dreg:$0x19] =	wrdreg s1  }
0x34: {  	v6 =	vmin.u32 v3, $0x20;
	v1 =	vadd.s32 v26, v5;
	v5 =	vsub.s32 v7, v8;
	s13 =	sadd.s32 s13, s23;
	s1 =	sadd.s32 s25, s23;
	[smem:$0x7E7] =	sst s9  }
0x35: {  	v8 =	vmov s12;
	v3 =	vadd.s32 $0x20, v6;
	s17 =	sshrl.u32 s29, $0x3;
	s29 =	sadd.s32 $0xC000, s10;
	vm0 =	vgt.s32 v5, $0xFFFFFFE0;
	[smem:$0x7F3] =	sst s26  }
0x36: {  	s9 =	ssub.s32 $0x32DC000, s0;
	v9 =	vshrl.u32 v3, $0x3;
	v4 =	vsub.s32 v10, v8;
	[dreg:$0x17] =	wrdreg s13;
	s13 =	sshrl.u32 s21, $0x3;
	v5 =	vnsel vm0, $0xFFFFFFE0, v5  }
0x37: {  	[dreg:$0x10] =	wrdreg s1;
	s18 =	sadd.s32 s17, s23;
	s21 =	ssub.s32 $0x32E8000, s0;
	v9 =	vmul.u32 $0x30, v9;
	v11 =	vshrl.u32 v4, $0x3;
	vm0 =	vlt.s32 v5, $0x20  }
0x38: {  	v6 =	vand.u32 $0x7, v6;
	s1 =	sadd.s32 s20, s23;
	[smem:$0x7EC] =	sst s29;
	s17 =	sadd.s32 $0x12000, s10;
	v11 =	vmul.u32 $0x30, v11;
	v8 =	vnsel vm0, $0x20, v5  }
0x39: {  	s20 =	sshrl.u32 s19, $0x3;
	s29 =	sor.u32 $0xA0, s4;
	[smem:$0x7E8] =	sst s18;
	v16 =	vor.u32 v6, v9;
	v6 =	vand.u32 $0x7, v4;
	v5 =	vadd.s32 $0x20, v8  }
0x3a: {  	s22 =	sadd.s32 s13, s23;
	s7 =	sshrl.u32 s21, $0x3;
	[smem:$0x7E9] =	sst s1;
	v17 =	vor.u32 v6, v11;
	v6 =	vsub.s32 v10, v13;
	v12 =	vshrl.u32 v5, $0x3  }
0x3b: {  	v14 =	vmov s11;
	s13 =	smax.u32 s14, $0x1;
	s1 =	sshrl.u32 s9, $0x3;
	[smem:$0x7EF] =	sst s17;
	v10 =	vshrl.u32 v6, $0x3;
	v12 =	vmul.u32 $0x30, v12  }
0x3c: {  	v15 =	vmov s5;
	s14 =	ssub.s32 $0x32D6000, s0;
	s21 =	ssub.s32 $0x32CA000, s0;
	[smem:$0x7F6] =	sst s29;
	v8 =	vand.u32 $0x7, v8;
	v10 =	vmul.u32 $0x30, v10  }
0x3d: {  	v2 =	vadd.s32 v26, v2;
	[dreg:$0x1a] =	wrdreg s22;
	s22 =	ssub.s32 $0x32E2000, s0;
	s24 =	sadd.s32 s7, s23;
	v13 =	vand.u32 $0x7, v6;
	v18 =	vor.u32 v8, v12  }
0x3e: {  	[smem:$0x7EE] =	sst s13;
	s1 =	sadd.s32 s1, s23;
	s7 =	sshrl.u32 s14, $0x3;
	v8 =	vsub.s32 v7, v14;
	v19 =	vor.u32 v13, v10;
	v13 =	vperm.xlane v16, v22  }
0x3f: {  	[smem:$0x7EB] =	sst s24;
	s24 =	ssub.s32 $0x32D0000, s0;
	s0 =	ssub.s32 $0x32A0000, s0;
	v9 =	vmax.u32 v8, $0xFFFFFFE0;
	v8 =	vsub.s32 v7, v15;
	v15 =	vperm.xlane v17, v22  }
0x40: {  	vm0 =	vmmov $0xffff;
	s25 =	sshrl.u32 s22, $0x3;
	[smem:$0x7F0] =	sst s1;
	s0 =	sshrl.u32 s0, $0x3;
	v24 =	vperm.xlane v19, v21;
	v25 =	vperm.xlane v19, v22  }
0x41: {  	s18 =	sadd.s32 s7, s23;
	s1 =	sadd.s32 s20, s23;
	s0 =	sadd.s32 s0, s23;
	v7 =	vadd.s32 $0x20, v9;
	v11 =	vmax.u32 v8, $0xFFFFFFE0;
	v9 =	vand.u32 $0x7, v9  }
0x42: {  	s7 =	sshrl.u32 s21, $0x3;
	[dreg:$0x1b] =	wrdreg s0;
	s0 =	simm.s32 @!p0 $0x0;
	v13 =	vadd.s32 v26, v13;
	v12 =	vshrl.u32 v7, $0x3;
	v8 =	vadd.s32 $0x20, v11  }
0x43: {  	[dreg:$0x1f] =	wrdreg s18;
	s0 =	simm.s32 @p0 $0x1;
	p0 =	sne.s32 s3, $0x0;
	v15 =	vadd.s32 v26, v15;
	v12 =	vmul.u32 $0x30, v12;
	v14 =	vshrl.u32 v8, $0x3  }
0x44: {  	s28 =	sadd.s32 s25, s23;
	[smem:$0x7F7] =	sst s0;
	s0 =	simm.s32 @!p0 $0x0;
	v19 =	vadd.s32 v26, v24;
	v10 =	vmul.u32 $0x30, v14;
	v14 =	vperm.xlane v17, v21  }
0x45: {  	[dreg:$0x1c] =	wrdreg s1;
	s0 =	simm.s32 @p0 $0x1;
	p0 =	sgt.s32 s6, $0x1;
	v17 =	vperm.xlane v18, v22;
	v20 =	vor.u32 v9, v12;
	v9 =	vand.u32 $0x7, v11  }
0x46: {  	s22 =	sadd.s32 s7, s23;
	[smem:$0x7F8] =	sst s0;
	s0 =	simm.s32 @!p0 $0x0;
	v11 =	vimm.s32 $0x180;
	v12 =	vperm.xlane v16, v21;
	v16 =	vperm.xlane v18, v21  }
0x47: {  	[smem:$0x7ED] =	sst s28;
	s0 =	simm.s32 @p0 $0x1;
	p0 =	seq.s32 s6, $0x0;
	v18 =	vimm.s32 $0x0;
	v23 =	vor.u32 v9, v10;
	v10 =	vperm.xlane v11, v21  }
0x48: {  	s25 =	sshrl.u32 s24, $0x3;
	[smem:$0x7F9] =	sst s0;
	s0 =	simm.s32 @!p0 $0x0;
	v9 =	vimm.s32 $0x40;
	v11 =	vperm.xlane v11, v22;
	v14 =	vadd.s32 v26, v14  }
0x49: {  	[dreg:$0x1d] =	wrdreg s22;
	s0 =	simm.s32 @p0 $0x1;
	p0 =	seq.s32 s6, $0x2;
	v17 =	vadd.s32 v26, v17;
	v27 =	vperm.xlane v20, v21;
	v28 =	vperm.xlane v20, v22  }
0x4a: {  	s1 =	sadd.s32 s25, s23;
	[smem:$0x7FA] =	sst s0;
	s0 =	simm.s32 @!p0 $0x0;
	v24 =	vperm.xlane v18, v21;
	v29 =	vperm.xlane v18, v22;
	v20 =	vadd.s32 v26, v25  }
0x4b: {  	[dreg:$0x1e] =	wrdreg s1;
	s0 =	simm.s32 @p0 $0x1;
	p0 =	sne.s32 s6, $0x3;
	v12 =	vadd.s32 v26, v12;
	v16 =	vadd.s32 v26, v16;
	v25 =	vperm.xlane v23, v21  }
0x4c: {  	s28 =	sor.u32 $0xC0, s4;
	v30 =	vperm.xlane v23, v22;
	[smem:$0x7FB] =	sst s0;
	s0 =	simm.s32 @!p0 $0x0;
	v10 =	vadd.s32 v26, v10;
	v11 =	vadd.s32 v26, v11  }
0x4d: {  	s15 =	simm.s32 $0x80;
	[smem:$0x7F4] =	sst s28;
	v21 =	vadd.s32 v26, v27;
	v22 =	vadd.s32 v26, v28;
	v23 =	vadd.s32 v26, v24;
	s0 =	simm.s32 @p0 $0x1  }
0x4e: {  	s14 =	simm.s32 $0x13880;
	s21 =	simm.s32 $0x0;
	v24 =	vadd.s32 v26, v29;
	v25 =	vadd.s32 v26, v25;
	v26 =	vadd.s32 v26, v30;
	[smem:$0x7FD] =	sst s0  }
.LBB2_1:
0x4f: {  	_ =	sdelay $0x1  }
0x50: {  	s0 =	rddreg [dreg:$0x0]  }
0x51: {  	[tilespmem:$0x0] =	vst v0;
	s1 =	sld [smem:$0x7DD]  }
0x52: {  	[tilespmem:s15], [sflag:$0x1] =	stream.indirect_vreg.gather [hbm4b:s0+s30], $0x80, v1, vm0, $0xb8;
	[tilespmem:$0x1E080] =	vst v63  }
0x53: {  	s2 =	simm.s32 $0x880  }
0x54: {  	[tilespmem:s2], [sflag:$0x1] =	stream.indirect_vreg.gather [hbm4b:s1+s30], $0x80, v1, vm0, $0xb8;
	[tilespmem:$0x1E080] =	vst v63  }
0x55: {  	s2 =	sld [smem:$0x7DE];
	_ =	sdelay $0x1  }
0x56: {  	s3 =	simm.s32 $0x1080  }
0x57: {  	[tilespmem:s3], [sflag:$0x1] =	stream.indirect_vreg.gather [hbm4b:s2+s30], $0x80, v1, vm0, $0xb8;
	[tilespmem:$0x1E080] =	vst v63  }
0x58: {  	s12 =	simm.s32 $0x1880  }
0x59: {  	[tilespmem:s12], [sflag:$0x1] =	stream.indirect_vreg.gather [hbm4b:s0+s30], $0x80, v2, vm0, $0xb8;
	[tilespmem:$0x1E080] =	vst v63  }
0x5a: {  	s13 =	simm.s32 $0x2080  }
0x5b: {  	[tilespmem:s13], [sflag:$0x1] =	stream.indirect_vreg.gather [hbm4b:s1+s30], $0x80, v2, vm0, $0xb8;
	[tilespmem:$0x1E080] =	vst v63  }
0x5c: {  	s17 =	simm.s32 $0x2880;
	s3 =	simm.s32 $0x1  }
0x5d: {  	[tilespmem:s17], [sflag:$0x1] =	stream.indirect_vreg.gather [hbm4b:s2+s30], $0x80, v2, vm0, $0xb8;
	[tilespmem:$0x1E080] =	vst v63  }
0x5e: {  	_ =	swait.ge [sflag:s3], $0x3000  }
0x5f: {  	[sflag:s3] =	ssyncset.done $0x0  }
0x60: {  	[sflag:s3] =	ssyncadd.s32 $0xFFFFD000  }
0x61: {  	s4 =	simm.s32 $0x3080;
	[tilespmem:$0x0] =	vst v9  }
0x62: {  	[tilespmem:s4], [sflag:$0x1] =	stream.indirect_vreg.gather [hbm4b:s0+s30], $0x80, v10, vm0, $0xb8;
	[tilespmem:$0x1E080] =	vst v63  }
0x63: {  	s18 =	simm.s32 $0x3880  }
0x64: {  	[tilespmem:s18], [sflag:$0x1] =	stream.indirect_vreg.gather [hbm4b:s1+s30], $0x80, v10, vm0, $0xb8;
	[tilespmem:$0x1E080] =	vst v63  }
0x65: {  	s19 =	simm.s32 $0x4080  }
0x66: {  	[tilespmem:s19], [sflag:$0x1] =	stream.indirect_vreg.gather [hbm4b:s2+s30], $0x80, v10, vm0, $0xb8;
	[tilespmem:$0x1E080] =	vst v63  }
0x67: {  	s20 =	simm.s32 $0x4880  }
0x68: {  	[tilespmem:s20], [sflag:$0x1] =	stream.indirect_vreg.gather [hbm4b:s0+s30], $0x80, v11, vm0, $0xb8;
	[tilespmem:$0x1E080] =	vst v63  }
0x69: {  	s22 =	simm.s32 $0x5080  }
0x6a: {  	[tilespmem:s22], [sflag:$0x1] =	stream.indirect_vreg.gather [hbm4b:s1+s30], $0x80, v11, vm0, $0xb8;
	[tilespmem:$0x1E080] =	vst v63  }
0x6b: {  	s24 =	simm.s32 $0x5880  }
0x6c: {  	[tilespmem:s24], [sflag:$0x1] =	stream.indirect_vreg.gather [hbm4b:s2+s30], $0x80, v11, vm0, $0xb8;
	[tilespmem:$0x1E080] =	vst v63  }
0x6d: {  	_ =	swait.ge [sflag:s3], $0x3000  }
0x6e: {  	[sflag:s3] =	ssyncset.done $0x0  }
0x6f: {  	[sflag:s3] =	ssyncadd.s32 $0xFFFFD000  }
0x70: {  	s25 =	simm.s32 $0x6080;
	[tilespmem:$0x0] =	vst v3  }
0x71: {  	[tilespmem:s25], [sflag:$0x1] =	stream.indirect_vreg.gather [hbm4b:s0+s30], $0x80, v12, vm0, $0xb8;
	[tilespmem:$0x1E080] =	vst v63  }
0x72: {  	s26 =	simm.s32 $0x6880  }
0x73: {  	[tilespmem:s26], [sflag:$0x1] =	stream.indirect_vreg.gather [hbm4b:s1+s30], $0x80, v12, vm0, $0xb8;
	[tilespmem:$0x1E080] =	vst v63  }
0x74: {  	s28 =	simm.s32 $0x7080  }
0x75: {  	[tilespmem:s28], [sflag:$0x1] =	stream.indirect_vreg.gather [hbm4b:s2+s30], $0x80, v12, vm0, $0xb8;
	[tilespmem:$0x1E080] =	vst v63  }
0x76: {  	s29 =	simm.s32 $0x7880  }
0x77: {  	[tilespmem:s29], [sflag:$0x1] =	stream.indirect_vreg.gather [hbm4b:s0+s30], $0x80, v13, vm0, $0xb8;
	[tilespmem:$0x1E080] =	vst v63  }
0x78: {  	s5 =	simm.s32 $0x8080  }
0x79: {  	[tilespmem:s5], [sflag:$0x1] =	stream.indirect_vreg.gather [hbm4b:s1+s30], $0x80, v13, vm0, $0xb8;
	[tilespmem:$0x1E080] =	vst v63  }
0x7a: {  	s6 =	simm.s32 $0x8880  }
0x7b: {  	[tilespmem:s6], [sflag:$0x1] =	stream.indirect_vreg.gather [hbm4b:s2+s30], $0x80, v13, vm0, $0xb8;
	[tilespmem:$0x1E080] =	vst v63  }
0x7c: {  	_ =	swait.ge [sflag:s3], $0x3000  }
0x7d: {  	[sflag:s3] =	ssyncset.done $0x0  }
0x7e: {  	[sflag:s3] =	ssyncadd.s32 $0xFFFFD000  }
0x7f: {  	s7 =	simm.s32 $0x9080;
	[tilespmem:$0x0] =	vst v4  }
0x80: {  	[tilespmem:s7], [sflag:$0x1] =	stream.indirect_vreg.gather [hbm4b:s0+s30], $0x80, v14, vm0, $0xb8;
	[tilespmem:$0x1E080] =	vst v63  }
0x81: {  	s8 =	simm.s32 $0x9880  }
0x82: {  	[tilespmem:s8], [sflag:$0x1] =	stream.indirect_vreg.gather [hbm4b:s1+s30], $0x80, v14, vm0, $0xb8;
	[tilespmem:$0x1E080] =	vst v63  }
0x83: {  	s9 =	simm.s32 $0xA080  }
0x84: {  	[tilespmem:s9], [sflag:$0x1] =	stream.indirect_vreg.gather [hbm4b:s2+s30], $0x80, v14, vm0, $0xb8;
	[tilespmem:$0x1E080] =	vst v63  }
0x85: {  	s10 =	simm.s32 $0xA880  }
0x86: {  	[tilespmem:s10], [sflag:$0x1] =	stream.indirect_vreg.gather [hbm4b:s0+s30], $0x80, v15, vm0, $0xb8;
	[tilespmem:$0x1E080] =	vst v63  }
0x87: {  	s11 =	simm.s32 $0xB080  }
0x88: {  	[tilespmem:s11], [sflag:$0x1] =	stream.indirect_vreg.gather [hbm4b:s1+s30], $0x80, v15, vm0, $0xb8;
	[tilespmem:$0x1E080] =	vst v63  }
0x89: {  	s12 =	simm.s32 $0xB880  }
0x8a: {  	[tilespmem:s12], [sflag:$0x1] =	stream.indirect_vreg.gather [hbm4b:s2+s30], $0x80, v15, vm0, $0xb8;
	[tilespmem:$0x1E080] =	vst v63  }
0x8b: {  	_ =	swait.ge [sflag:s3], $0x3000  }
0x8c: {  	[sflag:s3] =	ssyncset.done $0x0  }
0x8d: {  	[sflag:s3] =	ssyncadd.s32 $0xFFFFD000  }
0x8e: {  	s13 =	simm.s32 $0xC080;
	[tilespmem:$0x0] =	vst v5  }
0x8f: {  	[tilespmem:s13], [sflag:$0x1] =	stream.indirect_vreg.gather [hbm4b:s0+s30], $0x80, v16, vm0, $0xb8;
	[tilespmem:$0x1E080] =	vst v63  }
0x90: {  	s17 =	simm.s32 $0xC880  }
0x91: {  	[tilespmem:s17], [sflag:$0x1] =	stream.indirect_vreg.gather [hbm4b:s1+s30], $0x80, v16, vm0, $0xb8;
	[tilespmem:$0x1E080] =	vst v63  }
0x92: {  	s18 =	simm.s32 $0xD080  }
0x93: {  	[tilespmem:s18], [sflag:$0x1] =	stream.indirect_vreg.gather [hbm4b:s2+s30], $0x80, v16, vm0, $0xb8;
	[tilespmem:$0x1E080] =	vst v63  }
0x94: {  	s19 =	simm.s32 $0xD880  }
0x95: {  	[tilespmem:s19], [sflag:$0x1] =	stream.indirect_vreg.gather [hbm4b:s0+s30], $0x80, v17, vm0, $0xb8;
	[tilespmem:$0x1E080] =	vst v63  }
0x96: {  	s20 =	simm.s32 $0xE080  }
0x97: {  	[tilespmem:s20], [sflag:$0x1] =	stream.indirect_vreg.gather [hbm4b:s1+s30], $0x80, v17, vm0, $0xb8;
	[tilespmem:$0x1E080] =	vst v63  }
0x98: {  	s22 =	simm.s32 $0xE880  }
0x99: {  	[tilespmem:s22], [sflag:$0x1] =	stream.indirect_vreg.gather [hbm4b:s2+s30], $0x80, v17, vm0, $0xb8;
	[tilespmem:$0x1E080] =	vst v63  }
0x9a: {  	_ =	swait.ge [sflag:s3], $0x3000  }
0x9b: {  	[sflag:s3] =	ssyncset.done $0x0  }
0x9c: {  	[sflag:s3] =	ssyncadd.s32 $0xFFFFD000  }
0x9d: {  	s24 =	simm.s32 $0xF080;
	[tilespmem:$0x0] =	vst v6  }
0x9e: {  	[tilespmem:s24], [sflag:$0x1] =	stream.indirect_vreg.gather [hbm4b:s0+s30], $0x80, v19, vm0, $0xb8;
	[tilespmem:$0x1E080] =	vst v63  }
0x9f: {  	s25 =	simm.s32 $0xF880  }
0xa0: {  	[tilespmem:s25], [sflag:$0x1] =	stream.indirect_vreg.gather [hbm4b:s1+s30], $0x80, v19, vm0, $0xb8;
	[tilespmem:$0x1E080] =	vst v63  }
0xa1: {  	s26 =	simm.s32 $0x10080  }
0xa2: {  	[tilespmem:s26], [sflag:$0x1] =	stream.indirect_vreg.gather [hbm4b:s2+s30], $0x80, v19, vm0, $0xb8;
	[tilespmem:$0x1E080] =	vst v63  }
0xa3: {  	s28 =	simm.s32 $0x10880  }
0xa4: {  	[tilespmem:s28], [sflag:$0x1] =	stream.indirect_vreg.gather [hbm4b:s0+s30], $0x80, v20, vm0, $0xb8;
	[tilespmem:$0x1E080] =	vst v63  }
0xa5: {  	s29 =	simm.s32 $0x11080  }
0xa6: {  	[tilespmem:s29], [sflag:$0x1] =	stream.indirect_vreg.gather [hbm4b:s1+s30], $0x80, v20, vm0, $0xb8;
	[tilespmem:$0x1E080] =	vst v63  }
0xa7: {  	s5 =	simm.s32 $0x11880  }
0xa8: {  	[tilespmem:s5], [sflag:$0x1] =	stream.indirect_vreg.gather [hbm4b:s2+s30], $0x80, v20, vm0, $0xb8;
	[tilespmem:$0x1E080] =	vst v63  }
0xa9: {  	_ =	swait.ge [sflag:s3], $0x3000  }
0xaa: {  	[sflag:s3] =	ssyncset.done $0x0  }
0xab: {  	[sflag:s3] =	ssyncadd.s32 $0xFFFFD000  }
0xac: {  	s6 =	simm.s32 $0x12080;
	[tilespmem:$0x0] =	vst v7  }
0xad: {  	[tilespmem:s6], [sflag:$0x1] =	stream.indirect_vreg.gather [hbm4b:s0+s30], $0x80, v21, vm0, $0xb8;
	[tilespmem:$0x1E080] =	vst v63  }
0xae: {  	s7 =	simm.s32 $0x12880  }
0xaf: {  	[tilespmem:s7], [sflag:$0x1] =	stream.indirect_vreg.gather [hbm4b:s1+s30], $0x80, v21, vm0, $0xb8;
	[tilespmem:$0x1E080] =	vst v63  }
0xb0: {  	s8 =	simm.s32 $0x13080  }
0xb1: {  	[tilespmem:s8], [sflag:$0x1] =	stream.indirect_vreg.gather [hbm4b:s2+s30], $0x80, v21, vm0, $0xb8;
	[tilespmem:$0x1E080] =	vst v63  }
0xb2: {  	_ = 	snop  }
0xb3: {  	[tilespmem:s14], [sflag:$0x1] =	stream.indirect_vreg.gather [hbm4b:s0+s30], $0x80, v22, vm0, $0xb8;
	[tilespmem:$0x1E080] =	vst v63  }
0xb4: {  	s9 =	simm.s32 $0x14080  }
0xb5: {  	[tilespmem:s9], [sflag:$0x1] =	stream.indirect_vreg.gather [hbm4b:s1+s30], $0x80, v22, vm0, $0xb8;
	[tilespmem:$0x1E080] =	vst v63  }
0xb6: {  	s10 =	simm.s32 $0x14880  }
0xb7: {  	[tilespmem:s10], [sflag:$0x1] =	stream.indirect_vreg.gather [hbm4b:s2+s30], $0x80, v22, vm0, $0xb8;
	[tilespmem:$0x1E080] =	vst v63  }
0xb8: {  	_ =	swait.ge [sflag:s3], $0x3000  }
0xb9: {  	[sflag:s3] =	ssyncset.done $0x0  }
0xba: {  	[sflag:s3] =	ssyncadd.s32 $0xFFFFD000  }
0xbb: {  	s11 =	simm.s32 $0x15080;
	[tilespmem:$0x0] =	vst v18  }
0xbc: {  	[tilespmem:s11], [sflag:$0x1] =	stream.indirect_vreg.gather [hbm4b:s0+s30], $0x80, v23, vm0, $0xb8;
	[tilespmem:$0x1E080] =	vst v63  }
0xbd: {  	s12 =	simm.s32 $0x15880  }
0xbe: {  	[tilespmem:s12], [sflag:$0x1] =	stream.indirect_vreg.gather [hbm4b:s1+s30], $0x80, v23, vm0, $0xb8;
	[tilespmem:$0x1E080] =	vst v63  }
0xbf: {  	s13 =	simm.s32 $0x16080  }
0xc0: {  	[tilespmem:s13], [sflag:$0x1] =	stream.indirect_vreg.gather [hbm4b:s2+s30], $0x80, v23, vm0, $0xb8;
	[tilespmem:$0x1E080] =	vst v63  }
0xc1: {  	s17 =	simm.s32 $0x16880  }
0xc2: {  	[tilespmem:s17], [sflag:$0x1] =	stream.indirect_vreg.gather [hbm4b:s0+s30], $0x80, v24, vm0, $0xb8;
	[tilespmem:$0x1E080] =	vst v63  }
0xc3: {  	s18 =	simm.s32 $0x17080  }
0xc4: {  	[tilespmem:s18], [sflag:$0x1] =	stream.indirect_vreg.gather [hbm4b:s1+s30], $0x80, v24, vm0, $0xb8;
	[tilespmem:$0x1E080] =	vst v63  }
0xc5: {  	s19 =	simm.s32 $0x17880  }
0xc6: {  	[tilespmem:s19], [sflag:$0x1] =	stream.indirect_vreg.gather [hbm4b:s2+s30], $0x80, v24, vm0, $0xb8;
	[tilespmem:$0x1E080] =	vst v63  }
0xc7: {  	_ =	swait.ge [sflag:s3], $0x3000  }
0xc8: {  	[sflag:s3] =	ssyncset.done $0x0  }
0xc9: {  	[sflag:s3] =	ssyncadd.s32 $0xFFFFD000  }
0xca: {  	s20 =	simm.s32 $0x18080;
	[tilespmem:$0x0] =	vst v8  }
0xcb: {  	[tilespmem:s20], [sflag:$0x1] =	stream.indirect_vreg.gather [hbm4b:s0+s30], $0x80, v25, vm0, $0xb8;
	[tilespmem:$0x1E080] =	vst v63  }
0xcc: {  	s22 =	simm.s32 $0x18880  }
0xcd: {  	[tilespmem:s22], [sflag:$0x1] =	stream.indirect_vreg.gather [hbm4b:s1+s30], $0x80, v25, vm0, $0xb8;
	[tilespmem:$0x1E080] =	vst v63  }
0xce: {  	s24 =	simm.s32 $0x19080  }
0xcf: {  	[tilespmem:s24], [sflag:$0x1] =	stream.indirect_vreg.gather [hbm4b:s2+s30], $0x80, v25, vm0, $0xb8;
	[tilespmem:$0x1E080] =	vst v63  }
0xd0: {  	s25 =	simm.s32 $0x19880  }
0xd1: {  	[tilespmem:s25], [sflag:$0x1] =	stream.indirect_vreg.gather [hbm4b:s0+s30], $0x80, v26, vm0, $0xb8;
	[tilespmem:$0x1E080] =	vst v63  }
0xd2: {  	s26 =	simm.s32 $0x1A080  }
0xd3: {  	[tilespmem:s26], [sflag:$0x1] =	stream.indirect_vreg.gather [hbm4b:s1+s30], $0x80, v26, vm0, $0xb8;
	[tilespmem:$0x1E080] =	vst v63  }
0xd4: {  	s28 =	simm.s32 $0x1A880  }
0xd5: {  	[tilespmem:s28], [sflag:$0x1] =	stream.indirect_vreg.gather [hbm4b:s2+s30], $0x80, v26, vm0, $0xb8;
	[tilespmem:$0x1E080] =	vst v63  }
0xd6: {  	_ =	swait.ge [sflag:s3], $0x3000  }
0xd7: {  	s29 =	sld [smem:$0x7F7];
	_ =	sdelay $0x2  }
0xd8: {  	p0 =	seq.s32 s29, $0x1  }
.Ltmp0:
0xd9: {  	_ = 	snop;
	(pc) =	sbr.rel @p0 .LBB2_4-.Ltmp0, $3  }
0xda: {  	_ =	sdelay $0x1  }
0xdb: {  	[sflag:s3] =	ssyncset.done $0x0  }
0xdc: {  	[smem:$0x7DC] =	sst s21;
	[sflag:s3] =	ssyncadd.s32 $0xFFFFD000  }
0xdd: {  	s0 =	sld [smem:$0x7F8];
	_ =	sdelay $0x2  }
0xde: {  	p0 =	seq.s32 s0, $0x1  }
.Ltmp1:
0xdf: {  	_ = 	snop;
	(pc) =	sbr.rel @p0 .LBB2_6-.Ltmp1, $1  }
0xe0: {  	_ =	sdelay $0x3  }
0xe1: {  	[spmem:s16] =	stream.linear.scatter [tilespmem:s15], [sflag:$0x3], $0x6000, $0x38;
	[tilespmem:$0x1E080] =	vst v63  }
0xe2: {  	s1 =	simm.s32 $0x3  }
0xe3: {  	_ =	swait.ge [sflag:s1], $0x6000  }
0xe4: {  	s0 =	sld [smem:$0x7EA]  }
0xe5: {  	[sflag:s1] =	ssyncset.done $0x0  }
0xe6: {  	[sflag:s1] =	ssyncadd.s32 $0xFFFFA000  }
0xe7: {  	[spmem:s0] =	stream.linear.scatter [tilespmem:s15], [sflag:$0x3], $0x6000, $0x38;
	[tilespmem:$0x1E080] =	vst v63  }
0xe8: {  	_ =	swait.ge [sflag:s1], $0x6000  }
0xe9: {  	s28 =	sld [smem:$0x7EC]  }
0xea: {  	[sflag:s1] =	ssyncset.done $0x0  }
0xeb: {  	[sflag:s1] =	ssyncadd.s32 $0xFFFFA000  }
0xec: {  	[spmem:s28] =	stream.linear.scatter [tilespmem:s15], [sflag:$0x3], $0x6000, $0x38;
	[tilespmem:$0x1E080] =	vst v63  }
.Ltmp2:
0xed: {  	_ =	swait.ge [sflag:s1], $0x6000;
	(pc) =	sbr.rel .LBB2_5-.Ltmp2, $4  }
0xee: {  	s29 =	sld [smem:$0x7EF]  }
0xef: {  	[sflag:s1] =	ssyncset.done $0x0  }
0xf0: {  	[sflag:s1] =	ssyncadd.s32 $0xFFFFA000  }
0xf1: {  	[spmem:s29] =	stream.linear.scatter [tilespmem:s15], [sflag:$0x3], $0x6000, $0x38;
	[tilespmem:$0x1E080] =	vst v63  }
.LBB2_4:
0xf2: {  	[spmem:s31] =	stream.linear.scatter [tilespmem:s14], [sflag:$0x3], $0x6000, $0x38;
	[tilespmem:$0x1E080] =	vst v63  }
0xf3: {  	s1 =	simm.s32 $0x3  }
0xf4: {  	_ =	swait.ge [sflag:s1], $0x6000  }
0xf5: {  	s0 =	sld [smem:$0x7E2]  }
0xf6: {  	[sflag:s1] =	ssyncset.done $0x0  }
0xf7: {  	[sflag:s1] =	ssyncadd.s32 $0xFFFFA000  }
0xf8: {  	[spmem:s0] =	stream.linear.scatter [tilespmem:s14], [sflag:$0x3], $0x6000, $0x38;
	[tilespmem:$0x1E080] =	vst v63  }
0xf9: {  	_ =	swait.ge [sflag:s1], $0x6000  }
0xfa: {  	s28 =	sld [smem:$0x7E4]  }
0xfb: {  	[sflag:s1] =	ssyncset.done $0x0  }
0xfc: {  	[sflag:s1] =	ssyncadd.s32 $0xFFFFA000  }
0xfd: {  	[spmem:s28] =	stream.linear.scatter [tilespmem:s14], [sflag:$0x3], $0x6000, $0x38;
	[tilespmem:$0x1E080] =	vst v63  }
0xfe: {  	_ =	swait.ge [sflag:s1], $0x6000  }
0xff: {  	s29 =	sld [smem:$0x7E6]  }
0x100: {  	[sflag:s1] =	ssyncset.done $0x0  }
0x101: {  	[sflag:s1] =	ssyncadd.s32 $0xFFFFA000  }
0x102: {  	[spmem:s29] =	stream.linear.scatter [tilespmem:s14], [sflag:$0x3], $0x6000, $0x38;
	[tilespmem:$0x1E080] =	vst v63  }
.LBB2_5:
0x103: {  	_ =	swait.ge [sflag:s1], $0x6000  }
0x104: {  	[sflag:s1] =	ssyncset.done $0x0  }
0x105: {  	[sflag:s1] =	ssyncadd.s32 $0xFFFFA000  }
0x106: {  	s20 =	simm.s32 $0x0;
	[bflag:$0x0] =	sbarrier.arrive $0xFFFF  }
.LBB2_8:
0x107: {  	s1 =	sld [smem:$0x7F5]  }
0x108: {  	s4 =	sld [smem:$0x7E1]  }
0x109: {  	s3 =	sshll.u32 s20, $0x2;
	s0 =	sshll.u32 s20, $0x3;
	s5 =	sld [smem:$0x7E5]  }
0x10a: {  	s26 =	simm.s32 $0x3C;
	p6 =	slt.u32 s20, $0x2;
	s7 =	sld [smem:$0x7E0]  }
0x10b: {  	p3 =	slt.u32 s20, $0x8;
	p4 =	slt.u32 s20, $0xC;
	s2 =	sld [smem:$0x7F1]  }
0x10c: {  	s11 =	sld [smem:$0x7DF];
	p2 =	slt.u32 s20, $0x4;
	s20 =	sadd.s32 $0x1, s20  }
0x10d: {  	p5 =	seq.s32 s3, $0x3C;
	s25 =	simm.s32 @!p6 $0x2;
	[smem:$0x7DB] =	sst s3  }
0x10e: {  	s24 =	sor.u32 s0, s1;
	s0 =	sld [smem:$0x7E3];
	s13 =	sadd.s32 s2, s3  }
0x10f: {  	s3 =	smov.u32 s31;
	s8 =	sxor.u32 $0x7, s24;
	s14 =	sadd.s32 $0xC, s13  }
0x110: {  	s19 =	sadd.s32 $0x4, s13;
	s18 =	sand.u32 $0xC, s13;
	s15 =	smul.u32 $0x60000, s8  }
0x111: {  	s16 =	ssub.s32 $0x47, s8;
	s14 =	sand.u32 $0xC, s14;
	s17 =	ssub.s32 $0x67, s8  }
0x112: {  	p1 =	sgt.u32 s8, $0x3E;
	p0 =	sgt.u32 s8, $0x7E;
	s21 =	sand.u32 $0xC, s19  }
0x113: {  	s6 =	ssub.s32 $0x87, s8;
	s22 =	ssub.s32 $0xA7, s8;
	s16 =	sshrl.u32 s16, $0x3  }
0x114: {  	s14 =	smul.u32 $0x6000, s14;
	s17 =	sshrl.u32 s17, $0x3;
	s28 =	sshrl.u32 s6, $0x3  }
0x115: {  	s22 =	sshrl.u32 s22, $0x3;
	s15 =	sshrl.u32 s15, $0x3;
	s16 =	smul.u32 $0x1800, s16  }
0x116: {  	s17 =	smul.u32 $0x1800, s17;
	s31 =	sadd.s32 s23, s15;
	s9 =	sadd.s32 s15, s11  }
0x117: {  	s7 =	sadd.s32 s15, s7;
	s1 =	sadd.s32 s15, s4;
	s13 =	sadd.s32 s15, s5  }
0x118: {  	s4 =	sxor.u32 $0x8, s18;
	s15 =	sadd.s32 s15, s0;
	s14 =	sshrl.u32 s14, $0x2  }
0x119: {  	s18 =	stileid.u32;
	s16 =	simm.s32 @p1 $0x0;
	p1 =	sgt.u32 s8, $0x5E  }
0x11a: {  	s29 =	sadd.s32 $0x8400, s31;
	s19 =	sadd.s32 $0x9C00, s31;
	s11 =	sadd.s32 $0x7800, s31  }
0x11b: {  	s6 =	smul.u32 $0x6000, s4;
	s16 =	sor.u32 $0x80, s16;
	s17 =	simm.s32 @p1 $0x0  }
0x11c: {  	[hbm4b:s31+s30] =	stream.linear.scatter [tilespmem:s16], [sflag:$0x2], $0x6000, $0x38;
	[tilespmem:$0x1E080] =	vst v63  }
0x11d: {  	s16 =	smul.u32 $0x1800, s28;
	s28 =	ssub.s32 $0xC7, s8;
	s10 =	sor.u32 $0x80, s17  }
0x11e: {  	s8 =	sadd.s32 $0xA800, s31;
	s17 =	sadd.s32 $0x6000, s31;
	s0 =	sshrl.u32 s6, $0x2  }
0x11f: {  	s12 =	sshrl.u32 s28, $0x3;
	s28 =	smul.u32 $0x1800, s22;
	s16 =	simm.s32 @p0 $0x0  }
0x120: {  	[hbm4b:s9+s30] =	stream.linear.scatter [tilespmem:s10], [sflag:$0x2], $0x6000, $0x38;
	[tilespmem:$0x1E080] =	vst v63  }
0x121: {  	s22 =	sadd.s32 $0x5400, s31;
	s9 =	smul.u32 $0x6000, s21;
	s16 =	simm.s32 @p2 $0x13800  }
0x122: {  	s0 =	sadd.s32 s0, s3;
	s28 =	simm.s32 @p3 $0x13800;
	s16 =	sor.u32 $0x80, s16  }
0x123: {  	s10 =	sor.u32 $0x80, s28;
	s5 =	sshrl.u32 s9, $0x2;
	s28 =	sadd.s32 s14, s3  }
0x124: {  	[hbm4b:s7+s30] =	stream.linear.scatter [tilespmem:s16], [sflag:$0x2], $0x6000, $0x38;
	[tilespmem:$0x1E080] =	vst v63  }
0x125: {  	s14 =	sshrl.u32 s0, $0x3;
	s7 =	sadd.s32 $0x6C00, s31;
	s16 =	smul.u32 $0x1800, s12  }
0x126: {  	[hbm4b:s1+s30] =	stream.linear.scatter [tilespmem:s10], [sflag:$0x2], $0x6000, $0x38;
	[tilespmem:$0x1E080] =	vst v63  }
.Ltmp3:
0x127: {  	s12 =	sadd.s32 s5, s3;
	s0 =	sshrl.u32 s28, $0x3;
	(pc) =	sbr.rel @p5 .LBB2_9-.Ltmp3, $4  }
0x128: {  	s28 =	sadd.s32 $0x4, s2;
	s16 =	simm.s32 @p4 $0x13800;
	s1 =	sshll.u32 s18, $0x6  }
0x129: {  	s21 =	sshrl.u32 s12, $0x3;
	s16 =	sor.u32 $0x80, s16;
	s5 =	sor.u32 $0x1C02, s1  }
0x12a: {  	[hbm4b:s15+s30] =	stream.linear.scatter [tilespmem:s16], [sflag:$0x2], $0x6000, $0x38;
	[tilespmem:$0x1E080] =	vst v63  }
0x12b: {  	s1 =	sadd.s32 $0x4800, s31;
	s16 =	sadd.s32 $0x9000, s31;
	s15 =	sadd.s32 $0xB400, s31  }
.LBB2_10:
0x12c: {  	[hbm:s13], [sflag:s5] =	dma.local [spmem:s21], $0xC00  }
0x12d: {  	s24 =	sadd.s32 $0x8, s24  }
0x12e: {  	[hbm:s1], [sflag:s5] =	dma.local [spmem:s14], $0xC00  }
0x12f: {  	s4 =	simm.s32 $0x13880;
	s6 =	sxor.u32 $0x7, s24  }
0x130: {  	[hbm:s22], [sflag:s5] =	dma.local [spmem:s0], $0xC00  }
0x131: {  	s26 =	sadd.s32 $0xFFFFFFFC, s26;
	p3 =	slt.u32 s20, $0x8;
	s22 =	ssub.s32 $0x67, s6  }
0x132: {  	[hbm4b:s17+s30] =	stream.linear.scatter [tilespmem:s4], [sflag:$0x2], $0x6000, $0x38;
	[tilespmem:$0x1E080] =	vst v63  }
0x133: {  	p4 =	slt.u32 s20, $0xC;
	s18 =	ssub.s32 $0x47, s6;
	s10 =	sshrl.u32 s22, $0x3  }
0x134: {  	[hbm:s7], [sflag:s5] =	dma.local [spmem:s21], $0xC00  }
0x135: {  	[hbm4b:s11+s30] =	stream.linear.scatter [tilespmem:s4], [sflag:$0x2], $0x6000, $0x38;
	[tilespmem:$0x1E080] =	vst v63  }
0x136: {  	[hbm:s29], [sflag:s5] =	dma.local [spmem:s0], $0xC00  }
0x137: {  	[hbm4b:s16+s30] =	stream.linear.scatter [tilespmem:s4], [sflag:$0x2], $0x6000, $0x38;
	[tilespmem:$0x1E080] =	vst v63  }
0x138: {  	[hbm:s19], [sflag:s5] =	dma.local [spmem:s21], $0xC00  }
0x139: {  	[hbm:s8], [sflag:s5] =	dma.local [spmem:s14], $0xC00  }
0x13a: {  	[hbm:s15], [sflag:s5] =	dma.local [spmem:s0], $0xC00  }
0x13b: {  	p1 =	sgt.u32 s6, $0x3E;
	s10 =	smul.u32 $0x1800, s10;
	_ =	swait.ge @!p6 [sflag:s25], $0xC000  }
0x13c: {  	p0 =	sgt.u32 s6, $0x7E;
	p2 =	sgt.u32 s6, $0x5E;
	s2 =	sld [smem:$0x7DB]  }
0x13d: {  	s17 =	smul.u32 $0x60000, s6;
	s10 =	simm.s32 @p2 $0x0;
	s21 =	sld [smem:$0x7E3]  }
0x13e: {  	s4 =	ssub.s32 $0xA7, s6;
	s10 =	sor.u32 $0x80, s10;
	s1 =	sld [smem:$0x7E1]  }
0x13f: {  	s19 =	sshrl.u32 s18, $0x3;
	s18 =	smov.u32 s23;
	s0 =	sld [smem:$0x7E5]  }
0x140: {  	s3 =	sshrl.u32 s4, $0x3;
	[sflag:s25] =	ssyncset.done @!p6 $0x0;
	s13 =	sld [smem:$0x7E0]  }
0x141: {  	s12 =	sld [smem:$0x7DF];
	[sflag:s25] =	ssyncadd.s32 @!p6 $0xFFFF4000;
	p6 =	slt.u32 s20, $0x2  }
0x142: {  	s25 =	simm.s32 @!p6 $0x2;
	p5 =	seq.s32 s2, s26;
	s15 =	sadd.s32 s28, s2  }
0x143: {  	s2 =	ssub.s32 $0x87, s6;
	s6 =	ssub.s32 $0xC7, s6;
	s14 =	sadd.s32 $0xC, s15  }
0x144: {  	s28 =	sadd.s32 $0x4, s28;
	s31 =	sadd.s32 $0x4, s15;
	s8 =	sand.u32 $0xC, s14  }
0x145: {  	s14 =	sshrl.u32 s17, $0x3;
	s9 =	sand.u32 $0xC, s31;
	s30 =	smul.u32 $0x6000, s8  }
0x146: {  	s8 =	smul.u32 $0x1800, s19;
	s31 =	sadd.s32 s23, s14;
	s16 =	sadd.s32 s14, s12  }
0x147: {  	s12 =	sshrl.u32 s2, $0x3;
	s2 =	sshrl.u32 s6, $0x3;
	s6 =	sadd.s32 s14, s1  }
0x148: {  	s1 =	smul.u32 $0x1800, s3;
	s3 =	sand.u32 $0xC, s15;
	s15 =	simm.s32 $0x0  }
0x149: {  	s29 =	sadd.s32 $0x8400, s31;
	s19 =	sadd.s32 $0x9C00, s31;
	s11 =	sadd.s32 $0x7800, s31  }
0x14a: {  	s7 =	sadd.s32 $0x6C00, s31;
	s17 =	sadd.s32 $0x6000, s31;
	s4 =	smul.u32 $0x1800, s12  }
0x14b: {  	s22 =	sadd.s32 $0x5400, s31;
	s12 =	sadd.s32 s14, s13;
	s2 =	smul.u32 $0x1800, s2  }
0x14c: {  	s13 =	sadd.s32 s14, s0;
	s0 =	smul.u32 $0x6000, s9;
	s3 =	sxor.u32 $0x8, s3  }
0x14d: {  	s8 =	simm.s32 @p1 $0x0;
	p1 =	slt.u32 s20, $0x4;
	s9 =	sshrl.u32 s30, $0x2  }
0x14e: {  	s30 =	simm.s32 $0x0;
	s3 =	smul.u32 $0x6000, s3;
	s1 =	simm.s32 @p3 $0x13800  }
0x14f: {  	s20 =	sadd.s32 $0x1, s20;
	s23 =	sor.u32 $0x80, s8;
	s8 =	sadd.s32 $0xA800, s31  }
0x150: {  	s4 =	simm.s32 @p0 $0x0;
	s2 =	simm.s32 @p4 $0x13800;
	s0 =	sshrl.u32 s0, $0x2  }
0x151: {  	[hbm4b:s31+s15] =	stream.linear.scatter [tilespmem:s23], [sflag:$0x2], $0x6000, $0x38;
	[tilespmem:$0x1E080] =	vst v63  }
0x152: {  	s4 =	simm.s32 @p1 $0x13800;
	s2 =	sor.u32 $0x80, s2;
	s15 =	sor.u32 $0x80, s1  }
0x153: {  	s23 =	sadd.s32 s14, s21;
	s3 =	sshrl.u32 s3, $0x2;
	s14 =	rddreg [dreg:$0x3]  }
0x154: {  	[hbm4b:s16+s30] =	stream.linear.scatter [tilespmem:s10], [sflag:$0x2], $0x6000, $0x38;
	[tilespmem:$0x1E080] =	vst v63  }
0x155: {  	s4 =	sor.u32 $0x80, s4;
	s1 =	sadd.s32 s3, s14;
	s21 =	sadd.s32 s9, s14  }
0x156: {  	[hbm4b:s12+s30] =	stream.linear.scatter [tilespmem:s4], [sflag:$0x2], $0x6000, $0x38;
	[tilespmem:$0x1E080] =	vst v63  }
.Ltmp4:
0x157: {  	s16 =	sadd.s32 s0, s14;
	s14 =	sshrl.u32 s1, $0x3;
	(pc) =	sbr.rel @!p5 .LBB2_10-.Ltmp4, $4  }
0x158: {  	[hbm4b:s6+s30] =	stream.linear.scatter [tilespmem:s15], [sflag:$0x2], $0x6000, $0x38;
	[tilespmem:$0x1E080] =	vst v63  }
0x159: {  	s0 =	sshrl.u32 s21, $0x3;
	s1 =	sadd.s32 $0x4800, s31;
	s21 =	sshrl.u32 s16, $0x3  }
0x15a: {  	[hbm4b:s23+s30] =	stream.linear.scatter [tilespmem:s2], [sflag:$0x2], $0x6000, $0x38;
	[tilespmem:$0x1E080] =	vst v63  }
0x15b: {  	s16 =	sadd.s32 $0x9000, s31;
	s15 =	sadd.s32 $0xB400, s31;
	s23 =	smov.u32 s18  }
0x15c: {  	s31 =	rddreg [dreg:$0x3]  }
.LBB2_12:
0x15d: {  	[hbm:s13], [sflag:s5] =	dma.local [spmem:s21], $0xC00  }
0x15e: {  	s28 =	simm.s32 $0x13880  }
0x15f: {  	[hbm:s1], [sflag:s5] =	dma.local [spmem:s14], $0xC00  }
0x160: {  	[hbm:s22], [sflag:s5] =	dma.local [spmem:s0], $0xC00  }
0x161: {  	[hbm4b:s17+s30] =	stream.linear.scatter [tilespmem:s28], [sflag:$0x2], $0x6000, $0x38;
	[tilespmem:$0x1E080] =	vst v63  }
0x162: {  	[hbm:s7], [sflag:s5] =	dma.local [spmem:s21], $0xC00  }
0x163: {  	[hbm4b:s11+s30] =	stream.linear.scatter [tilespmem:s28], [sflag:$0x2], $0x6000, $0x38;
	[tilespmem:$0x1E080] =	vst v63  }
0x164: {  	[hbm:s29], [sflag:s5] =	dma.local [spmem:s0], $0xC00  }
0x165: {  	[hbm4b:s16+s30] =	stream.linear.scatter [tilespmem:s28], [sflag:$0x2], $0x6000, $0x38;
	[tilespmem:$0x1E080] =	vst v63  }
0x166: {  	[hbm:s19], [sflag:s5] =	dma.local [spmem:s21], $0xC00  }
0x167: {  	[hbm:s8], [sflag:s5] =	dma.local [spmem:s14], $0xC00  }
0x168: {  	[hbm:s15], [sflag:s5] =	dma.local [spmem:s0], $0xC00  }
0x169: {  	_ =	swait.ge @!p6 [sflag:s25], $0xC000  }
0x16a: {  	[sflag:s25] =	ssyncset.done @!p6 $0x0  }
0x16b: {  	s30 =	simm.s32 $0x0;
	s21 =	sld [smem:$0x7DC];
	[sflag:s25] =	ssyncadd.s32 @!p6 $0xFFFF4000  }
0x16c: {  	s14 =	simm.s32 $0x13880;
	s15 =	simm.s32 $0x80;
	s16 =	rddreg [dreg:$0x2]  }
.LBB2_23:
0x16d: {  	s0 =	simm.s32 $0x2  }
0x16e: {  	_ =	swait.ge [sflag:s0], $0xC000  }
0x16f: {  	[sflag:s0] =	ssyncset.done $0x0  }
0x170: {  	[sflag:s0] =	ssyncadd.s32 $0xFFFF4000  }
0x171: {  	_ =	swait.ge [sflag:s0], $0xC000  }
0x172: {  	[sflag:s0] =	ssyncset.done $0x0  }
0x173: {  	[sflag:s0] =	ssyncadd.s32 $0xFFFF4000  }
.LBB2_24:
0x174: {  	s0 =	sld [smem:$0x7EE];
	_ =	sdelay $0x1  }
0x175: {  	s21 =	sadd.s32 $0x1, s21  }
0x176: {  	p0 =	sne.s32 s21, s0  }
.Ltmp5:
0x177: {  	_ = 	snop;
	(pc) =	sbr.rel @p0 .LBB2_1-.Ltmp5, $4  }
.Ltmp6:
0x178: {  	_ = 	snop;
	(pc) =	sbr.rel @!p0 .LBB2_25-.Ltmp6, $4  }
0x179: {  	_ = 	snop  }
0x17a: {  	_ = 	snop  }
0x17b: {  	_ = 	snop  }
0x17c: {  	_ = 	snop  }
.LBB2_6:
0x17d: {  	[bflag:$0x0] =	sbarrier.arrive $0xFFFF  }
0x17e: {  	s0 =	sld [smem:$0x7F9];
	_ =	sdelay $0x2  }
0x17f: {  	p0 =	seq.s32 s0, $0x1  }
.Ltmp7:
0x180: {  	_ = 	snop;
	(pc) =	sbr.rel @p0 .LBB2_16-.Ltmp7, $2  }
0x181: {  	_ =	sdelay $0x2  }
0x182: {  	s18 =	simm.s32 $0x0  }
0x183: {  	s0 =	sld [smem:$0x7FA];
	_ =	sdelay $0x2  }
0x184: {  	p0 =	seq.s32 s0, $0x1  }
.Ltmp8:
0x185: {  	_ = 	snop;
	(pc) =	sbr.rel @p0 .LBB2_8-.Ltmp8, $2  }
0x186: {  	_ =	sdelay $0x2  }
0x187: {  	s20 =	sld [smem:$0x7FC]  }
0x188: {  	s11 =	sld [smem:$0x7F4]  }
0x189: {  	s19 =	sld [smem:$0x7F2]  }
0x18a: {  	s8 =	rddreg [dreg:$0x1b]  }
0x18b: {  	s20 =	sld [smem:$0x7F3];
	s8 =	sadd.s32 $0x0, s8  }
0x18c: {  	s24 =	simm.s32 $0x60000;
	s29 =	simm.s32 $0x0;
	s12 =	sadd.s32 $0xC00, s8  }
0x18d: {  	s13 =	sadd.s32 $0x1800, s8;
	s17 =	sadd.s32 $0x2400, s8;
	s21 =	sadd.s32 $0x3000, s8  }
0x18e: {  	s0 =	sadd.s32 $0xFFFFFFC0, s11;
	s1 =	sadd.s32 $0xFFFFFFF4, s19;
	p0 =	sgt.s32 s20, $0x77  }
0x18f: {  	p1 =	slt.s32 s20, $0x19;
	s2 =	sadd.s32 $0xFFFFFFF8, s19;
	s3 =	sadd.s32 $0xFFFFFF60, s11  }
0x190: {  	s4 =	sadd.s32 $0xFFFFFF80, s11;
	s26 =	sadd.s32 $0xFFFFFFF8, s11;
	s0 =	sshrl.u32 s0, $0x3  }
0x191: {  	s10 =	sadd.s32 $0xFFFFFFA0, s11;
	s9 =	sand.u32 $0xC, s1;
	s7 =	smul.u32 $0x1800, s0  }
0x192: {  	s5 =	sadd.s32 $0x4, s19;
	s2 =	sand.u32 $0xC, s2;
	s1 =	smul.u32 $0x6000, s9  }
0x193: {  	s22 =	sadd.s32 $0xFFFFFFE0, s11;
	s3 =	sshrl.u32 s3, $0x3;
	s2 =	smul.u32 $0x6000, s2  }
0x194: {  	s4 =	sshrl.u32 s4, $0x3;
	s0 =	sxor.u32 $0x8, s9;
	s3 =	smul.u32 $0x1800, s3  }
0x195: {  	s0 =	smul.u32 $0x6000, s0;
	s7 =	simm.s32 @p0 $0x0;
	s1 =	sshrl.u32 s1, $0x2  }
0x196: {  	s2 =	sshrl.u32 s2, $0x2;
	p0 =	sgt.s32 s20, $0x37;
	s7 =	simm.s32 @p1 $0x13800  }
0x197: {  	s1 =	sadd.s32 s1, s16;
	s0 =	sshrl.u32 s0, $0x2;
	p1 =	sgt.s32 s20, $0x17  }
0x198: {  	s9 =	sadd.s32 s2, s16;
	s2 =	sadd.s32 s2, s31;
	s6 =	sadd.s32 s0, s16  }
0x199: {  	s28 =	sadd.s32 s0, s31;
	s0 =	smul.u32 $0x1800, s4;
	s3 =	simm.s32 @p1 $0x0  }
0x19a: {  	s4 =	sshrl.u32 s10, $0x3;
	s9 =	sshrl.u32 s9, $0x3;
	s1 =	sshrl.u32 s1, $0x3  }
0x19b: {  	s10 =	stileid.u32;
	s3 =	sor.u32 $0x80, s3;
	s4 =	smul.u32 $0x1800, s4  }
0x19c: {  	s10 =	sshll.u32 s10, $0x6;
	s0 =	simm.s32 @p0 $0x0;
	p0 =	sgt.s32 s20, $0x57  }
0x19d: {  	s6 =	sshrl.u32 s6, $0x3;
	s25 =	sor.u32 $0x1C02, s10;
	s4 =	simm.s32 @p0 $0x0  }
0x19e: {  	[hbm:s8], [sflag:s25] =	dma.local [spmem:s1], $0xC00  }
0x19f: {  	s1 =	sshrl.u32 s11, $0x3;
	s0 =	sor.u32 $0x80, s0;
	s11 =	sshrl.u32 s22, $0x3  }
0x1a0: {  	[hbm:s12], [sflag:s25] =	dma.local [spmem:s9], $0xC00  }
0x1a1: {  	[hbm:s13], [sflag:s25] =	dma.local [spmem:s6], $0xC00  }
0x1a2: {  	[hbm4b:s17+s30] =	stream.linear.scatter [tilespmem:s3], [sflag:$0x2], $0x6000, $0x38;
	[tilespmem:$0x1E080] =	vst v63  }
0x1a3: {  	s8 =	sadd.s32 $0x3C00, s8;
	p0 =	slt.s32 s20, $0x39;
	s12 =	rddreg [dreg:$0x1e]  }
0x1a4: {  	s22 =	sor.u32 $0x80, s7;
	s13 =	sor.u32 $0x80, s4;
	s17 =	rddreg [dreg:$0x1c]  }
0x1a5: {  	[hbm4b:s21+s30] =	stream.linear.scatter [tilespmem:s0], [sflag:$0x2], $0x6000, $0x38;
	[tilespmem:$0x1E080] =	vst v63  }
0x1a6: {  	s3 =	smul.u32 $0x1800, s11;
	s11 =	sshrl.u32 s2, $0x3;
	s4 =	sadd.s32 $0x0, s17  }
0x1a7: {  	[hbm4b:s8+s30] =	stream.linear.scatter [tilespmem:s13], [sflag:$0x2], $0x6000, $0x38;
	[tilespmem:$0x1E080] =	vst v63  }
0x1a8: {  	s0 =	smul.u32 $0x1800, s1;
	s21 =	rddreg [dreg:$0x1d];
	s3 =	simm.s32 @p0 $0x13800  }
0x1a9: {  	[hbm4b:s4+s30] =	stream.linear.scatter [tilespmem:s22], [sflag:$0x2], $0x6000, $0x38;
	[tilespmem:$0x1E080] =	vst v63  }
0x1aa: {  	p0 =	slt.s32 s20, $0x59;
	s3 =	sor.u32 $0x80, s3;
	s1 =	sadd.s32 $0x0, s21  }
0x1ab: {  	[hbm4b:s1+s30] =	stream.linear.scatter [tilespmem:s3], [sflag:$0x2], $0x6000, $0x38;
	[tilespmem:$0x1E080] =	vst v63  }
0x1ac: {  	s7 =	sadd.s32 $0x0, s12;
	s0 =	simm.s32 @p0 $0x13800;
	s1 =	rddreg [dreg:$0x1f]  }
.LBB2_14:
0x1ad: {  	s0 =	sor.u32 $0x80, s0;
	s17 =	smov.u32 s29  }
0x1ae: {  	s29 =	smov.u32 s24;
	s24 =	sadd.s32 $0x60000, s24;
	s13 =	smov.u32 s18  }
0x1af: {  	s18 =	sadd.s32 $0x1, s18;
	s21 =	sadd.s32 $0xFFFFFFC0, s26;
	s22 =	sshrl.u32 s28, $0x3  }
0x1b0: {  	s20 =	sadd.s32 $0x8, s20;
	s2 =	sadd.s32 $0xFFFFFFF4, s5;
	s4 =	sadd.s32 $0xFFFFFFF8, s5  }
0x1b1: {  	s6 =	sand.u32 $0xC, s19;
	s19 =	smov.u32 s5;
	s10 =	sadd.s32 $0xFFFFFF80, s26  }
0x1b2: {  	[hbm4b:s7+s30] =	stream.linear.scatter [tilespmem:s0], [sflag:$0x2], $0x6000, $0x38;
	[tilespmem:$0x1E080] =	vst v63  }
0x1b3: {  	s5 =	sadd.s32 $0x4, s5;
	p6 =	seq.s32 s24, $0x600000;
	s1 =	sadd.s32 s17, s1  }
0x1b4: {  	s0 =	sshrl.u32 s21, $0x3;
	s7 =	smov.u32 s26;
	s2 =	sand.u32 $0xC, s2  }
0x1b5: {  	[hbm:s1], [sflag:s25] =	dma.local [spmem:s11], $0xC00  }
0x1b6: {  	p0 =	sgt.s32 s20, $0x77;
	s3 =	smul.u32 $0x6000, s2;
	s1 =	sld [smem:$0x7F0]  }
0x1b7: {  	p1 =	slt.s32 s20, $0x19;
	s8 =	smul.u32 $0x1800, s0;
	s2 =	sxor.u32 $0x8, s2  }
0x1b8: {  	s4 =	sand.u32 $0xC, s4;
	s2 =	smul.u32 $0x6000, s2;
	s3 =	sshrl.u32 s3, $0x2  }
0x1b9: {  	s0 =	sadd.s32 s3, s16;
	s3 =	smul.u32 $0x6000, s6;
	s1 =	sadd.s32 s17, s1  }
0x1ba: {  	[hbm:s1], [sflag:s25] =	dma.local [spmem:s22], $0xC00  }
0x1bb: {  	s21 =	sadd.s32 $0xFFFFFF60, s26;
	s26 =	sadd.s32 $0xFFFFFFF8, s26;
	s1 =	sld [smem:$0x7ED]  }
0x1bc: {  	p2 =	sgt.s32 s20, $0x17;
	s2 =	sshrl.u32 s2, $0x2;
	s9 =	sshrl.u32 s3, $0x2  }
0x1bd: {  	s28 =	sadd.s32 s2, s31;
	s22 =	sadd.s32 s2, s16;
	s2 =	sadd.s32 s9, s31  }
0x1be: {  	s12 =	smul.u32 $0x6000, s4;
	s2 =	sshrl.u32 s2, $0x3;
	s1 =	sadd.s32 s17, s1  }
0x1bf: {  	[hbm:s1], [sflag:s25] =	dma.local [spmem:s2], $0xC00  }
0x1c0: {  	p3 =	slt.s32 s20, $0x59;
	s4 =	sshrl.u32 s21, $0x3;
	s6 =	sld [smem:$0x7EB]  }
0x1c1: {  	s8 =	simm.s32 @p0 $0x0;
	s21 =	sshrl.u32 s12, $0x2;
	s9 =	sld [smem:$0x7E9]  }
0x1c2: {  	p0 =	slt.u32 s13, $0x2;
	s12 =	sadd.s32 $0xFFFFFFA0, s7;
	s8 =	simm.s32 @p1 $0x13800  }
0x1c3: {  	p1 =	sgt.s32 s20, $0x37;
	s13 =	sadd.s32 s21, s16;
	s3 =	sshrl.u32 s10, $0x3  }
0x1c4: {  	s3 =	smul.u32 $0x1800, s3;
	s6 =	sadd.s32 s17, s6;
	s10 =	sadd.s32 s17, s9  }
0x1c5: {  	[hbm4b:s6+s30] =	stream.linear.scatter [tilespmem:s14], [sflag:$0x2], $0x6000, $0x38;
	[tilespmem:$0x1E080] =	vst v63  }
0x1c6: {  	[hbm:s10], [sflag:s25] =	dma.local [spmem:s11], $0xC00  }
0x1c7: {  	s12 =	sshrl.u32 s12, $0x3;
	s1 =	smul.u32 $0x1800, s4;
	s4 =	sld [smem:$0x7E8]  }
0x1c8: {  	s21 =	sadd.s32 s21, s31;
	s3 =	simm.s32 @p1 $0x0;
	s11 =	sld [smem:$0x7E7]  }
0x1c9: {  	p1 =	sgt.s32 s20, $0x57;
	s3 =	sor.u32 $0x80, s3;
	s1 =	simm.s32 @p2 $0x0  }
0x1ca: {  	p2 =	slt.s32 s20, $0x39;
	s1 =	sor.u32 $0x80, s1;
	s10 =	simm.s32 @!p0 $0x2  }
0x1cb: {  	s4 =	sadd.s32 s17, s4;
	s6 =	sadd.s32 s17, s11;
	s11 =	sshrl.u32 s7, $0x3  }
0x1cc: {  	[hbm4b:s4+s30] =	stream.linear.scatter [tilespmem:s14], [sflag:$0x2], $0x6000, $0x38;
	[tilespmem:$0x1E080] =	vst v63  }
0x1cd: {  	s17 =	sshrl.u32 s0, $0x3;
	s7 =	sadd.s32 $0xFFFFFFE0, s7;
	s0 =	smul.u32 $0x1800, s11  }
0x1ce: {  	[hbm:s6], [sflag:s25] =	dma.local [spmem:s2], $0xC00  }
0x1cf: {  	s4 =	sshrl.u32 s13, $0x3;
	s2 =	smul.u32 $0x1800, s12;
	_ =	swait.ge @!p0 [sflag:s10], $0xC000  }
0x1d0: {  	s7 =	sshrl.u32 s7, $0x3;
	s0 =	simm.s32 @p3 $0x13800;
	[sflag:s10] =	ssyncset.done @!p0 $0x0  }
0x1d1: {  	s13 =	rddreg [dreg:$0x1b];
	s2 =	simm.s32 @p1 $0x0;
	[sflag:s10] =	ssyncadd.s32 @!p0 $0xFFFF4000  }
0x1d2: {  	s10 =	sshrl.u32 s22, $0x3;
	s6 =	sadd.s32 s29, s13;
	s2 =	sor.u32 $0x80, s2  }
0x1d3: {  	[hbm:s6], [sflag:s25] =	dma.local [spmem:s17], $0xC00  }
0x1d4: {  	s13 =	sadd.s32 $0xC00, s6;
	s12 =	sadd.s32 $0x1800, s6;
	s17 =	sadd.s32 $0x2400, s6  }
0x1d5: {  	[hbm:s13], [sflag:s25] =	dma.local [spmem:s4], $0xC00  }
0x1d6: {  	[hbm:s12], [sflag:s25] =	dma.local [spmem:s10], $0xC00  }
0x1d7: {  	[hbm4b:s17+s30] =	stream.linear.scatter [tilespmem:s1], [sflag:$0x2], $0x6000, $0x38;
	[tilespmem:$0x1E080] =	vst v63  }
0x1d8: {  	s22 =	sadd.s32 $0x3000, s6;
	s11 =	sadd.s32 $0x3C00, s6;
	s10 =	rddreg [dreg:$0x1e]  }
0x1d9: {  	[hbm4b:s22+s30] =	stream.linear.scatter [tilespmem:s3], [sflag:$0x2], $0x6000, $0x38;
	[tilespmem:$0x1E080] =	vst v63  }
0x1da: {  	s4 =	smul.u32 $0x1800, s7;
	s13 =	sor.u32 $0x80, s8;
	s12 =	rddreg [dreg:$0x1c]  }
0x1db: {  	[hbm4b:s11+s30] =	stream.linear.scatter [tilespmem:s2], [sflag:$0x2], $0x6000, $0x38;
	[tilespmem:$0x1E080] =	vst v63  }
.Ltmp9:
0x1dc: {  	s17 =	rddreg [dreg:$0x1d];
	s4 =	simm.s32 @p2 $0x13800;
	(pc) =	sbr.rel @!p6 .LBB2_14-.Ltmp9, $4  }
0x1dd: {  	s1 =	rddreg [dreg:$0x1f];
	s7 =	sadd.s32 s29, s10;
	s3 =	sadd.s32 s29, s12  }
0x1de: {  	[hbm4b:s3+s30] =	stream.linear.scatter [tilespmem:s13], [sflag:$0x2], $0x6000, $0x38;
	[tilespmem:$0x1E080] =	vst v63  }
0x1df: {  	s4 =	sor.u32 $0x80, s4;
	s22 =	sadd.s32 s29, s17;
	s11 =	sshrl.u32 s21, $0x3  }
0x1e0: {  	[hbm4b:s22+s30] =	stream.linear.scatter [tilespmem:s4], [sflag:$0x2], $0x6000, $0x38;
	[tilespmem:$0x1E080] =	vst v63  }
0x1e1: {  	s0 =	sor.u32 $0x80, s0;
	s21 =	sadd.s32 s29, s1  }
0x1e2: {  	[hbm4b:s7+s30] =	stream.linear.scatter [tilespmem:s0], [sflag:$0x2], $0x6000, $0x38;
	[tilespmem:$0x1E080] =	vst v63  }
0x1e3: {  	[hbm:s21], [sflag:s25] =	dma.local [spmem:s11], $0xC00  }
0x1e4: {  	s0 =	sld [smem:$0x7F0];
	_ =	sdelay $0x2  }
0x1e5: {  	s22 =	sshrl.u32 s28, $0x3;
	s24 =	sand.u32 $0xC, s19;
	s0 =	sadd.s32 s29, s0  }
0x1e6: {  	[hbm:s0], [sflag:s25] =	dma.local [spmem:s22], $0xC00  }
0x1e7: {  	s0 =	smul.u32 $0x6000, s24  }
0x1e8: {  	s1 =	sld [smem:$0x7ED]  }
0x1e9: {  	s0 =	sshrl.u32 s0, $0x2  }
0x1ea: {  	s0 =	sadd.s32 s0, s31  }
0x1eb: {  	s1 =	sadd.s32 s29, s1;
	s0 =	sshrl.u32 s0, $0x3  }
0x1ec: {  	[hbm:s1], [sflag:s25] =	dma.local [spmem:s0], $0xC00  }
0x1ed: {  	s1 =	sld [smem:$0x7EB]  }
0x1ee: {  	s2 =	sld [smem:$0x7E9];
	_ =	sdelay $0x2  }
0x1ef: {  	s1 =	sadd.s32 s29, s1;
	s26 =	sadd.s32 s29, s2  }
0x1f0: {  	[hbm4b:s1+s30] =	stream.linear.scatter [tilespmem:s14], [sflag:$0x2], $0x6000, $0x38;
	[tilespmem:$0x1E080] =	vst v63  }
0x1f1: {  	[hbm:s26], [sflag:s25] =	dma.local [spmem:s11], $0xC00  }
0x1f2: {  	s1 =	sld [smem:$0x7E8];
	_ =	sdelay $0x1  }
0x1f3: {  	s28 =	sld [smem:$0x7E7]  }
0x1f4: {  	p0 =	slt.u32 s18, $0x2;
	s1 =	sadd.s32 s29, s1  }
0x1f5: {  	[hbm4b:s1+s30] =	stream.linear.scatter [tilespmem:s14], [sflag:$0x2], $0x6000, $0x38;
	[tilespmem:$0x1E080] =	vst v63  }
.Ltmp10:
0x1f6: {  	s3 =	simm.s32 @!p0 $0x2;
	s2 =	sadd.s32 s29, s28;
	(pc) =	sbr.rel .LBB2_23-.Ltmp10, $4  }
0x1f7: {  	[hbm:s2], [sflag:s25] =	dma.local [spmem:s0], $0xC00  }
0x1f8: {  	_ =	swait.ge @!p0 [sflag:s3], $0xC000  }
0x1f9: {  	[sflag:s3] =	ssyncset.done @!p0 $0x0  }
0x1fa: {  	s21 =	sld [smem:$0x7DC];
	[sflag:s3] =	ssyncadd.s32 @!p0 $0xFFFF4000  }
.LBB2_16:
0x1fb: {  	s0 =	sld [smem:$0x7FB];
	_ =	sdelay $0x2  }
0x1fc: {  	p0 =	seq.s32 s0, $0x1  }
.Ltmp11:
0x1fd: {  	_ = 	snop;
	(pc) =	sbr.rel @!p0 .LBB2_20-.Ltmp11, $1  }
0x1fe: {  	_ =	sdelay $0x3  }
0x1ff: {  	s21 =	sld [smem:$0x7F2]  }
0x200: {  	s12 =	sld [smem:$0x7F4]  }
0x201: {  	s25 =	simm.s32 $0x60000;
	s20 =	sld [smem:$0x7F3]  }
0x202: {  	s4 =	stileid.u32;
	s5 =	rddreg [dreg:$0x5];
	p5 =	por $0x1, $0x1  }
0x203: {  	s28 =	simm.s32 $0x1;
	s4 =	sshll.u32 s4, $0x6;
	s8 =	sadd.s32 $0x0, s5  }
0x204: {  	s22 =	sor.u32 $0x1C02, s4;
	s5 =	sadd.s32 $0x2400, s8;
	s9 =	sadd.s32 $0xC00, s8  }
0x205: {  	s13 =	sadd.s32 $0x3C00, s8;
	s0 =	sadd.s32 $0xFFFFFFF4, s21;
	s2 =	sadd.s32 $0xFFFFFFF8, s21  }
0x206: {  	s3 =	sadd.s32 $0xFFFFFFE0, s12;
	p2 =	slt.s32 s20, $0x19;
	p3 =	sgt.s32 s20, $0x37  }
0x207: {  	s11 =	sadd.s32 $0xFFFFFFA0, s12;
	s6 =	sadd.s32 $0xFFFFFF80, s12;
	s0 =	sand.u32 $0xC, s0  }
0x208: {  	s7 =	sadd.s32 $0xFFFFFFC0, s12;
	s2 =	sand.u32 $0xC, s2;
	s1 =	smul.u32 $0x6000, s0  }
0x209: {  	p0 =	sgt.s32 s20, $0x77;
	s3 =	sshrl.u32 s3, $0x3;
	s2 =	smul.u32 $0x6000, s2  }
0x20a: {  	p1 =	sgt.s32 s20, $0x57;
	s6 =	sshrl.u32 s6, $0x3;
	s29 =	smul.u32 $0x1800, s3  }
0x20b: {  	s14 =	sadd.s32 $0xFFFFFF60, s12;
	s7 =	sshrl.u32 s7, $0x3;
	s6 =	smul.u32 $0x1800, s6  }
0x20c: {  	s19 =	sshrl.u32 s12, $0x3;
	s0 =	sxor.u32 $0x8, s0;
	s17 =	smul.u32 $0x1800, s7  }
0x20d: {  	s3 =	sshrl.u32 s11, $0x3;
	s11 =	sadd.s32 $0x1800, s8;
	s0 =	smul.u32 $0x6000, s0  }
0x20e: {  	s7 =	simm.s32 @!p5 $0x2;
	s3 =	smul.u32 $0x1800, s3;
	s1 =	sshrl.u32 s1, $0x2  }
0x20f: {  	s2 =	sshrl.u32 s2, $0x2;
	s6 =	simm.s32 @p3 $0x0;
	p3 =	slt.s32 s20, $0x59  }
0x210: {  	s0 =	sshrl.u32 s0, $0x2;
	s10 =	sadd.s32 s2, s16;
	s1 =	sadd.s32 s1, s16  }
0x211: {  	s24 =	sadd.s32 s0, s31;
	s0 =	sadd.s32 s0, s16;
	s4 =	sshrl.u32 s10, $0x3  }
0x212: {  	s1 =	sshrl.u32 s1, $0x3;
	s10 =	sadd.s32 $0x3000, s8;
	s0 =	sshrl.u32 s0, $0x3  }
0x213: {  	[hbm:s8], [sflag:s22] =	dma.local [spmem:s1], $0xC00  }
0x214: {  	[hbm:s9], [sflag:s22] =	dma.local [spmem:s4], $0xC00  }
0x215: {  	[hbm:s11], [sflag:s22] =	dma.local [spmem:s0], $0xC00  }
0x216: {  	[hbm4b:s5+s30] =	stream.linear.scatter [tilespmem:s15], [sflag:$0x2], $0x6000, $0x38;
	[tilespmem:$0x1E080] =	vst v63  }
0x217: {  	[hbm:s10], [sflag:s22] =	dma.local [spmem:s1], $0xC00  }
0x218: {  	s17 =	simm.s32 @p0 $0x0;
	p0 =	sgt.s32 s20, $0x17;
	s1 =	rddreg [dreg:$0x6]  }
0x219: {  	[hbm4b:s13+s30] =	stream.linear.scatter [tilespmem:s15], [sflag:$0x2], $0x6000, $0x38;
	[tilespmem:$0x1E080] =	vst v63  }
0x21a: {  	s3 =	simm.s32 @p1 $0x0;
	p1 =	slt.s32 s20, $0x39;
	s1 =	sadd.s32 $0x0, s1  }
0x21b: {  	[hbm:s1], [sflag:s22] =	dma.local [spmem:s0], $0xC00  }
0x21c: {  	s17 =	simm.s32 @p2 $0x13800;
	s29 =	simm.s32 @p1 $0x13800;
	s1 =	rddreg [dreg:$0x7]  }
0x21d: {  	s31 =	sadd.s32 s2, s31;
	s15 =	sshrl.u32 s14, $0x3;
	s0 =	rddreg [dreg:$0xa]  }
0x21e: {  	s11 =	sor.u32 $0x80, s6;
	s2 =	smul.u32 $0x1800, s15;
	s16 =	rddreg [dreg:$0x8]  }
0x21f: {  	s5 =	sadd.s32 $0x4, s21;
	s15 =	smul.u32 $0x1800, s19;
	s26 =	rddreg [dreg:$0x9]  }
0x220: {  	s30 =	simm.s32 $0x0;
	s19 =	sadd.s32 $0xFFFFFFF8, s12;
	s13 =	rddreg [dreg:$0xd]  }
0x221: {  	s2 =	simm.s32 @p0 $0x0;
	s14 =	rddreg [dreg:$0xb];
	s15 =	simm.s32 @p3 $0x13800  }
0x222: {  	s1 =	sadd.s32 $0x0, s1;
	s2 =	sor.u32 $0x80, s2;
	s8 =	sadd.s32 $0x0, s16  }
0x223: {  	[hbm4b:s1+s30] =	stream.linear.scatter [tilespmem:s2], [sflag:$0x2], $0x6000, $0x38;
	[tilespmem:$0x1E080] =	vst v63  }
0x224: {  	s16 =	sadd.s32 $0x0, s26;
	s26 =	smov.u32 s22;
	s1 =	sor.u32 $0x80, s3  }
.LBB2_18:
0x225: {  	[hbm4b:s8+s30] =	stream.linear.scatter [tilespmem:s11], [sflag:$0x2], $0x6000, $0x38;
	[tilespmem:$0x1E080] =	vst v63  }
0x226: {  	s11 =	smov.u32 s25;
	s8 =	smov.u32 s5  }
0x227: {  	s25 =	sadd.s32 $0x60000, s25;
	s2 =	sor.u32 $0x80, s29;
	s3 =	rddreg [dreg:$0xc]  }
0x228: {  	s0 =	sadd.s32 s18, s0;
	s10 =	sor.u32 $0x80, s17;
	s4 =	sshrl.u32 s31, $0x3  }
0x229: {  	s12 =	sadd.s32 $0xFFFFFFF4, s5;
	s6 =	sadd.s32 s18, s14;
	s17 =	sor.u32 $0x80, s15  }
0x22a: {  	s9 =	sadd.s32 $0xFFFFFFF8, s5;
	s20 =	sadd.s32 $0x8, s20;
	s5 =	sadd.s32 $0x4, s5  }
0x22b: {  	[hbm4b:s16+s30] =	stream.linear.scatter [tilespmem:s1], [sflag:$0x2], $0x6000, $0x38;
	[tilespmem:$0x1E080] =	vst v63  }
0x22c: {  	p6 =	sne.s32 s25, $0x600000;
	p3 =	slt.s32 s20, $0x19;
	s1 =	sadd.s32 $0xFFFFFFE0, s19  }
0x22d: {  	p0 =	sgt.s32 s20, $0x37;
	p2 =	sgt.s32 s20, $0x77;
	s1 =	sshrl.u32 s1, $0x3  }
0x22e: {  	[hbm4b:s0+s30] =	stream.linear.scatter [tilespmem:s10], [sflag:$0x2], $0x6000, $0x38;
	[tilespmem:$0x1E080] =	vst v63  }
0x22f: {  	p4 =	slt.s32 s20, $0x59;
	s0 =	sand.u32 $0xC, s12;
	s29 =	smul.u32 $0x1800, s1  }
0x230: {  	s16 =	sadd.s32 s18, s3;
	s3 =	smul.u32 $0x6000, s0;
	s0 =	sxor.u32 $0x8, s0  }
0x231: {  	[hbm4b:s6+s30] =	stream.linear.scatter [tilespmem:s2], [sflag:$0x2], $0x6000, $0x38;
	[tilespmem:$0x1E080] =	vst v63  }
0x232: {  	s10 =	sadd.s32 s18, s13;
	s12 =	sand.u32 $0xC, s21;
	s0 =	smul.u32 $0x6000, s0  }
0x233: {  	[hbm4b:s16+s30] =	stream.linear.scatter [tilespmem:s17], [sflag:$0x2], $0x6000, $0x38;
	[tilespmem:$0x1E080] =	vst v63  }
0x234: {  	[hbm:s10], [sflag:s26] =	dma.local [spmem:s4], $0xC00  }
0x235: {  	s6 =	smul.u32 $0x6000, s12;
	s2 =	sshrl.u32 s3, $0x2;
	s4 =	rddreg [dreg:$0xe]  }
0x236: {  	s3 =	sand.u32 $0xC, s9;
	s9 =	sshrl.u32 s24, $0x3;
	s4 =	sadd.s32 s18, s4  }
0x237: {  	[hbm:s4], [sflag:s26] =	dma.local [spmem:s9], $0xC00  }
0x238: {  	s21 =	sadd.s32 $0xFFFFFFA0, s19;
	s3 =	smul.u32 $0x6000, s3;
	s9 =	rddreg [dreg:$0xf]  }
0x239: {  	s13 =	sshrl.u32 s0, $0x2;
	s6 =	sshrl.u32 s6, $0x2;
	s16 =	rddreg [dreg:$0x3]  }
0x23a: {  	s0 =	sshrl.u32 s3, $0x2;
	s10 =	rddreg [dreg:$0x2];
	s24 =	sadd.s32 s13, s16  }
0x23b: {  	s14 =	sadd.s32 s6, s16;
	s15 =	sadd.s32 s0, s10;
	s9 =	sadd.s32 s18, s9  }
0x23c: {  	s2 =	sadd.s32 s2, s10;
	s4 =	sadd.s32 s13, s10;
	s18 =	sadd.s32 $0xFFFFFF80, s19  }
0x23d: {  	s31 =	sadd.s32 s0, s16;
	s3 =	sshrl.u32 s14, $0x3;
	s6 =	sshrl.u32 s15, $0x3  }
0x23e: {  	[hbm:s9], [sflag:s26] =	dma.local [spmem:s3], $0xC00  }
0x23f: {  	s4 =	sshrl.u32 s4, $0x3;
	s2 =	sshrl.u32 s2, $0x3;
	s9 =	sshrl.u32 s21, $0x3  }
0x240: {  	s26 =	sadd.s32 $0xFFFFFFC0, s19;
	s3 =	sshrl.u32 s18, $0x3;
	_ =	swait.ge @!p5 [sflag:s7], $0xC000  }
0x241: {  	s13 =	sshrl.u32 s26, $0x3;
	s14 =	smul.u32 $0x1800, s9;
	[sflag:s7] =	ssyncset.done @!p5 $0x0  }
0x242: {  	s26 =	simm.s32 $0x80;
	s17 =	rddreg [dreg:$0x5];
	[sflag:s7] =	ssyncadd.s32 @!p5 $0xFFFF4000  }
0x243: {  	s1 =	sadd.s32 s11, s17;
	s7 =	smul.u32 $0x1800, s3;
	s3 =	sadd.s32 $0xFFFFFF60, s19  }
0x244: {  	p5 =	slt.u32 s28, $0x2;
	s28 =	sadd.s32 $0x1, s28;
	s12 =	sadd.s32 $0x2400, s1  }
0x245: {  	s17 =	sadd.s32 $0xC00, s1;
	s18 =	sadd.s32 $0x3000, s1;
	s21 =	sadd.s32 $0x1800, s1  }
0x246: {  	[hbm:s1], [sflag:s22] =	dma.local [spmem:s2], $0xC00  }
0x247: {  	[hbm:s17], [sflag:s22] =	dma.local [spmem:s6], $0xC00  }
0x248: {  	s1 =	sadd.s32 $0x3C00, s1;
	s7 =	simm.s32 @p0 $0x0;
	p0 =	sgt.s32 s20, $0x57  }
0x249: {  	s17 =	smul.u32 $0x1800, s13;
	s6 =	sshrl.u32 s19, $0x3;
	s19 =	sadd.s32 $0xFFFFFFF8, s19  }
0x24a: {  	[hbm:s21], [sflag:s22] =	dma.local [spmem:s4], $0xC00  }
0x24b: {  	s14 =	simm.s32 @p0 $0x0;
	p0 =	slt.s32 s20, $0x39;
	s21 =	smov.u32 s8  }
0x24c: {  	[hbm4b:s12+s30] =	stream.linear.scatter [tilespmem:s26], [sflag:$0x2], $0x6000, $0x38;
	[tilespmem:$0x1E080] =	vst v63  }
0x24d: {  	[hbm:s18], [sflag:s22] =	dma.local [spmem:s2], $0xC00  }
0x24e: {  	s15 =	smul.u32 $0x1800, s6;
	s17 =	simm.s32 @p2 $0x0;
	s2 =	rddreg [dreg:$0x6]  }
0x24f: {  	[hbm4b:s1+s30] =	stream.linear.scatter [tilespmem:s26], [sflag:$0x2], $0x6000, $0x38;
	[tilespmem:$0x1E080] =	vst v63  }
0x250: {  	s29 =	simm.s32 @p0 $0x13800;
	p0 =	sgt.s32 s20, $0x17;
	s2 =	sadd.s32 s11, s2  }
0x251: {  	[hbm:s2], [sflag:s22] =	dma.local [spmem:s4], $0xC00  }
0x252: {  	s17 =	simm.s32 @p3 $0x13800;
	s18 =	smov.u32 s11;
	s9 =	rddreg [dreg:$0x7]  }
0x253: {  	s15 =	simm.s32 @p4 $0x13800;
	s1 =	sshrl.u32 s3, $0x3;
	s0 =	rddreg [dreg:$0xa]  }
0x254: {  	s26 =	smov.u32 s22;
	s1 =	smul.u32 $0x1800, s1;
	s4 =	rddreg [dreg:$0x8]  }
.Ltmp12:
0x255: {  	s11 =	sor.u32 $0x80, s7;
	s10 =	rddreg [dreg:$0x9];
	(pc) =	sbr.rel @p6 .LBB2_18-.Ltmp12, $4  }
0x256: {  	s7 =	simm.s32 @!p5 $0x2;
	s1 =	simm.s32 @p0 $0x0;
	s13 =	rddreg [dreg:$0xd]  }
0x257: {  	s3 =	sadd.s32 s18, s9;
	s12 =	sor.u32 $0x80, s1;
	s8 =	sadd.s32 s18, s4  }
0x258: {  	s16 =	sadd.s32 s18, s10;
	s1 =	sor.u32 $0x80, s14;
	s14 =	rddreg [dreg:$0xb]  }
0x259: {  	[hbm4b:s3+s30] =	stream.linear.scatter [tilespmem:s12], [sflag:$0x2], $0x6000, $0x38;
	[tilespmem:$0x1E080] =	vst v63  }
0x25a: {  	[hbm4b:s8+s30] =	stream.linear.scatter [tilespmem:s11], [sflag:$0x2], $0x6000, $0x38;
	[tilespmem:$0x1E080] =	vst v63  }
0x25b: {  	_ = 	snop  }
0x25c: {  	[hbm4b:s16+s30] =	stream.linear.scatter [tilespmem:s1], [sflag:$0x2], $0x6000, $0x38;
	[tilespmem:$0x1E080] =	vst v63  }
0x25d: {  	s11 =	rddreg [dreg:$0xc];
	s0 =	sadd.s32 s18, s0;
	s2 =	sor.u32 $0x80, s17  }
0x25e: {  	[hbm4b:s0+s30] =	stream.linear.scatter [tilespmem:s2], [sflag:$0x2], $0x6000, $0x38;
	[tilespmem:$0x1E080] =	vst v63  }
0x25f: {  	s12 =	sor.u32 $0x80, s29;
	s14 =	sadd.s32 s18, s14;
	s17 =	sor.u32 $0x80, s15  }
0x260: {  	[hbm4b:s14+s30] =	stream.linear.scatter [tilespmem:s12], [sflag:$0x2], $0x6000, $0x38;
	[tilespmem:$0x1E080] =	vst v63  }
0x261: {  	s19 =	sshrl.u32 s31, $0x3;
	s20 =	sadd.s32 s18, s13;
	s16 =	sadd.s32 s18, s11  }
0x262: {  	[hbm4b:s16+s30] =	stream.linear.scatter [tilespmem:s17], [sflag:$0x2], $0x6000, $0x38;
	[tilespmem:$0x1E080] =	vst v63  }
0x263: {  	[hbm:s20], [sflag:s26] =	dma.local [spmem:s19], $0xC00  }
0x264: {  	s22 =	sand.u32 $0xC, s21;
	s0 =	rddreg [dreg:$0xe]  }
0x265: {  	s25 =	sshrl.u32 s24, $0x3;
	s1 =	smul.u32 $0x6000, s22;
	s0 =	sadd.s32 s18, s0  }
0x266: {  	[hbm:s0], [sflag:s26] =	dma.local [spmem:s25], $0xC00  }
0x267: {  	s1 =	sshrl.u32 s1, $0x2;
	s31 =	rddreg [dreg:$0x3]  }
0x268: {  	s0 =	rddreg [dreg:$0xf];
	s1 =	sadd.s32 s1, s31  }
0x269: {  	s0 =	sadd.s32 s18, s0;
	s1 =	sshrl.u32 s1, $0x3  }
0x26a: {  	[hbm:s0], [sflag:s26] =	dma.local [spmem:s1], $0xC00  }
0x26b: {  	_ =	swait.ge @!p5 [sflag:s7], $0xC000  }
0x26c: {  	[sflag:s7] =	ssyncset.done @!p5 $0x0  }
0x26d: {  	s28 =	simm.s32 $0x2;
	[sflag:s7] =	ssyncadd.s32 @!p5 $0xFFFF4000  }
0x26e: {  	_ =	swait.ge [sflag:s28], $0xC000  }
0x26f: {  	[sflag:s28] =	ssyncset.done $0x0  }
0x270: {  	[sflag:s28] =	ssyncadd.s32 $0xFFFF4000  }
0x271: {  	_ =	swait.ge [sflag:s28], $0xC000  }
0x272: {  	s29 =	sld [smem:$0x7FD];
	_ =	sdelay $0x2  }
0x273: {  	p0 =	seq.s32 s29, $0x1  }
.Ltmp13:
0x274: {  	_ = 	snop;
	(pc) =	sbr.rel @p0 .LBB2_24-.Ltmp13, $4  }
0x275: {  	_ = 	snop  }
0x276: {  	[sflag:s28] =	ssyncset.done $0x0  }
0x277: {  	s15 =	simm.s32 $0x80;
	s21 =	sld [smem:$0x7DC];
	[sflag:s28] =	ssyncadd.s32 $0xFFFF4000  }
0x278: {  	s14 =	simm.s32 $0x13880;
	s30 =	simm.s32 $0x0;
	s16 =	rddreg [dreg:$0x2]  }
.LBB2_20:
0x279: {  	s7 =	sld [smem:$0x7F2]  }
0x27a: {  	s4 =	rddreg [dreg:$0x10];
	s5 =	stileid.u32  }
0x27b: {  	s5 =	sshll.u32 s5, $0x6;
	s12 =	sadd.s32 $0x0, s4  }
0x27c: {  	s5 =	sor.u32 $0x1C02, s5;
	s0 =	sadd.s32 $0xFFFFFFF4, s7;
	s2 =	sand.u32 $0xC, s7  }
0x27d: {  	s3 =	sadd.s32 $0xFFFFFFF8, s7;
	s0 =	sand.u32 $0xC, s0;
	s2 =	smul.u32 $0x6000, s2  }
0x27e: {  	s13 =	sadd.s32 $0xC00, s12;
	s3 =	sand.u32 $0xC, s3;
	s1 =	smul.u32 $0x6000, s0  }
0x27f: {  	s4 =	sadd.s32 $0x1800, s12;
	s0 =	sxor.u32 $0x8, s0;
	s3 =	smul.u32 $0x6000, s3  }
0x280: {  	s17 =	sadd.s32 $0x2400, s12;
	s18 =	sadd.s32 $0x3000, s12;
	s0 =	smul.u32 $0x6000, s0  }
0x281: {  	s2 =	sshrl.u32 s2, $0x2;
	s1 =	sshrl.u32 s1, $0x2;
	s3 =	sshrl.u32 s3, $0x2  }
0x282: {  	s2 =	sadd.s32 s2, s16;
	s0 =	sshrl.u32 s0, $0x2;
	s1 =	sadd.s32 s1, s16  }
0x283: {  	s3 =	sadd.s32 s3, s16;
	s14 =	sshrl.u32 s2, $0x3;
	s0 =	sadd.s32 s0, s16  }
0x284: {  	s8 =	sshrl.u32 s1, $0x3;
	s3 =	sshrl.u32 s3, $0x3;
	s28 =	sshrl.u32 s0, $0x3  }
0x285: {  	[hbm:s12], [sflag:s5] =	dma.local [spmem:s8], $0xC00  }
0x286: {  	[hbm:s13], [sflag:s5] =	dma.local [spmem:s3], $0xC00  }
0x287: {  	[hbm:s4], [sflag:s5] =	dma.local [spmem:s28], $0xC00  }
0x288: {  	[hbm:s17], [sflag:s5] =	dma.local [spmem:s14], $0xC00  }
0x289: {  	[hbm:s18], [sflag:s5] =	dma.local [spmem:s8], $0xC00  }
0x28a: {  	s1 =	sadd.s32 $0x3C00, s12;
	s19 =	rddreg [dreg:$0x11]  }
0x28b: {  	[hbm4b:s1+s30] =	stream.linear.scatter [tilespmem:s15], [sflag:$0x2], $0x6000, $0x38;
	[tilespmem:$0x1E080] =	vst v63  }
0x28c: {  	s9 =	sld [smem:$0x7F3];
	s0 =	sadd.s32 $0x0, s19  }
0x28d: {  	[hbm:s0], [sflag:s5] =	dma.local [spmem:s28], $0xC00  }
0x28e: {  	s24 =	simm.s32 $0x60000;
	s25 =	sld [smem:$0x7F6]  }
0x28f: {  	p5 =	por $0x1, $0x1;
	s18 =	simm.s32 $0x0;
	p6 =	slt.s32 s9, $0x19  }
0x290: {  	p0 =	slt.s32 s9, $0x39;
	s19 =	sadd.s32 $0x8, s9;
	s22 =	rddreg [dreg:$0x12]  }
0x291: {  	p4 =	sgt.s32 s9, $0x17;
	s1 =	rddreg [dreg:$0x13];
	s20 =	sshrl.u32 s25, $0x3  }
0x292: {  	s14 =	sadd.s32 $0x0, s22;
	s26 =	sadd.s32 $0xFFFFFFC0, s25;
	s4 =	smul.u32 $0x1800, s20  }
0x293: {  	s13 =	sadd.s32 $0xFFFFFFA0, s25;
	s6 =	sadd.s32 $0xFFFFFF80, s25;
	s0 =	sshrl.u32 s26, $0x3  }
0x294: {  	s11 =	sshrl.u32 s6, $0x3;
	s20 =	sadd.s32 $0x4, s7;
	s4 =	simm.s32 @p0 $0x13800  }
0x295: {  	s7 =	smov.u32 s9;
	s26 =	simm.s32 $0x0;
	s29 =	sor.u32 $0x80, s4  }
.LBB2_21:
0x296: {  	s1 =	sadd.s32 s18, s1;
	s2 =	smul.u32 $0x1800, s11  }
0x297: {  	[hbm4b:s14+s30] =	stream.linear.scatter [tilespmem:s15], [sflag:$0x2], $0x6000, $0x38;
	[tilespmem:$0x1E080] =	vst v63  }
0x298: {  	s17 =	simm.s32 @!p5 $0x2;
	s11 =	smov.u32 s24;
	s3 =	sadd.s32 $0xFFFFFFF4, s20  }
0x299: {  	s24 =	sadd.s32 $0x60000, s24;
	s4 =	sshrl.u32 s13, $0x3;
	s14 =	sand.u32 $0xC, s20  }
0x29a: {  	s9 =	sadd.s32 $0xFFFFFFF8, s20;
	p0 =	sgt.s32 s7, $0x37;
	s0 =	smul.u32 $0x1800, s0  }
0x29b: {  	s12 =	sadd.s32 $0xFFFFFFE0, s25;
	s26 =	sadd.s32 $0x1, s26;
	s25 =	sadd.s32 $0xFFFFFFF8, s25  }
0x29c: {  	[hbm:s1], [sflag:s5] =	dma.local [spmem:s8], $0xC00  }
0x29d: {  	s20 =	sadd.s32 $0x4, s20;
	s4 =	smul.u32 $0x1800, s4;
	s3 =	sand.u32 $0xC, s3  }
0x29e: {  	s9 =	sand.u32 $0xC, s9;
	s1 =	smul.u32 $0x6000, s14;
	p3 =	seq.s32 s24, $0x600000  }
0x29f: {  	s2 =	simm.s32 @p4 $0x0;
	s6 =	rddreg [dreg:$0x15];
	s22 =	smul.u32 $0x6000, s3  }
0x2a0: {  	s10 =	rddreg [dreg:$0x14];
	s3 =	sxor.u32 $0x8, s3;
	s9 =	smul.u32 $0x6000, s9  }
0x2a1: {  	s2 =	sor.u32 $0x80, s2;
	s4 =	simm.s32 @p0 $0x0;
	p0 =	sgt.s32 s7, $0x57  }
0x2a2: {  	s10 =	sadd.s32 s18, s10;
	s6 =	sadd.s32 s18, s6;
	s3 =	smul.u32 $0x6000, s3  }
0x2a3: {  	[hbm4b:s10+s30] =	stream.linear.scatter [tilespmem:s15], [sflag:$0x2], $0x6000, $0x38;
	[tilespmem:$0x1E080] =	vst v63  }
0x2a4: {  	s1 =	sshrl.u32 s1, $0x2;
	s0 =	simm.s32 @p0 $0x0;
	s10 =	sshrl.u32 s12, $0x3  }
0x2a5: {  	p0 =	sgt.s32 s7, $0x77;
	s4 =	sor.u32 $0x80, s4;
	s1 =	sadd.s32 s1, s16  }
0x2a6: {  	[hbm:s6], [sflag:s5] =	dma.local [spmem:s28], $0xC00  }
0x2a7: {  	s0 =	sor.u32 $0x80, s0;
	s10 =	smul.u32 $0x1800, s10;
	s6 =	rddreg [dreg:$0x16]  }
0x2a8: {  	s3 =	sshrl.u32 s3, $0x2;
	s1 =	sshrl.u32 s1, $0x3;
	s12 =	rddreg [dreg:$0x17]  }
0x2a9: {  	s13 =	rddreg [dreg:$0x18];
	s6 =	sadd.s32 s18, s6;
	s10 =	simm.s32 @p0 $0x0  }
0x2aa: {  	s14 =	sadd.s32 s18, s12;
	s7 =	sadd.s32 s18, s13;
	s12 =	sshrl.u32 s9, $0x2  }
0x2ab: {  	[hbm4b:s6+s30] =	stream.linear.scatter [tilespmem:s2], [sflag:$0x2], $0x6000, $0x38;
	[tilespmem:$0x1E080] =	vst v63  }
0x2ac: {  	s2 =	sshrl.u32 s22, $0x2;
	s6 =	rddreg [dreg:$0x1a];
	s10 =	simm.s32 @p6 $0x13800  }
0x2ad: {  	[hbm4b:s14+s30] =	stream.linear.scatter [tilespmem:s4], [sflag:$0x2], $0x6000, $0x38;
	[tilespmem:$0x1E080] =	vst v63  }
0x2ae: {  	s22 =	rddreg [dreg:$0x19];
	p6 =	slt.s32 s19, $0x19;
	s8 =	sor.u32 $0x80, s10  }
0x2af: {  	[hbm4b:s7+s30] =	stream.linear.scatter [tilespmem:s0], [sflag:$0x2], $0x6000, $0x38;
	[tilespmem:$0x1E080] =	vst v63  }
0x2b0: {  	s10 =	sadd.s32 s18, s22;
	s13 =	sadd.s32 s18, s6;
	s2 =	sadd.s32 s2, s16  }
0x2b1: {  	[hbm4b:s10+s30] =	stream.linear.scatter [tilespmem:s8], [sflag:$0x2], $0x6000, $0x38;
	[tilespmem:$0x1E080] =	vst v63  }
0x2b2: {  	s18 =	smov.u32 s11;
	s0 =	sadd.s32 s3, s16;
	s3 =	sadd.s32 s12, s16  }
0x2b3: {  	[hbm4b:s13+s30] =	stream.linear.scatter [tilespmem:s29], [sflag:$0x2], $0x6000, $0x38;
	[tilespmem:$0x1E080] =	vst v63  }
0x2b4: {  	s3 =	sshrl.u32 s3, $0x3;
	s28 =	sshrl.u32 s0, $0x3;
	_ =	swait.ge @!p5 [sflag:s17], $0xC000  }
0x2b5: {  	s8 =	sshrl.u32 s2, $0x3;
	s14 =	rddreg [dreg:$0x10];
	[sflag:s17] =	ssyncset.done @!p5 $0x0  }
0x2b6: {  	s13 =	sadd.s32 $0xFFFFFFA0, s25;
	[sflag:s17] =	ssyncadd.s32 @!p5 $0xFFFF4000;
	s22 =	sadd.s32 s18, s14  }
0x2b7: {  	s14 =	sadd.s32 $0xFFFFFFC0, s25;
	s17 =	sshrl.u32 s25, $0x3;
	p5 =	slt.u32 s26, $0x2  }
0x2b8: {  	s7 =	sadd.s32 $0xC00, s22;
	s4 =	sadd.s32 $0x1800, s22;
	s9 =	sadd.s32 $0x2400, s22  }
0x2b9: {  	[hbm:s22], [sflag:s5] =	dma.local [spmem:s8], $0xC00  }
0x2ba: {  	s10 =	sadd.s32 $0x3000, s22;
	s11 =	sadd.s32 $0x3C00, s22;
	s22 =	sadd.s32 $0xFFFFFF80, s25  }
0x2bb: {  	[hbm:s7], [sflag:s5] =	dma.local [spmem:s3], $0xC00  }
0x2bc: {  	s7 =	smov.u32 s19;
	s19 =	sadd.s32 $0x8, s19;
	s3 =	smul.u32 $0x1800, s17  }
0x2bd: {  	[hbm:s4], [sflag:s5] =	dma.local [spmem:s28], $0xC00  }
0x2be: {  	[hbm:s9], [sflag:s5] =	dma.local [spmem:s1], $0xC00  }
0x2bf: {  	[hbm:s10], [sflag:s5] =	dma.local [spmem:s8], $0xC00  }
0x2c0: {  	[hbm4b:s11+s30] =	stream.linear.scatter [tilespmem:s15], [sflag:$0x2], $0x6000, $0x38;
	[tilespmem:$0x1E080] =	vst v63  }
.Ltmp14:
0x2c1: {  	p0 =	slt.s32 s7, $0x39;
	s0 =	rddreg [dreg:$0x11];
	(pc) =	sbr.rel @!p3 .LBB2_21-.Ltmp14, $4  }
0x2c2: {  	p4 =	sgt.s32 s7, $0x17;
	s3 =	simm.s32 @p0 $0x13800;
	s0 =	sadd.s32 s18, s0  }
0x2c3: {  	[hbm:s0], [sflag:s5] =	dma.local [spmem:s28], $0xC00  }
0x2c4: {  	s29 =	sor.u32 $0x80, s3;
	s11 =	sshrl.u32 s22, $0x3;
	s12 =	rddreg [dreg:$0x12]  }
0x2c5: {  	s0 =	sshrl.u32 s14, $0x3;
	s1 =	rddreg [dreg:$0x13];
	s14 =	sadd.s32 s18, s12  }
0x2c6: {  	[hbm4b:s14+s30] =	stream.linear.scatter [tilespmem:s15], [sflag:$0x2], $0x6000, $0x38;
	[tilespmem:$0x1E080] =	vst v63  }
0x2c7: {  	s1 =	sadd.s32 s18, s1;
	s2 =	smul.u32 $0x1800, s11;
	s4 =	sshrl.u32 s13, $0x3  }
0x2c8: {  	[hbm:s1], [sflag:s5] =	dma.local [spmem:s8], $0xC00  }
0x2c9: {  	s0 =	smul.u32 $0x1800, s0;
	p0 =	sgt.s32 s7, $0x57;
	s1 =	rddreg [dreg:$0x15]  }
0x2ca: {  	s17 =	sadd.s32 $0xFFFFFFE0, s25;
	s4 =	smul.u32 $0x1800, s4;
	s3 =	rddreg [dreg:$0x14]  }
0x2cb: {  	s2 =	simm.s32 @p4 $0x0;
	s0 =	simm.s32 @p0 $0x0;
	p0 =	sgt.s32 s7, $0x37  }
0x2cc: {  	s3 =	sadd.s32 s18, s3;
	s1 =	sadd.s32 s18, s1;
	s13 =	sor.u32 $0x80, s2  }
0x2cd: {  	s4 =	simm.s32 @p0 $0x0;
	s0 =	sor.u32 $0x80, s0;
	p0 =	sgt.s32 s7, $0x77  }
0x2ce: {  	[hbm4b:s3+s30] =	stream.linear.scatter [tilespmem:s15], [sflag:$0x2], $0x6000, $0x38;
	[tilespmem:$0x1E080] =	vst v63  }
0x2cf: {  	[hbm:s1], [sflag:s5] =	dma.local [spmem:s28], $0xC00  }
0x2d0: {  	s3 =	sshrl.u32 s17, $0x3;
	s19 =	sor.u32 $0x80, s4;
	s14 =	rddreg [dreg:$0x16]  }
0x2d1: {  	s3 =	smul.u32 $0x1800, s3;
	s5 =	rddreg [dreg:$0x17];
	s2 =	sadd.s32 s18, s14  }
0x2d2: {  	[hbm4b:s2+s30] =	stream.linear.scatter [tilespmem:s13], [sflag:$0x2], $0x6000, $0x38;
	[tilespmem:$0x1E080] =	vst v63  }
0x2d3: {  	s20 =	rddreg [dreg:$0x18];
	s3 =	simm.s32 @p0 $0x0;
	s22 =	sadd.s32 s18, s5  }
0x2d4: {  	[hbm4b:s22+s30] =	stream.linear.scatter [tilespmem:s19], [sflag:$0x2], $0x6000, $0x38;
	[tilespmem:$0x1E080] =	vst v63  }
0x2d5: {  	s24 =	rddreg [dreg:$0x19];
	s3 =	simm.s32 @p6 $0x13800;
	s2 =	sadd.s32 s18, s20  }
0x2d6: {  	[hbm4b:s2+s30] =	stream.linear.scatter [tilespmem:s0], [sflag:$0x2], $0x6000, $0x38;
	[tilespmem:$0x1E080] =	vst v63  }
0x2d7: {  	s25 =	rddreg [dreg:$0x1a];
	s28 =	sadd.s32 s18, s24;
	s26 =	sor.u32 $0x80, s3  }
0x2d8: {  	[hbm4b:s28+s30] =	stream.linear.scatter [tilespmem:s26], [sflag:$0x2], $0x6000, $0x38;
	[tilespmem:$0x1E080] =	vst v63  }
.Ltmp15:
0x2d9: {  	s1 =	sadd.s32 s18, s25;
	s0 =	simm.s32 @!p5 $0x2;
	(pc) =	sbr.rel .LBB2_23-.Ltmp15, $4  }
0x2da: {  	[hbm4b:s1+s30] =	stream.linear.scatter [tilespmem:s29], [sflag:$0x2], $0x6000, $0x38;
	[tilespmem:$0x1E080] =	vst v63  }
0x2db: {  	_ =	swait.ge @!p5 [sflag:s0], $0xC000  }
0x2dc: {  	[sflag:s0] =	ssyncset.done @!p5 $0x0  }
0x2dd: {  	s14 =	simm.s32 $0x13880;
	[sflag:s0] =	ssyncadd.s32 @!p5 $0xFFFF4000  }
.LBB2_9:
.Ltmp16:
0x2de: {  	(pc) =	sbr.rel .LBB2_12-.Ltmp16, $2  }
0x2df: {  	_ =	sdelay $0x2  }
0x2e0: {  	s31 =	rddreg [dreg:$0x3]  }
.LBB2_25:
0x2e1: {  	_ =	sfence.sel $0x180000  }
0x2e2: {  	[bflag:$0x0] =	sbarrier.arrive $0xFFFF  }
0x2e3: {  	_ =	strace $0x90000047  }
0x2e4: {  	[bflag:$0x2] =	sbarrier.arrive $0xFFFF  }
0x2e5: {  	s1 =	sld [smem:$0x7F8];
	_ =	sdelay $0x2  }
0x2e6: {  	s0 =	rddreg [dreg:$0x4];
	p0 =	seq.s32 s1, $0x1  }
0x2e7: {  	s0 =	sadd.s32 @!p0 $0x100000, s0  }
0x2e8: {  	[sflag:s0] =	ssyncadd.tile.s32 @!p0 $0x1;
	_ =	shalt  }
.Lfunc_end2:
_tile_overlayer_lowered:
.L_overlay_start_2:
0x2e9: {  	(tag) =	ssettag $0x2  }
0x2ea: {  	s0 =	rddreg [dreg:$0x0];
	s2 =	stileid.u32  }
0x2eb: {  	s1 =	rddreg [dreg:$0x1];
	p0 =	sne.s32 s2, $0x0  }
0x2ec: {  	s3 =	rddreg [dreg:$0x2];
	[bflag:$0x3] =	sbarrier.arrive $0xFFFF;
	s2 =	simm.s32 @!p0 $0x1C03  }
0x2ed: {  	[timem:s3], [sflag:s2] =	dma.local @!p0 [hbm:s0], s1  }
0x2ee: {  	s0 =	simm.s32 @!p0 $0x3  }
0x2ef: {  	_ =	swait.ge @!p0 [sflag:s0], s1  }
0x2f0: {  	s1 =	ssub.s32 @!p0 $0x0, s1;
	[sflag:s0] =	ssyncset.done @!p0 $0x0  }
0x2f1: {  	[sflag:s0] =	ssyncadd.s32 @!p0 s1  }
0x2f2: {  	[bflag:$0x3] =	sbarrier.arrive $0xFFFF  }
0x2f3: {  	_ =	shalt  }

</sc_bundles>
